<compile_context>
chip_gen: v7x
topology: tpu7x:2x2x1
jax: 0.10.2.dev20260603
libtpu: 0.0.44.dev20260713+nightly
codegen_flags: <defaults>
</compile_context>

<pallas_src>
import functools

import jax
import jax.numpy as jnp
import numpy as np
from jax import lax
from jax.experimental import pallas as pl
from jax.experimental.pallas import tpu as pltpu
from jax.experimental.pallas import tpu_sc as plsc

H = 8
O = 16
D = 128
N = 10000
E = 320000
NEG_SLOPE = 0.2

EXT = 144
NW = 32
EPW = E // NW
CH = 80
NCHUNK = EPW // CH
ROWS_PER_TILE = N // 16
ZROWS = 25


def _tc_pre_body(x1_ref, x2_ref, w1_ref, b1_ref, w2_ref, b2_ref,
                 al_ref, ar_ref, g_ref, out1_ref, out2_ref):
    h1 = jnp.dot(x1_ref[...], w1_ref[...],
                 preferred_element_type=jnp.float32) + b1_ref[...]
    el = jnp.dot(h1 * al_ref[...], g_ref[...],
                 preferred_element_type=jnp.float32)
    out1_ref[:, :D] = h1
    out1_ref[:, D:] = el
    h2 = jnp.dot(x2_ref[...], w2_ref[...],
                 preferred_element_type=jnp.float32) + b2_ref[...]
    out2_ref[...] = jnp.dot(h2 * ar_ref[...], g_ref[...],
                            preferred_element_type=jnp.float32)


def _tc_post_body(acc_ref, r_ref, out_ref):
    a = acc_ref[0] + acc_ref[1]
    den = a[:, D:D + H]
    inv = jnp.where(den > 0.0, 1.0 / den, 0.0)
    out_ref[...] = a[:, :D] * jnp.dot(inv, r_ref[...],
                                      preferred_element_type=jnp.float32)


def _sc_edge_body(hs_hbm, er_hbm, eidx_hbm, out_hbm,
                  src_a, dst_a, hs_a, er_a, src_b, dst_b, hs_b, er_b,
                  scat_a, scat_b, zbuf, acc_sh,
                  isem_a, isem_b, gsem_a, gsem_b, ssem_a, ssem_b):
    cid = lax.axis_index("c")
    sid = lax.axis_index("s")
    wid = sid * 2 + cid
    ebase = wid * EPW

    def zb(i, _):
        r = i // (EXT // 16)
        k = i - r * (EXT // 16)
        zbuf[r, pl.ds(k * 16, 16)] = jnp.zeros((16,), jnp.float32)
        return 0
    lax.fori_loop(0, ZROWS * (EXT // 16), zb, 0)

    def zcp(k, _):
        pltpu.sync_copy(
            zbuf, acc_sh.at[pl.ds(sid * ROWS_PER_TILE + k * ZROWS, ZROWS)])
        return 0
    lax.fori_loop(0, ROWS_PER_TILE // ZROWS, zcp, 0)
    plsc.subcore_barrier()

    def start_idx(e, sv, dv, isem):
        b = ebase + e * CH
        pltpu.async_copy(eidx_hbm.at[0, pl.ds(b, CH)], sv, isem)
        pltpu.async_copy(eidx_hbm.at[1, pl.ds(b, CH)], dv, isem)

    def drain_idx(sv, dv, isem):
        pltpu.make_async_copy(eidx_hbm.at[0, pl.ds(0, CH)], sv, isem).wait()
        pltpu.make_async_copy(eidx_hbm.at[1, pl.ds(0, CH)], dv, isem).wait()

    def start_gather(sv, dv, hsb, erb, gsem):
        pltpu.async_copy(hs_hbm.at[sv], hsb, gsem)
        pltpu.async_copy(er_hbm.at[dv], erb, gsem)

    def drain_gather(hsb, erb, gsem):
        pltpu.make_async_copy(hs_hbm.at[pl.ds(0, CH)], hsb, gsem).wait()
        pltpu.make_async_copy(er_hbm.at[pl.ds(0, CH)], erb, gsem).wait()

    def compute(hsb, erb):
        def spass(k, _):
            for t in range(4):
                c = 4 * k + t
                ev = hsb[c, pl.ds(D, 16)] + erb[c, :]
                ev = jnp.where(ev >= 0.0, ev, NEG_SLOPE * ev)
                hsb[c, pl.ds(D, 16)] = jnp.exp(ev)
            return 0
        lax.fori_loop(0, CH // 4, spass, 0)

        def mpass(k, _):
            for t in range(2):
                c = 2 * k + t
                sv = hsb[c, pl.ds(D, 16)]
                for j in range(H):
                    hsb[c, pl.ds(j * 16, 16)] = (
                        hsb[c, pl.ds(j * 16, 16)]
                        * jnp.full((16,), sv[j], jnp.float32))
            return 0
        lax.fori_loop(0, CH // 2, mpass, 0)

    def copy_scat_idx(dv, sv_scat):
        for t in range(CH // 16):
            sv_scat[pl.ds(t * 16, 16)] = dv[pl.ds(t * 16, 16)]

    def drain_scatter(hsb, scat, ssem):
        pltpu.make_async_copy(hsb, acc_sh.at[scat], ssem).wait()

    def process(e, cur, nxt):
        (srcv, dstv, hsb, erb, scat, isem, gsem, ssem) = cur
        (src_n, dst_n, hs_n, er_n, scat_n, isem_n, gsem_n, ssem_n) = nxt
        drain_idx(src_n, dst_n, isem_n)

        @pl.when(e > 0)
        def _():
            drain_scatter(hs_n, scat_n, ssem_n)
        start_gather(src_n, dst_n, hs_n, er_n, gsem_n)
        drain_gather(hsb, erb, gsem)
        copy_scat_idx(dstv, scat)

        @pl.when(e + 2 < NCHUNK)
        def _():
            start_idx(e + 2, srcv, dstv, isem)
        compute(hsb, erb)
        pltpu.async_copy(hsb, acc_sh.at[scat], ssem, add=True)

    buf_a = (src_a, dst_a, hs_a, er_a, scat_a, isem_a, gsem_a, ssem_a)
    buf_b = (src_b, dst_b, hs_b, er_b, scat_b, isem_b, gsem_b, ssem_b)

    start_idx(0, src_a, dst_a, isem_a)
    start_idx(1, src_b, dst_b, isem_b)
    drain_idx(src_a, dst_a, isem_a)
    start_gather(src_a, dst_a, hs_a, er_a, gsem_a)

    def pair(j, _):
        process(2 * j, buf_a, buf_b)
        process(2 * j + 1, buf_b, buf_a)
        return 0
    lax.fori_loop(0, NCHUNK // 2, pair, 0)

    drain_scatter(hs_b, scat_b, ssem_b)
    drain_gather(hs_a, er_a, gsem_a)
    copy_scat_idx(dst_a, scat_a)
    compute(hs_a, er_a)
    pltpu.async_copy(hs_a, acc_sh.at[scat_a], ssem_a, add=True)
    drain_scatter(hs_a, scat_a, ssem_a)

    plsc.subcore_barrier()
    pltpu.sync_copy(acc_sh.at[pl.ds(sid * ROWS_PER_TILE, ROWS_PER_TILE)],
                    out_hbm.at[cid, pl.ds(sid * ROWS_PER_TILE, ROWS_PER_TILE)])


def kernel(feat_src, feat_dst, edge_index, W_src, b_src, W_dst, b_dst, attn_src):
    f32 = jnp.float32
    g_np = np.zeros((D, 16), np.float32)
    r_np = np.zeros((H, D), np.float32)
    for h in range(H):
        g_np[h * O:(h + 1) * O, h] = 1.0
        r_np[h, h * O:(h + 1) * O] = 1.0
    G = jnp.asarray(g_np)
    R = jnp.asarray(r_np)
    attn_l = attn_src[:, :O].reshape(1, D)
    attn_r = attn_src[:, O:].reshape(1, D)
    b1 = b_src.reshape(1, D)
    b2 = b_dst.reshape(1, D)

    blk = 1000
    grid = (N // blk,)
    hs_ext, er_pad = pl.pallas_call(
        _tc_pre_body,
        grid=grid,
        in_specs=[
            pl.BlockSpec((blk, D), lambda i: (i, 0)),
            pl.BlockSpec((blk, D), lambda i: (i, 0)),
            pl.BlockSpec((D, D), lambda i: (0, 0)),
            pl.BlockSpec((1, D), lambda i: (0, 0)),
            pl.BlockSpec((D, D), lambda i: (0, 0)),
            pl.BlockSpec((1, D), lambda i: (0, 0)),
            pl.BlockSpec((1, D), lambda i: (0, 0)),
            pl.BlockSpec((1, D), lambda i: (0, 0)),
            pl.BlockSpec((D, 16), lambda i: (0, 0)),
        ],
        out_specs=[
            pl.BlockSpec((blk, EXT), lambda i: (i, 0)),
            pl.BlockSpec((blk, 16), lambda i: (i, 0)),
        ],
        out_shape=[
            jax.ShapeDtypeStruct((N, EXT), f32),
            jax.ShapeDtypeStruct((N, 16), f32),
        ],
    )(feat_src, feat_dst, W_src, b1, W_dst, b2, attn_l, attn_r, G)

    mesh = plsc.VectorSubcoreMesh(core_axis_name="c", subcore_axis_name="s")
    sc_edge = functools.partial(
        pl.kernel,
        mesh=mesh,
        compiler_params=pltpu.CompilerParams(use_tc_tiling_on_sc=False),
        out_type=jax.ShapeDtypeStruct((2, N, EXT), f32),
        scratch_types=(
            [pltpu.VMEM((CH,), jnp.int32),
             pltpu.VMEM((CH,), jnp.int32),
             pltpu.VMEM((CH, EXT), f32),
             pltpu.VMEM((CH, 16), f32)] * 2
            + [pltpu.VMEM((CH,), jnp.int32)] * 2
            + [pltpu.VMEM((ZROWS, EXT), f32),
               pltpu.VMEM_SHARED((N, EXT), f32)]
            + [pltpu.SemaphoreType.DMA] * 6
        ),
    )(_sc_edge_body)
    acc = sc_edge(hs_ext, er_pad, edge_index)

    out = pl.pallas_call(
        _tc_post_body,
        grid=grid,
        in_specs=[
            pl.BlockSpec((2, blk, EXT), lambda i: (0, i, 0)),
            pl.BlockSpec((H, D), lambda i: (0, 0)),
        ],
        out_specs=pl.BlockSpec((blk, D), lambda i: (i, 0)),
        out_shape=jax.ShapeDtypeStruct((N, D), f32),
    )(acc, R)
    return out

# --- scband reference (transcript-rebuilt; emitter-appended) ---
"""Pipeline reference for scband-micro-conv-67568425500741 (READ-ONLY COPY).

The authoritative reference and input builder live on the scoring server;
editing this copy changes nothing except your own understanding.
"""

import jax, jax.numpy as jnp
import numpy as np

NUM_HEADS = 8
OUT_DIM = 16
N_SRC = 10000
N_DST = 10000
N_EDGES = 320000
D_IN = 128
NEG_SLOPE = 0.2


def setup_inputs(seed: int = 0) -> dict:
    key = jax.random.key(seed)
    ks = jax.random.split(key, 8)
    feat_src = jax.random.normal(ks[0], (N_SRC, D_IN), dtype=jnp.float32)
    feat_dst = jax.random.normal(ks[1], (N_DST, D_IN), dtype=jnp.float32)
    edge_index = jax.random.randint(ks[2], (2, N_EDGES), 0, N_SRC, dtype=jnp.int32)
    scale = 0.05
    W_src = jax.random.normal(ks[3], (D_IN, NUM_HEADS * OUT_DIM), dtype=jnp.float32) * scale
    b_src = jax.random.normal(ks[4], (NUM_HEADS * OUT_DIM,), dtype=jnp.float32) * scale
    W_dst = jax.random.normal(ks[5], (D_IN, NUM_HEADS * OUT_DIM), dtype=jnp.float32) * scale
    b_dst = jax.random.normal(ks[6], (NUM_HEADS * OUT_DIM,), dtype=jnp.float32) * scale
    attn_src = jax.random.normal(ks[7], (NUM_HEADS, 2 * OUT_DIM), dtype=jnp.float32) * scale
    return {
        'feat_src': feat_src,
        'feat_dst': feat_dst,
        'edge_index': edge_index,
        'W_src': W_src,
        'b_src': b_src,
        'W_dst': W_dst,
        'b_dst': b_dst,
        'attn_src': attn_src,
    }


def reference(feat_src, feat_dst, edge_index, W_src, b_src, W_dst, b_dst, attn_src):
    n_dst = feat_dst.shape[0]
    # feat_drop is identity (p=0.0)
    hs = (feat_src @ W_src + b_src).reshape(-1, NUM_HEADS, OUT_DIM)
    hd = (feat_dst @ W_dst + b_dst).reshape(-1, NUM_HEADS, OUT_DIM)
    el = (hs * attn_src[:, :OUT_DIM]).sum(axis=-1, keepdims=True)  # (N_src, K, 1)
    er = (hd * attn_src[:, OUT_DIM:]).sum(axis=-1, keepdims=True)  # (N_dst, K, 1)
    src = edge_index[0]
    dst = edge_index[1]
    # u_add_v: e = el[src] + er[dst]
    e = el[src] + er[dst]  # (E, K, 1)
    e = jnp.where(e >= 0, e, NEG_SLOPE * e)  # LeakyReLU
    # edge_softmax over incoming edges of each dst node
    e_max = jax.ops.segment_max(e, dst, num_segments=n_dst)  # (N_dst, K, 1)
    e_exp = jnp.exp(e - e_max[dst])
    denom = jax.ops.segment_sum(e_exp, dst, num_segments=n_dst)  # (N_dst, K, 1)
    a = e_exp / denom[dst]
    # u_mul_e then sum aggregation
    m = hs[src] * a  # (E, K, d_out)
    out = jax.ops.segment_sum(m, dst, num_segments=n_dst)  # (N_dst, K, d_out)
    ret = out.reshape(n_dst, NUM_HEADS * OUT_DIM)
    # activation is None
    return ret

if __name__ == "__main__":
    import jax
    _d = setup_inputs()
    print(jax.jit(kernel)(*tuple(_d.values())))

</pallas_src>

<mosaic_0001>
#map = affine_map<(d0, d1) -> (0, 0)>
#map1 = affine_map<(d0, d1) -> (0, 0, 0)>
module attributes {stable_mosaic.version = 14 : i64} {
  func.func @_sc_edge_body(%arg0: i32, %arg1: i32, %arg2: memref<10000x144xf32, #tpu.memory_space<hbm>>, %arg3: memref<10000x16xf32, #tpu.memory_space<hbm>>, %arg4: memref<2x320000xi32, #tpu.memory_space<hbm>>, %arg5: memref<2x10000x144xf32, #tpu.memory_space<hbm>>, %arg6: memref<80xi32, #tpu.memory_space<vmem>>, %arg7: memref<80xi32, #tpu.memory_space<vmem>>, %arg8: memref<80x144xf32, #tpu.memory_space<vmem>>, %arg9: memref<80x16xf32, #tpu.memory_space<vmem>>, %arg10: memref<80xi32, #tpu.memory_space<vmem>>, %arg11: memref<80xi32, #tpu.memory_space<vmem>>, %arg12: memref<80x144xf32, #tpu.memory_space<vmem>>, %arg13: memref<80x16xf32, #tpu.memory_space<vmem>>, %arg14: memref<80xi32, #tpu.memory_space<vmem>>, %arg15: memref<80xi32, #tpu.memory_space<vmem>>, %arg16: memref<25x144xf32, #tpu.memory_space<vmem>>, %arg17: memref<10000x144xf32, #tpu.memory_space<vmem_shared>>, %arg18: memref<!tpu.dma_semaphore, #tpu.memory_space<semaphore_mem>>, %arg19: memref<!tpu.dma_semaphore, #tpu.memory_space<semaphore_mem>>, %arg20: memref<!tpu.dma_semaphore, #tpu.memory_space<semaphore_mem>>, %arg21: memref<!tpu.dma_semaphore, #tpu.memory_space<semaphore_mem>>, %arg22: memref<!tpu.dma_semaphore, #tpu.memory_space<semaphore_mem>>, %arg23: memref<!tpu.dma_semaphore, #tpu.memory_space<semaphore_mem>>) attributes {dimension_semantics = [#tpu.dimension_semantics<core_parallel>, #tpu.dimension_semantics<subcore_parallel>], iteration_bounds = array<i64: 2, 16>, scalar_prefetch = 0 : i64, scratch_operands = 18 : i64, tpu.core_type = #tpu.core_type<sc_vector_subcore>, window_params = [{transform_indices = #map}, {transform_indices = #map}, {transform_indices = #map}, {transform_indices = #map1}]} {
    %mul3A = arith.constant 2 : i32
    %mul3A_0 = arith.muli %arg1, %mul3A : i32
    %add3A = arith.addi %mul3A_0, %arg0 : i32
    %mul3A_1 = arith.constant 10000 : i32
    %mul3A_2 = arith.muli %add3A, %mul3A_1 : i32
    %scan3A = arith.constant 0 : i32
    %scan3A_3 = arith.constant 0 : i32
    %scan3A_4 = arith.constant 225 : i32
    %scan3A_5 = arith.addi %scan3A_3, %scan3A_4 : i32
    %scan3A_6 = arith.constant 1 : i32
    %scan3A_7 = scf.for %scan3A_138 = %scan3A_3 to %scan3A_5 step %scan3A_6 iter_args(%scan3A_139 = %scan3A) -> (i32)  : i32 {
      %jit3A = arith.constant 9 : i32
      %div3A = arith.divsi %scan3A_138, %jit3A : i32
      %sign3A = arith.constant 0 : i32
      %sign3A_140 = arith.cmpi sgt, %scan3A_138, %sign3A : i32
      %sign3A_141 = arith.extui %sign3A_140 : i1 to i32
      %sign3A_142 = arith.constant 0 : i32
      %sign3A_143 = arith.cmpi slt, %scan3A_138, %sign3A_142 : i32
      %sign3A_144 = arith.extui %sign3A_143 : i1 to i32
      %sign3A_145 = arith.subi %sign3A_141, %sign3A_144 : i32
      %sign3A_146 = arith.constant 0 : i32
      %sign3A_147 = arith.cmpi sgt, %jit3A, %sign3A_146 : i32
      %sign3A_148 = arith.extui %sign3A_147 : i1 to i32
      %sign3A_149 = arith.constant 0 : i32
      %sign3A_150 = arith.cmpi slt, %jit3A, %sign3A_149 : i32
      %sign3A_151 = arith.extui %sign3A_150 : i1 to i32
      %sign3A_152 = arith.subi %sign3A_148, %sign3A_151 : i32
      %ne3A = arith.cmpi ne, %sign3A_145, %sign3A_152 : i32
      %rem3A = arith.remsi %scan3A_138, %jit3A : i32
      %ne3A_153 = arith.constant 0 : i32
      %ne3A_154 = arith.cmpi ne, %rem3A, %ne3A_153 : i32
      %and3A = arith.andi %ne3A, %ne3A_154 : i1
      %sub3A = arith.constant 1 : i32
      %sub3A_155 = arith.subi %div3A, %sub3A : i32
      %select_n3A = arith.select %and3A, %sub3A_155, %div3A : i32
      %mul3A_156 = arith.constant 9 : i32
      %mul3A_157 = arith.muli %select_n3A, %mul3A_156 : i32
      %sub3A_158 = arith.subi %scan3A_138, %mul3A_157 : i32
      %broadcast_in_dim3A = arith.constant 0.000000e+00 : f32
      %broadcast_in_dim3A_159 = vector.broadcast %broadcast_in_dim3A : f32 to vector<16xf32>
      %mul3A_160 = arith.constant 16 : i32
      %mul3A_161 = arith.muli %sub3A_158, %mul3A_160 : i32
      %swap3A_162 = arith.index_cast %select_n3A : i32 to index
      %swap3A_163 = arith.index_cast %mul3A_161 : i32 to index
      %swap3A_164 = tpu.vector_load %arg16[%swap3A_162, %swap3A_163] {strides = array<i32>} : memref<25x144xf32, #tpu.memory_space<vmem>>, vector<1x16xf32>,
      %swap3A_165 = vector.shape_cast %swap3A_164 : vector<1x16xf32> to vector<16xf32>
      %swap3A_166 = vector.shape_cast %broadcast_in_dim3A_159 : vector<16xf32> to vector<1x16xf32>
      tpu.vector_store %arg16[%swap3A_162, %swap3A_163], %swap3A_166 {strides = array<i32>} : memref<25x144xf32, #tpu.memory_space<vmem>>, vector<1x16xf32>,
      %scan3A_167 = arith.constant 0 : i32
      scf.yield %scan3A_167 : i32
    }
    %scan3A_8 = arith.constant 225 : i32
    %scan3A_9 = arith.constant 0 : i32
    %scan3A_10 = arith.constant 0 : i32
    %scan3A_11 = arith.constant 25 : i32
    %scan3A_12 = arith.addi %scan3A_10, %scan3A_11 : i32
    %scan3A_13 = arith.constant 1 : i32
    %scan3A_14 = scf.for %scan3A_138 = %scan3A_10 to %scan3A_12 step %scan3A_13 iter_args(%scan3A_139 = %scan3A_9) -> (i32)  : i32 {
      %mul3A_140 = arith.constant 625 : i32
      %mul3A_141 = arith.muli %arg1, %mul3A_140 : i32
      %mul3A_142 = arith.constant 25 : i32
      %mul3A_143 = arith.muli %scan3A_138, %mul3A_142 : i32
      %add3A_144 = arith.addi %mul3A_141, %mul3A_143 : i32
      "tpu.region"() ({
        %run_scoped3A = tpu.sem_alloc : memref<!tpu.dma_semaphore, #tpu.memory_space<semaphore_mem>>
        %dma_start3A_146 = arith.constant 0 : i32
        %dma_start3A_147 = tpu.memref_slice %arg17[%add3A_144, %dma_start3A_146] : memref<10000x144xf32, #tpu.memory_space<vmem_shared>> -> memref<25x144xf32, #tpu.memory_space<vmem_shared>>
        %dma_start3A_148 = arith.constant 0 : i32
        %dma_start3A_149 = tpu.memref_slice %arg17[%add3A_144, %dma_start3A_148] : memref<10000x144xf32, #tpu.memory_space<vmem_shared>> -> memref<25x144xf32, #tpu.memory_space<vmem_shared>>
        tpu.enqueue_dma source(%arg16 : memref<25x144xf32, #tpu.memory_space<vmem>>) target(%dma_start3A_149 : memref<25x144xf32, #tpu.memory_space<vmem_shared>>) target_semaphore(%run_scoped3A : memref<!tpu.dma_semaphore, #tpu.memory_space<semaphore_mem>>)
        %dma_wait3A_150 = arith.constant 0 : i32
        %dma_wait3A_151 = tpu.memref_slice %arg17[%add3A_144, %dma_wait3A_150] : memref<10000x144xf32, #tpu.memory_space<vmem_shared>> -> memref<25x144xf32, #tpu.memory_space<vmem_shared>>
        %dma_wait3A_152 = arith.constant 0 : i32
        %dma_wait3A_153 = tpu.memref_slice %arg17[%add3A_144, %dma_wait3A_152] : memref<10000x144xf32, #tpu.memory_space<vmem_shared>> -> memref<25x144xf32, #tpu.memory_space<vmem_shared>>
        tpu.wait_dma2 semaphore(%run_scoped3A : memref<!tpu.dma_semaphore, #tpu.memory_space<semaphore_mem>>) src(%arg16 : memref<25x144xf32, #tpu.memory_space<vmem>>) dst(%dma_wait3A_153 : memref<25x144xf32, #tpu.memory_space<vmem_shared>>)
        tpu.yield
      }) : () -> ()
      %scan3A_145 = arith.constant 0 : i32
      scf.yield %scan3A_145 : i32
    }
    %scan3A_15 = arith.constant 25 : i32
    %barrier3A = arith.constant 0 : index
    tpu.barrier barrier_id(%barrier3A)
    %add3A_16 = arith.constant 0 : i32
    %add3A_17 = arith.addi %mul3A_2, %add3A_16 : i32
    %dma_start3A = arith.constant 0 : i32
    %dma_start3A_18 = tpu.memref_slice %arg4[%dma_start3A, %add3A_17] : memref<2x320000xi32, #tpu.memory_space<hbm>> -> memref<1x80xi32, #tpu.memory_space<hbm>>
    %dma_start3A_19 = tpu.memref_squeeze %dma_start3A_18 : memref<1x80xi32, #tpu.memory_space<hbm>> -> memref<80xi32, #tpu.memory_space<hbm>>
    %dma_start3A_20 = tpu.memref_slice %arg4[%dma_start3A, %add3A_17] : memref<2x320000xi32, #tpu.memory_space<hbm>> -> memref<1x80xi32, #tpu.memory_space<hbm>>
    %dma_start3A_21 = tpu.memref_squeeze %dma_start3A_20 : memref<1x80xi32, #tpu.memory_space<hbm>> -> memref<80xi32, #tpu.memory_space<hbm>>
    tpu.enqueue_dma source(%dma_start3A_21 : memref<80xi32, #tpu.memory_space<hbm>>) target(%arg6 : memref<80xi32, #tpu.memory_space<vmem>>) target_semaphore(%arg18 : memref<!tpu.dma_semaphore, #tpu.memory_space<semaphore_mem>>)
    %dma_start3A_22 = arith.constant 1 : i32
    %dma_start3A_23 = tpu.memref_slice %arg4[%dma_start3A_22, %add3A_17] : memref<2x320000xi32, #tpu.memory_space<hbm>> -> memref<1x80xi32, #tpu.memory_space<hbm>>
    %dma_start3A_24 = tpu.memref_squeeze %dma_start3A_23 : memref<1x80xi32, #tpu.memory_space<hbm>> -> memref<80xi32, #tpu.memory_space<hbm>>
    %dma_start3A_25 = tpu.memref_slice %arg4[%dma_start3A_22, %add3A_17] : memref<2x320000xi32, #tpu.memory_space<hbm>> -> memref<1x80xi32, #tpu.memory_space<hbm>>
    %dma_start3A_26 = tpu.memref_squeeze %dma_start3A_25 : memref<1x80xi32, #tpu.memory_space<hbm>> -> memref<80xi32, #tpu.memory_space<hbm>>
    tpu.enqueue_dma source(%dma_start3A_26 : memref<80xi32, #tpu.memory_space<hbm>>) target(%arg7 : memref<80xi32, #tpu.memory_space<vmem>>) target_semaphore(%arg18 : memref<!tpu.dma_semaphore, #tpu.memory_space<semaphore_mem>>)
    %add3A_27 = arith.constant 80 : i32
    %add3A_28 = arith.addi %mul3A_2, %add3A_27 : i32
    %dma_start3A_29 = arith.constant 0 : i32
    %dma_start3A_30 = tpu.memref_slice %arg4[%dma_start3A_29, %add3A_28] : memref<2x320000xi32, #tpu.memory_space<hbm>> -> memref<1x80xi32, #tpu.memory_space<hbm>>
    %dma_start3A_31 = tpu.memref_squeeze %dma_start3A_30 : memref<1x80xi32, #tpu.memory_space<hbm>> -> memref<80xi32, #tpu.memory_space<hbm>>
    %dma_start3A_32 = tpu.memref_slice %arg4[%dma_start3A_29, %add3A_28] : memref<2x320000xi32, #tpu.memory_space<hbm>> -> memref<1x80xi32, #tpu.memory_space<hbm>>
    %dma_start3A_33 = tpu.memref_squeeze %dma_start3A_32 : memref<1x80xi32, #tpu.memory_space<hbm>> -> memref<80xi32, #tpu.memory_space<hbm>>
    tpu.enqueue_dma source(%dma_start3A_33 : memref<80xi32, #tpu.memory_space<hbm>>) target(%arg10 : memref<80xi32, #tpu.memory_space<vmem>>) target_semaphore(%arg19 : memref<!tpu.dma_semaphore, #tpu.memory_space<semaphore_mem>>)
    %dma_start3A_34 = arith.constant 1 : i32
    %dma_start3A_35 = tpu.memref_slice %arg4[%dma_start3A_34, %add3A_28] : memref<2x320000xi32, #tpu.memory_space<hbm>> -> memref<1x80xi32, #tpu.memory_space<hbm>>
    %dma_start3A_36 = tpu.memref_squeeze %dma_start3A_35 : memref<1x80xi32, #tpu.memory_space<hbm>> -> memref<80xi32, #tpu.memory_space<hbm>>
    %dma_start3A_37 = tpu.memref_slice %arg4[%dma_start3A_34, %add3A_28] : memref<2x320000xi32, #tpu.memory_space<hbm>> -> memref<1x80xi32, #tpu.memory_space<hbm>>
    %dma_start3A_38 = tpu.memref_squeeze %dma_start3A_37 : memref<1x80xi32, #tpu.memory_space<hbm>> -> memref<80xi32, #tpu.memory_space<hbm>>
    tpu.enqueue_dma source(%dma_start3A_38 : memref<80xi32, #tpu.memory_space<hbm>>) target(%arg11 : memref<80xi32, #tpu.memory_space<vmem>>) target_semaphore(%arg19 : memref<!tpu.dma_semaphore, #tpu.memory_space<semaphore_mem>>)
    %dma_wait3A = arith.constant 0 : i32
    %dma_wait3A_39 = arith.constant 0 : i32
    %dma_wait3A_40 = tpu.memref_slice %arg4[%dma_wait3A, %dma_wait3A_39] : memref<2x320000xi32, #tpu.memory_space<hbm>> -> memref<1x80xi32, #tpu.memory_space<hbm>>
    %dma_wait3A_41 = tpu.memref_squeeze %dma_wait3A_40 : memref<1x80xi32, #tpu.memory_space<hbm>> -> memref<80xi32, #tpu.memory_space<hbm>>
    %dma_wait3A_42 = arith.constant 0 : i32
    %dma_wait3A_43 = tpu.memref_slice %arg4[%dma_wait3A, %dma_wait3A_42] : memref<2x320000xi32, #tpu.memory_space<hbm>> -> memref<1x80xi32, #tpu.memory_space<hbm>>
    %dma_wait3A_44 = tpu.memref_squeeze %dma_wait3A_43 : memref<1x80xi32, #tpu.memory_space<hbm>> -> memref<80xi32, #tpu.memory_space<hbm>>
    tpu.wait_dma2 semaphore(%arg18 : memref<!tpu.dma_semaphore, #tpu.memory_space<semaphore_mem>>) src(%dma_wait3A_44 : memref<80xi32, #tpu.memory_space<hbm>>) dst(%arg6 : memref<80xi32, #tpu.memory_space<vmem>>)
    %dma_wait3A_45 = arith.constant 1 : i32
    %dma_wait3A_46 = arith.constant 0 : i32
    %dma_wait3A_47 = tpu.memref_slice %arg4[%dma_wait3A_45, %dma_wait3A_46] : memref<2x320000xi32, #tpu.memory_space<hbm>> -> memref<1x80xi32, #tpu.memory_space<hbm>>
    %dma_wait3A_48 = tpu.memref_squeeze %dma_wait3A_47 : memref<1x80xi32, #tpu.memory_space<hbm>> -> memref<80xi32, #tpu.memory_space<hbm>>
    %dma_wait3A_49 = arith.constant 0 : i32
    %dma_wait3A_50 = tpu.memref_slice %arg4[%dma_wait3A_45, %dma_wait3A_49] : memref<2x320000xi32, #tpu.memory_space<hbm>> -> memref<1x80xi32, #tpu.memory_space<hbm>>
    %dma_wait3A_51 = tpu.memref_squeeze %dma_wait3A_50 : memref<1x80xi32, #tpu.memory_space<hbm>> -> memref<80xi32, #tpu.memory_space<hbm>>
    tpu.wait_dma2 semaphore(%arg18 : memref<!tpu.dma_semaphore, #tpu.memory_space<semaphore_mem>>) src(%dma_wait3A_51 : memref<80xi32, #tpu.memory_space<hbm>>) dst(%arg7 : memref<80xi32, #tpu.memory_space<vmem>>)
    %dma_start3A_52 = arith.constant 0 : i32
    %dma_start3A_53 = arith.constant 0 : i32
    %dma_start3A_54 = tpu.memref_slice %arg2[%dma_start3A_52, %dma_start3A_53] : memref<10000x144xf32, #tpu.memory_space<hbm>> -> memref<10000x144xf32, #tpu.memory_space<hbm>>
    tpu.enqueue_indirect_dma source(%dma_start3A_54 : memref<10000x144xf32, #tpu.memory_space<hbm>>) target(%arg8 : memref<80x144xf32, #tpu.memory_space<vmem>>) offsets(%arg6 : memref<80xi32, #tpu.memory_space<vmem>>) semaphore(%arg20 : memref<!tpu.dma_semaphore, #tpu.memory_space<semaphore_mem>>)
    %dma_start3A_55 = arith.constant 0 : i32
    %dma_start3A_56 = arith.constant 0 : i32
    %dma_start3A_57 = tpu.memref_slice %arg3[%dma_start3A_55, %dma_start3A_56] : memref<10000x16xf32, #tpu.memory_space<hbm>> -> memref<10000x16xf32, #tpu.memory_space<hbm>>
    tpu.enqueue_indirect_dma source(%dma_start3A_57 : memref<10000x16xf32, #tpu.memory_space<hbm>>) target(%arg9 : memref<80x16xf32, #tpu.memory_space<vmem>>) offsets(%arg7 : memref<80xi32, #tpu.memory_space<vmem>>) semaphore(%arg20 : memref<!tpu.dma_semaphore, #tpu.memory_space<semaphore_mem>>)
    %scan3A_58 = arith.constant 0 : i32
    %scan3A_59 = arith.constant 0 : i32
    %scan3A_60 = arith.constant 62 : i32
    %scan3A_61 = arith.addi %scan3A_59, %scan3A_60 : i32
    %scan3A_62 = arith.constant 1 : i32
    %scan3A_63 = scf.for %scan3A_138 = %scan3A_59 to %scan3A_61 step %scan3A_62 iter_args(%scan3A_139 = %scan3A_58) -> (i32)  : i32 {
      %mul3A_140 = arith.constant 2 : i32
      %mul3A_141 = arith.muli %mul3A_140, %scan3A_138 : i32
      %dma_wait3A_142 = arith.constant 0 : i32
      %dma_wait3A_143 = arith.constant 0 : i32
      %dma_wait3A_144 = tpu.memref_slice %arg4[%dma_wait3A_142, %dma_wait3A_143] : memref<2x320000xi32, #tpu.memory_space<hbm>> -> memref<1x80xi32, #tpu.memory_space<hbm>>
      %dma_wait3A_145 = tpu.memref_squeeze %dma_wait3A_144 : memref<1x80xi32, #tpu.memory_space<hbm>> -> memref<80xi32, #tpu.memory_space<hbm>>
      %dma_wait3A_146 = arith.constant 0 : i32
      %dma_wait3A_147 = tpu.memref_slice %arg4[%dma_wait3A_142, %dma_wait3A_146] : memref<2x320000xi32, #tpu.memory_space<hbm>> -> memref<1x80xi32, #tpu.memory_space<hbm>>
      %dma_wait3A_148 = tpu.memref_squeeze %dma_wait3A_147 : memref<1x80xi32, #tpu.memory_space<hbm>> -> memref<80xi32, #tpu.memory_space<hbm>>
      tpu.wait_dma2 semaphore(%arg19 : memref<!tpu.dma_semaphore, #tpu.memory_space<semaphore_mem>>) src(%dma_wait3A_148 : memref<80xi32, #tpu.memory_space<hbm>>) dst(%arg10 : memref<80xi32, #tpu.memory_space<vmem>>)
      %dma_wait3A_149 = arith.constant 1 : i32
      %dma_wait3A_150 = arith.constant 0 : i32
      %dma_wait3A_151 = tpu.memref_slice %arg4[%dma_wait3A_149, %dma_wait3A_150] : memref<2x320000xi32, #tpu.memory_space<hbm>> -> memref<1x80xi32, #tpu.memory_space<hbm>>
      %dma_wait3A_152 = tpu.memref_squeeze %dma_wait3A_151 : memref<1x80xi32, #tpu.memory_space<hbm>> -> memref<80xi32, #tpu.memory_space<hbm>>
      %dma_wait3A_153 = arith.constant 0 : i32
      %dma_wait3A_154 = tpu.memref_slice %arg4[%dma_wait3A_149, %dma_wait3A_153] : memref<2x320000xi32, #tpu.memory_space<hbm>> -> memref<1x80xi32, #tpu.memory_space<hbm>>
      %dma_wait3A_155 = tpu.memref_squeeze %dma_wait3A_154 : memref<1x80xi32, #tpu.memory_space<hbm>> -> memref<80xi32, #tpu.memory_space<hbm>>
      tpu.wait_dma2 semaphore(%arg19 : memref<!tpu.dma_semaphore, #tpu.memory_space<semaphore_mem>>) src(%dma_wait3A_155 : memref<80xi32, #tpu.memory_space<hbm>>) dst(%arg11 : memref<80xi32, #tpu.memory_space<vmem>>)
      %gt3A = arith.constant 0 : i32
      %gt3A_156 = arith.cmpi sgt, %mul3A_141, %gt3A : i32
      %convert_element_type3A = arith.extui %gt3A_156 : i1 to i32
      %cond3A = arith.constant 0 : i32
      %cond3A_157 = arith.cmpi ne, %convert_element_type3A, %cond3A : i32
      scf.if %cond3A_157 {
        %dma_wait3A_335 = arith.constant 0 : i32
        %dma_wait3A_336 = arith.constant 0 : i32
        %dma_wait3A_337 = tpu.memref_slice %arg17[%dma_wait3A_335, %dma_wait3A_336] : memref<10000x144xf32, #tpu.memory_space<vmem_shared>> -> memref<10000x144xf32, #tpu.memory_space<vmem_shared>>
        tpu.wait_indirect_dma semaphore(%arg23 : memref<!tpu.dma_semaphore, #tpu.memory_space<semaphore_mem>>) src(%arg12 : memref<80x144xf32, #tpu.memory_space<vmem>>) dst(%dma_wait3A_337 : memref<10000x144xf32, #tpu.memory_space<vmem_shared>>)
      } else {
      }
      %dma_start3A_158 = arith.constant 0 : i32
      %dma_start3A_159 = arith.constant 0 : i32
      %dma_start3A_160 = tpu.memref_slice %arg2[%dma_start3A_158, %dma_start3A_159] : memref<10000x144xf32, #tpu.memory_space<hbm>> -> memref<10000x144xf32, #tpu.memory_space<hbm>>
      tpu.enqueue_indirect_dma source(%dma_start3A_160 : memref<10000x144xf32, #tpu.memory_space<hbm>>) target(%arg12 : memref<80x144xf32, #tpu.memory_space<vmem>>) offsets(%arg10 : memref<80xi32, #tpu.memory_space<vmem>>) semaphore(%arg21 : memref<!tpu.dma_semaphore, #tpu.memory_space<semaphore_mem>>)
      %dma_start3A_161 = arith.constant 0 : i32
      %dma_start3A_162 = arith.constant 0 : i32
      %dma_start3A_163 = tpu.memref_slice %arg3[%dma_start3A_161, %dma_start3A_162] : memref<10000x16xf32, #tpu.memory_space<hbm>> -> memref<10000x16xf32, #tpu.memory_space<hbm>>
      tpu.enqueue_indirect_dma source(%dma_start3A_163 : memref<10000x16xf32, #tpu.memory_space<hbm>>) target(%arg13 : memref<80x16xf32, #tpu.memory_space<vmem>>) offsets(%arg11 : memref<80xi32, #tpu.memory_space<vmem>>) semaphore(%arg21 : memref<!tpu.dma_semaphore, #tpu.memory_space<semaphore_mem>>)
      %dma_wait3A_164 = arith.constant 0 : i32
      %dma_wait3A_165 = arith.constant 0 : i32
      %dma_wait3A_166 = tpu.memref_slice %arg2[%dma_wait3A_164, %dma_wait3A_165] : memref<10000x144xf32, #tpu.memory_space<hbm>> -> memref<80x144xf32, #tpu.memory_space<hbm>>
      %dma_wait3A_167 = arith.constant 0 : i32
      %dma_wait3A_168 = arith.constant 0 : i32
      %dma_wait3A_169 = tpu.memref_slice %arg2[%dma_wait3A_167, %dma_wait3A_168] : memref<10000x144xf32, #tpu.memory_space<hbm>> -> memref<80x144xf32, #tpu.memory_space<hbm>>
      tpu.wait_dma2 semaphore(%arg20 : memref<!tpu.dma_semaphore, #tpu.memory_space<semaphore_mem>>) src(%dma_wait3A_169 : memref<80x144xf32, #tpu.memory_space<hbm>>) dst(%arg8 : memref<80x144xf32, #tpu.memory_space<vmem>>)
      %dma_wait3A_170 = arith.constant 0 : i32
      %dma_wait3A_171 = arith.constant 0 : i32
      %dma_wait3A_172 = tpu.memref_slice %arg3[%dma_wait3A_170, %dma_wait3A_171] : memref<10000x16xf32, #tpu.memory_space<hbm>> -> memref<80x16xf32, #tpu.memory_space<hbm>>
      %dma_wait3A_173 = arith.constant 0 : i32
      %dma_wait3A_174 = arith.constant 0 : i32
      %dma_wait3A_175 = tpu.memref_slice %arg3[%dma_wait3A_173, %dma_wait3A_174] : memref<10000x16xf32, #tpu.memory_space<hbm>> -> memref<80x16xf32, #tpu.memory_space<hbm>>
      tpu.wait_dma2 semaphore(%arg20 : memref<!tpu.dma_semaphore, #tpu.memory_space<semaphore_mem>>) src(%dma_wait3A_175 : memref<80x16xf32, #tpu.memory_space<hbm>>) dst(%arg9 : memref<80x16xf32, #tpu.memory_space<vmem>>)
      %get3A_176 = arith.constant 0 : index
      %get3A_177 = tpu.vector_load %arg7[%get3A_176] {strides = array<i32>} : memref<80xi32, #tpu.memory_space<vmem>>, vector<16xi32>,
      %get3A_178 = vector.shape_cast %get3A_177 : vector<16xi32> to vector<16xi32>
      %swap3A_179 = arith.constant 0 : index
      %swap3A_180 = tpu.vector_load %arg14[%swap3A_179] {strides = array<i32>} : memref<80xi32, #tpu.memory_space<vmem>>, vector<16xi32>,
      %swap3A_181 = vector.shape_cast %swap3A_180 : vector<16xi32> to vector<16xi32>
      %swap3A_182 = vector.shape_cast %get3A_178 : vector<16xi32> to vector<16xi32>
      tpu.vector_store %arg14[%swap3A_179], %swap3A_182 {strides = array<i32>} : memref<80xi32, #tpu.memory_space<vmem>>, vector<16xi32>,
      %get3A_183 = arith.constant 16 : index
      %get3A_184 = tpu.vector_load %arg7[%get3A_183] {strides = array<i32>} : memref<80xi32, #tpu.memory_space<vmem>>, vector<16xi32>,
      %get3A_185 = vector.shape_cast %get3A_184 : vector<16xi32> to vector<16xi32>
      %swap3A_186 = arith.constant 16 : index
      %swap3A_187 = tpu.vector_load %arg14[%swap3A_186] {strides = array<i32>} : memref<80xi32, #tpu.memory_space<vmem>>, vector<16xi32>,
      %swap3A_188 = vector.shape_cast %swap3A_187 : vector<16xi32> to vector<16xi32>
      %swap3A_189 = vector.shape_cast %get3A_185 : vector<16xi32> to vector<16xi32>
      tpu.vector_store %arg14[%swap3A_186], %swap3A_189 {strides = array<i32>} : memref<80xi32, #tpu.memory_space<vmem>>, vector<16xi32>,
      %get3A_190 = arith.constant 32 : index
      %get3A_191 = tpu.vector_load %arg7[%get3A_190] {strides = array<i32>} : memref<80xi32, #tpu.memory_space<vmem>>, vector<16xi32>,
      %get3A_192 = vector.shape_cast %get3A_191 : vector<16xi32> to vector<16xi32>
      %swap3A_193 = arith.constant 32 : index
      %swap3A_194 = tpu.vector_load %arg14[%swap3A_193] {strides = array<i32>} : memref<80xi32, #tpu.memory_space<vmem>>, vector<16xi32>,
      %swap3A_195 = vector.shape_cast %swap3A_194 : vector<16xi32> to vector<16xi32>
      %swap3A_196 = vector.shape_cast %get3A_192 : vector<16xi32> to vector<16xi32>
      tpu.vector_store %arg14[%swap3A_193], %swap3A_196 {strides = array<i32>} : memref<80xi32, #tpu.memory_space<vmem>>, vector<16xi32>,
      %get3A_197 = arith.constant 48 : index
      %get3A_198 = tpu.vector_load %arg7[%get3A_197] {strides = array<i32>} : memref<80xi32, #tpu.memory_space<vmem>>, vector<16xi32>,
      %get3A_199 = vector.shape_cast %get3A_198 : vector<16xi32> to vector<16xi32>
      %swap3A_200 = arith.constant 48 : index
      %swap3A_201 = tpu.vector_load %arg14[%swap3A_200] {strides = array<i32>} : memref<80xi32, #tpu.memory_space<vmem>>, vector<16xi32>,
      %swap3A_202 = vector.shape_cast %swap3A_201 : vector<16xi32> to vector<16xi32>
      %swap3A_203 = vector.shape_cast %get3A_199 : vector<16xi32> to vector<16xi32>
      tpu.vector_store %arg14[%swap3A_200], %swap3A_203 {strides = array<i32>} : memref<80xi32, #tpu.memory_space<vmem>>, vector<16xi32>,
      %get3A_204 = arith.constant 64 : index
      %get3A_205 = tpu.vector_load %arg7[%get3A_204] {strides = array<i32>} : memref<80xi32, #tpu.memory_space<vmem>>, vector<16xi32>,
      %get3A_206 = vector.shape_cast %get3A_205 : vector<16xi32> to vector<16xi32>
      %swap3A_207 = arith.constant 64 : index
      %swap3A_208 = tpu.vector_load %arg14[%swap3A_207] {strides = array<i32>} : memref<80xi32, #tpu.memory_space<vmem>>, vector<16xi32>,
      %swap3A_209 = vector.shape_cast %swap3A_208 : vector<16xi32> to vector<16xi32>
      %swap3A_210 = vector.shape_cast %get3A_206 : vector<16xi32> to vector<16xi32>
      tpu.vector_store %arg14[%swap3A_207], %swap3A_210 {strides = array<i32>} : memref<80xi32, #tpu.memory_space<vmem>>, vector<16xi32>,
      %add3A_211 = arith.constant 2 : i32
      %add3A_212 = arith.addi %mul3A_141, %add3A_211 : i32
      %lt3A = arith.constant 125 : i32
      %lt3A_213 = arith.cmpi slt, %add3A_212, %lt3A : i32
      %convert_element_type3A_214 = arith.extui %lt3A_213 : i1 to i32
      %cond3A_215 = arith.constant 0 : i32
      %cond3A_216 = arith.cmpi ne, %convert_element_type3A_214, %cond3A_215 : i32
      scf.if %cond3A_216 {
        %add3A_335 = arith.constant 2 : i32
        %add3A_336 = arith.addi %mul3A_141, %add3A_335 : i32
        %mul3A_337 = arith.constant 80 : i32
        %mul3A_338 = arith.muli %add3A_336, %mul3A_337 : i32
        %add3A_339 = arith.addi %mul3A_2, %mul3A_338 : i32
        %dma_start3A_340 = arith.constant 0 : i32
        %dma_start3A_341 = tpu.memref_slice %arg4[%dma_start3A_340, %add3A_339] : memref<2x320000xi32, #tpu.memory_space<hbm>> -> memref<1x80xi32, #tpu.memory_space<hbm>>
        %dma_start3A_342 = tpu.memref_squeeze %dma_start3A_341 : memref<1x80xi32, #tpu.memory_space<hbm>> -> memref<80xi32, #tpu.memory_space<hbm>>
        %dma_start3A_343 = tpu.memref_slice %arg4[%dma_start3A_340, %add3A_339] : memref<2x320000xi32, #tpu.memory_space<hbm>> -> memref<1x80xi32, #tpu.memory_space<hbm>>
        %dma_start3A_344 = tpu.memref_squeeze %dma_start3A_343 : memref<1x80xi32, #tpu.memory_space<hbm>> -> memref<80xi32, #tpu.memory_space<hbm>>
        tpu.enqueue_dma source(%dma_start3A_344 : memref<80xi32, #tpu.memory_space<hbm>>) target(%arg6 : memref<80xi32, #tpu.memory_space<vmem>>) target_semaphore(%arg18 : memref<!tpu.dma_semaphore, #tpu.memory_space<semaphore_mem>>)
        %dma_start3A_345 = arith.constant 1 : i32
        %dma_start3A_346 = tpu.memref_slice %arg4[%dma_start3A_345, %add3A_339] : memref<2x320000xi32, #tpu.memory_space<hbm>> -> memref<1x80xi32, #tpu.memory_space<hbm>>
        %dma_start3A_347 = tpu.memref_squeeze %dma_start3A_346 : memref<1x80xi32, #tpu.memory_space<hbm>> -> memref<80xi32, #tpu.memory_space<hbm>>
        %dma_start3A_348 = tpu.memref_slice %arg4[%dma_start3A_345, %add3A_339] : memref<2x320000xi32, #tpu.memory_space<hbm>> -> memref<1x80xi32, #tpu.memory_space<hbm>>
        %dma_start3A_349 = tpu.memref_squeeze %dma_start3A_348 : memref<1x80xi32, #tpu.memory_space<hbm>> -> memref<80xi32, #tpu.memory_space<hbm>>
        tpu.enqueue_dma source(%dma_start3A_349 : memref<80xi32, #tpu.memory_space<hbm>>) target(%arg7 : memref<80xi32, #tpu.memory_space<vmem>>) target_semaphore(%arg18 : memref<!tpu.dma_semaphore, #tpu.memory_space<semaphore_mem>>)
      } else {
      }
      %scan3A_217 = arith.constant 0 : i32
      %scan3A_218 = arith.constant 0 : i32
      %scan3A_219 = arith.constant 20 : i32
      %scan3A_220 = arith.addi %scan3A_218, %scan3A_219 : i32
      %scan3A_221 = arith.constant 1 : i32
      %scan3A_222 = scf.for %scan3A_335 = %scan3A_218 to %scan3A_220 step %scan3A_221 iter_args(%scan3A_336 = %scan3A_217) -> (i32)  : i32 {
        %mul3A_337 = arith.constant 4 : i32
        %mul3A_338 = arith.muli %mul3A_337, %scan3A_335 : i32
        %add3A_339 = arith.constant 0 : i32
        %add3A_340 = arith.addi %mul3A_338, %add3A_339 : i32
        %get3A_341 = arith.index_cast %add3A_340 : i32 to index
        %get3A_342 = arith.constant 128 : index
        %get3A_343 = tpu.vector_load %arg8[%get3A_341, %get3A_342] {strides = array<i32>} : memref<80x144xf32, #tpu.memory_space<vmem>>, vector<1x16xf32>,
        %get3A_344 = vector.shape_cast %get3A_343 : vector<1x16xf32> to vector<16xf32>
        %get3A_345 = arith.index_cast %add3A_340 : i32 to index
        %get3A_346 = arith.constant 0 : index
        %get3A_347 = tpu.vector_load %arg9[%get3A_345, %get3A_346] {strides = array<i32>} : memref<80x16xf32, #tpu.memory_space<vmem>>, vector<1x16xf32>,
        %get3A_348 = vector.shape_cast %get3A_347 : vector<1x16xf32> to vector<16xf32>
        %add3A_349 = arith.addf %get3A_344, %get3A_348 : vector<16xf32>
        %ge3A = arith.constant 0.000000e+00 : f32
        %ge3A_350 = vector.broadcast %ge3A : f32 to vector<16xf32>
        %ge3A_351 = arith.cmpf oge, %add3A_349, %ge3A_350 : vector<16xf32>
        %mul3A_352 = arith.constant 2.000000e-01 : f32
        %mul3A_353 = vector.broadcast %mul3A_352 : f32 to vector<16xf32>
        %mul3A_354 = arith.mulf %mul3A_353, %add3A_349 : vector<16xf32>
        %select_n3A = arith.select %ge3A_351, %add3A_349, %mul3A_354 : vector<16xi1>, vector<16xf32>
        %exp3A = math.exp %select_n3A : vector<16xf32>
        %swap3A_355 = arith.index_cast %add3A_340 : i32 to index
        %swap3A_356 = arith.constant 128 : index
        %swap3A_357 = tpu.vector_load %arg8[%swap3A_355, %swap3A_356] {strides = array<i32>} : memref<80x144xf32, #tpu.memory_space<vmem>>, vector<1x16xf32>,
        %swap3A_358 = vector.shape_cast %swap3A_357 : vector<1x16xf32> to vector<16xf32>
        %swap3A_359 = vector.shape_cast %exp3A : vector<16xf32> to vector<1x16xf32>
        tpu.vector_store %arg8[%swap3A_355, %swap3A_356], %swap3A_359 {strides = array<i32>} : memref<80x144xf32, #tpu.memory_space<vmem>>, vector<1x16xf32>,
        %mul3A_360 = arith.constant 4 : i32
        %mul3A_361 = arith.muli %mul3A_360, %scan3A_335 : i32
        %add3A_362 = arith.constant 1 : i32
        %add3A_363 = arith.addi %mul3A_361, %add3A_362 : i32
        %get3A_364 = arith.index_cast %add3A_363 : i32 to index
        %get3A_365 = arith.constant 128 : index
        %get3A_366 = tpu.vector_load %arg8[%get3A_364, %get3A_365] {strides = array<i32>} : memref<80x144xf32, #tpu.memory_space<vmem>>, vector<1x16xf32>,
        %get3A_367 = vector.shape_cast %get3A_366 : vector<1x16xf32> to vector<16xf32>
        %get3A_368 = arith.index_cast %add3A_363 : i32 to index
        %get3A_369 = arith.constant 0 : index
        %get3A_370 = tpu.vector_load %arg9[%get3A_368, %get3A_369] {strides = array<i32>} : memref<80x16xf32, #tpu.memory_space<vmem>>, vector<1x16xf32>,
        %get3A_371 = vector.shape_cast %get3A_370 : vector<1x16xf32> to vector<16xf32>
        %add3A_372 = arith.addf %get3A_367, %get3A_371 : vector<16xf32>
        %ge3A_373 = arith.constant 0.000000e+00 : f32
        %ge3A_374 = vector.broadcast %ge3A_373 : f32 to vector<16xf32>
        %ge3A_375 = arith.cmpf oge, %add3A_372, %ge3A_374 : vector<16xf32>
        %mul3A_376 = arith.constant 2.000000e-01 : f32
        %mul3A_377 = vector.broadcast %mul3A_376 : f32 to vector<16xf32>
        %mul3A_378 = arith.mulf %mul3A_377, %add3A_372 : vector<16xf32>
        %select_n3A_379 = arith.select %ge3A_375, %add3A_372, %mul3A_378 : vector<16xi1>, vector<16xf32>
        %exp3A_380 = math.exp %select_n3A_379 : vector<16xf32>
        %swap3A_381 = arith.index_cast %add3A_363 : i32 to index
        %swap3A_382 = arith.constant 128 : index
        %swap3A_383 = tpu.vector_load %arg8[%swap3A_381, %swap3A_382] {strides = array<i32>} : memref<80x144xf32, #tpu.memory_space<vmem>>, vector<1x16xf32>,
        %swap3A_384 = vector.shape_cast %swap3A_383 : vector<1x16xf32> to vector<16xf32>
        %swap3A_385 = vector.shape_cast %exp3A_380 : vector<16xf32> to vector<1x16xf32>
        tpu.vector_store %arg8[%swap3A_381, %swap3A_382], %swap3A_385 {strides = array<i32>} : memref<80x144xf32, #tpu.memory_space<vmem>>, vector<1x16xf32>,
        %mul3A_386 = arith.constant 4 : i32
        %mul3A_387 = arith.muli %mul3A_386, %scan3A_335 : i32
        %add3A_388 = arith.constant 2 : i32
        %add3A_389 = arith.addi %mul3A_387, %add3A_388 : i32
        %get3A_390 = arith.index_cast %add3A_389 : i32 to index
        %get3A_391 = arith.constant 128 : index
        %get3A_392 = tpu.vector_load %arg8[%get3A_390, %get3A_391] {strides = array<i32>} : memref<80x144xf32, #tpu.memory_space<vmem>>, vector<1x16xf32>,
        %get3A_393 = vector.shape_cast %get3A_392 : vector<1x16xf32> to vector<16xf32>
        %get3A_394 = arith.index_cast %add3A_389 : i32 to index
        %get3A_395 = arith.constant 0 : index
        %get3A_396 = tpu.vector_load %arg9[%get3A_394, %get3A_395] {strides = array<i32>} : memref<80x16xf32, #tpu.memory_space<vmem>>, vector<1x16xf32>,
        %get3A_397 = vector.shape_cast %get3A_396 : vector<1x16xf32> to vector<16xf32>
        %add3A_398 = arith.addf %get3A_393, %get3A_397 : vector<16xf32>
        %ge3A_399 = arith.constant 0.000000e+00 : f32
        %ge3A_400 = vector.broadcast %ge3A_399 : f32 to vector<16xf32>
        %ge3A_401 = arith.cmpf oge, %add3A_398, %ge3A_400 : vector<16xf32>
        %mul3A_402 = arith.constant 2.000000e-01 : f32
        %mul3A_403 = vector.broadcast %mul3A_402 : f32 to vector<16xf32>
        %mul3A_404 = arith.mulf %mul3A_403, %add3A_398 : vector<16xf32>
        %select_n3A_405 = arith.select %ge3A_401, %add3A_398, %mul3A_404 : vector<16xi1>, vector<16xf32>
        %exp3A_406 = math.exp %select_n3A_405 : vector<16xf32>
        %swap3A_407 = arith.index_cast %add3A_389 : i32 to index
        %swap3A_408 = arith.constant 128 : index
        %swap3A_409 = tpu.vector_load %arg8[%swap3A_407, %swap3A_408] {strides = array<i32>} : memref<80x144xf32, #tpu.memory_space<vmem>>, vector<1x16xf32>,
        %swap3A_410 = vector.shape_cast %swap3A_409 : vector<1x16xf32> to vector<16xf32>
        %swap3A_411 = vector.shape_cast %exp3A_406 : vector<16xf32> to vector<1x16xf32>
        tpu.vector_store %arg8[%swap3A_407, %swap3A_408], %swap3A_411 {strides = array<i32>} : memref<80x144xf32, #tpu.memory_space<vmem>>, vector<1x16xf32>,
        %mul3A_412 = arith.constant 4 : i32
        %mul3A_413 = arith.muli %mul3A_412, %scan3A_335 : i32
        %add3A_414 = arith.constant 3 : i32
        %add3A_415 = arith.addi %mul3A_413, %add3A_414 : i32
        %get3A_416 = arith.index_cast %add3A_415 : i32 to index
        %get3A_417 = arith.constant 128 : index
        %get3A_418 = tpu.vector_load %arg8[%get3A_416, %get3A_417] {strides = array<i32>} : memref<80x144xf32, #tpu.memory_space<vmem>>, vector<1x16xf32>,
        %get3A_419 = vector.shape_cast %get3A_418 : vector<1x16xf32> to vector<16xf32>
        %get3A_420 = arith.index_cast %add3A_415 : i32 to index
        %get3A_421 = arith.constant 0 : index
        %get3A_422 = tpu.vector_load %arg9[%get3A_420, %get3A_421] {strides = array<i32>} : memref<80x16xf32, #tpu.memory_space<vmem>>, vector<1x16xf32>,
        %get3A_423 = vector.shape_cast %get3A_422 : vector<1x16xf32> to vector<16xf32>
        %add3A_424 = arith.addf %get3A_419, %get3A_423 : vector<16xf32>
        %ge3A_425 = arith.constant 0.000000e+00 : f32
        %ge3A_426 = vector.broadcast %ge3A_425 : f32 to vector<16xf32>
        %ge3A_427 = arith.cmpf oge, %add3A_424, %ge3A_426 : vector<16xf32>
        %mul3A_428 = arith.constant 2.000000e-01 : f32
        %mul3A_429 = vector.broadcast %mul3A_428 : f32 to vector<16xf32>
        %mul3A_430 = arith.mulf %mul3A_429, %add3A_424 : vector<16xf32>
        %select_n3A_431 = arith.select %ge3A_427, %add3A_424, %mul3A_430 : vector<16xi1>, vector<16xf32>
        %exp3A_432 = math.exp %select_n3A_431 : vector<16xf32>
        %swap3A_433 = arith.index_cast %add3A_415 : i32 to index
        %swap3A_434 = arith.constant 128 : index
        %swap3A_435 = tpu.vector_load %arg8[%swap3A_433, %swap3A_434] {strides = array<i32>} : memref<80x144xf32, #tpu.memory_space<vmem>>, vector<1x16xf32>,
        %swap3A_436 = vector.shape_cast %swap3A_435 : vector<1x16xf32> to vector<16xf32>
        %swap3A_437 = vector.shape_cast %exp3A_432 : vector<16xf32> to vector<1x16xf32>
        tpu.vector_store %arg8[%swap3A_433, %swap3A_434], %swap3A_437 {strides = array<i32>} : memref<80x144xf32, #tpu.memory_space<vmem>>, vector<1x16xf32>,
        %scan3A_438 = arith.constant 0 : i32
        scf.yield %scan3A_438 : i32
      }
      %scan3A_223 = arith.constant 20 : i32
      %scan3A_224 = arith.constant 0 : i32
      %scan3A_225 = arith.constant 0 : i32
      %scan3A_226 = arith.constant 40 : i32
      %scan3A_227 = arith.addi %scan3A_225, %scan3A_226 : i32
      %scan3A_228 = arith.constant 1 : i32
      %scan3A_229 = scf.for %scan3A_335 = %scan3A_225 to %scan3A_227 step %scan3A_228 iter_args(%scan3A_336 = %scan3A_224) -> (i32)  : i32 {
        %mul3A_337 = arith.constant 2 : i32
        %mul3A_338 = arith.muli %mul3A_337, %scan3A_335 : i32
        %add3A_339 = arith.constant 0 : i32
        %add3A_340 = arith.addi %mul3A_338, %add3A_339 : i32
        %get3A_341 = arith.index_cast %add3A_340 : i32 to index
        %get3A_342 = arith.constant 128 : index
        %get3A_343 = tpu.vector_load %arg8[%get3A_341, %get3A_342] {strides = array<i32>} : memref<80x144xf32, #tpu.memory_space<vmem>>, vector<1x16xf32>,
        %get3A_344 = vector.shape_cast %get3A_343 : vector<1x16xf32> to vector<16xf32>
        %get3A_345 = arith.index_cast %add3A_340 : i32 to index
        %get3A_346 = arith.constant 0 : index
        %get3A_347 = tpu.vector_load %arg8[%get3A_345, %get3A_346] {strides = array<i32>} : memref<80x144xf32, #tpu.memory_space<vmem>>, vector<1x16xf32>,
        %get3A_348 = vector.shape_cast %get3A_347 : vector<1x16xf32> to vector<16xf32>
        %slice3A = vector.extract_strided_slice %get3A_344 {offsets = [0], sizes = [1], strides = [1]} : vector<16xf32> to vector<1xf32>
        %squeeze3A = vector.extract %slice3A[0] : f32 from vector<1xf32>
        %broadcast_in_dim3A = vector.broadcast %squeeze3A : f32 to vector<16xf32>
        %mul3A_349 = arith.mulf %get3A_348, %broadcast_in_dim3A : vector<16xf32>
        %swap3A_350 = arith.index_cast %add3A_340 : i32 to index
        %swap3A_351 = arith.constant 0 : index
        %swap3A_352 = tpu.vector_load %arg8[%swap3A_350, %swap3A_351] {strides = array<i32>} : memref<80x144xf32, #tpu.memory_space<vmem>>, vector<1x16xf32>,
        %swap3A_353 = vector.shape_cast %swap3A_352 : vector<1x16xf32> to vector<16xf32>
        %swap3A_354 = vector.shape_cast %mul3A_349 : vector<16xf32> to vector<1x16xf32>
        tpu.vector_store %arg8[%swap3A_350, %swap3A_351], %swap3A_354 {strides = array<i32>} : memref<80x144xf32, #tpu.memory_space<vmem>>, vector<1x16xf32>,
        %get3A_355 = arith.index_cast %add3A_340 : i32 to index
        %get3A_356 = arith.constant 16 : index
        %get3A_357 = tpu.vector_load %arg8[%get3A_355, %get3A_356] {strides = array<i32>} : memref<80x144xf32, #tpu.memory_space<vmem>>, vector<1x16xf32>,
        %get3A_358 = vector.shape_cast %get3A_357 : vector<1x16xf32> to vector<16xf32>
        %slice3A_359 = vector.extract_strided_slice %get3A_344 {offsets = [1], sizes = [1], strides = [1]} : vector<16xf32> to vector<1xf32>
        %squeeze3A_360 = vector.extract %slice3A_359[0] : f32 from vector<1xf32>
        %broadcast_in_dim3A_361 = vector.broadcast %squeeze3A_360 : f32 to vector<16xf32>
        %mul3A_362 = arith.mulf %get3A_358, %broadcast_in_dim3A_361 : vector<16xf32>
        %swap3A_363 = arith.index_cast %add3A_340 : i32 to index
        %swap3A_364 = arith.constant 16 : index
        %swap3A_365 = tpu.vector_load %arg8[%swap3A_363, %swap3A_364] {strides = array<i32>} : memref<80x144xf32, #tpu.memory_space<vmem>>, vector<1x16xf32>,
        %swap3A_366 = vector.shape_cast %swap3A_365 : vector<1x16xf32> to vector<16xf32>
        %swap3A_367 = vector.shape_cast %mul3A_362 : vector<16xf32> to vector<1x16xf32>
        tpu.vector_store %arg8[%swap3A_363, %swap3A_364], %swap3A_367 {strides = array<i32>} : memref<80x144xf32, #tpu.memory_space<vmem>>, vector<1x16xf32>,
        %get3A_368 = arith.index_cast %add3A_340 : i32 to index
        %get3A_369 = arith.constant 32 : index
        %get3A_370 = tpu.vector_load %arg8[%get3A_368, %get3A_369] {strides = array<i32>} : memref<80x144xf32, #tpu.memory_space<vmem>>, vector<1x16xf32>,
        %get3A_371 = vector.shape_cast %get3A_370 : vector<1x16xf32> to vector<16xf32>
        %slice3A_372 = vector.extract_strided_slice %get3A_344 {offsets = [2], sizes = [1], strides = [1]} : vector<16xf32> to vector<1xf32>
        %squeeze3A_373 = vector.extract %slice3A_372[0] : f32 from vector<1xf32>
        %broadcast_in_dim3A_374 = vector.broadcast %squeeze3A_373 : f32 to vector<16xf32>
        %mul3A_375 = arith.mulf %get3A_371, %broadcast_in_dim3A_374 : vector<16xf32>
        %swap3A_376 = arith.index_cast %add3A_340 : i32 to index
        %swap3A_377 = arith.constant 32 : index
        %swap3A_378 = tpu.vector_load %arg8[%swap3A_376, %swap3A_377] {strides = array<i32>} : memref<80x144xf32, #tpu.memory_space<vmem>>, vector<1x16xf32>,
        %swap3A_379 = vector.shape_cast %swap3A_378 : vector<1x16xf32> to vector<16xf32>
        %swap3A_380 = vector.shape_cast %mul3A_375 : vector<16xf32> to vector<1x16xf32>
        tpu.vector_store %arg8[%swap3A_376, %swap3A_377], %swap3A_380 {strides = array<i32>} : memref<80x144xf32, #tpu.memory_space<vmem>>, vector<1x16xf32>,
        %get3A_381 = arith.index_cast %add3A_340 : i32 to index
        %get3A_382 = arith.constant 48 : index
        %get3A_383 = tpu.vector_load %arg8[%get3A_381, %get3A_382] {strides = array<i32>} : memref<80x144xf32, #tpu.memory_space<vmem>>, vector<1x16xf32>,
        %get3A_384 = vector.shape_cast %get3A_383 : vector<1x16xf32> to vector<16xf32>
        %slice3A_385 = vector.extract_strided_slice %get3A_344 {offsets = [3], sizes = [1], strides = [1]} : vector<16xf32> to vector<1xf32>
        %squeeze3A_386 = vector.extract %slice3A_385[0] : f32 from vector<1xf32>
        %broadcast_in_dim3A_387 = vector.broadcast %squeeze3A_386 : f32 to vector<16xf32>
        %mul3A_388 = arith.mulf %get3A_384, %broadcast_in_dim3A_387 : vector<16xf32>
        %swap3A_389 = arith.index_cast %add3A_340 : i32 to index
        %swap3A_390 = arith.constant 48 : index
        %swap3A_391 = tpu.vector_load %arg8[%swap3A_389, %swap3A_390] {strides = array<i32>} : memref<80x144xf32, #tpu.memory_space<vmem>>, vector<1x16xf32>,
        %swap3A_392 = vector.shape_cast %swap3A_391 : vector<1x16xf32> to vector<16xf32>
        %swap3A_393 = vector.shape_cast %mul3A_388 : vector<16xf32> to vector<1x16xf32>
        tpu.vector_store %arg8[%swap3A_389, %swap3A_390], %swap3A_393 {strides = array<i32>} : memref<80x144xf32, #tpu.memory_space<vmem>>, vector<1x16xf32>,
        %get3A_394 = arith.index_cast %add3A_340 : i32 to index
        %get3A_395 = arith.constant 64 : index
        %get3A_396 = tpu.vector_load %arg8[%get3A_394, %get3A_395] {strides = array<i32>} : memref<80x144xf32, #tpu.memory_space<vmem>>, vector<1x16xf32>,
        %get3A_397 = vector.shape_cast %get3A_396 : vector<1x16xf32> to vector<16xf32>
        %slice3A_398 = vector.extract_strided_slice %get3A_344 {offsets = [4], sizes = [1], strides = [1]} : vector<16xf32> to vector<1xf32>
        %squeeze3A_399 = vector.extract %slice3A_398[0] : f32 from vector<1xf32>
        %broadcast_in_dim3A_400 = vector.broadcast %squeeze3A_399 : f32 to vector<16xf32>
        %mul3A_401 = arith.mulf %get3A_397, %broadcast_in_dim3A_400 : vector<16xf32>
        %swap3A_402 = arith.index_cast %add3A_340 : i32 to index
        %swap3A_403 = arith.constant 64 : index
        %swap3A_404 = tpu.vector_load %arg8[%swap3A_402, %swap3A_403] {strides = array<i32>} : memref<80x144xf32, #tpu.memory_space<vmem>>, vector<1x16xf32>,
        %swap3A_405 = vector.shape_cast %swap3A_404 : vector<1x16xf32> to vector<16xf32>
        %swap3A_406 = vector.shape_cast %mul3A_401 : vector<16xf32> to vector<1x16xf32>
        tpu.vector_store %arg8[%swap3A_402, %swap3A_403], %swap3A_406 {strides = array<i32>} : memref<80x144xf32, #tpu.memory_space<vmem>>, vector<1x16xf32>,
        %get3A_407 = arith.index_cast %add3A_340 : i32 to index
        %get3A_408 = arith.constant 80 : index
        %get3A_409 = tpu.vector_load %arg8[%get3A_407, %get3A_408] {strides = array<i32>} : memref<80x144xf32, #tpu.memory_space<vmem>>, vector<1x16xf32>,
        %get3A_410 = vector.shape_cast %get3A_409 : vector<1x16xf32> to vector<16xf32>
        %slice3A_411 = vector.extract_strided_slice %get3A_344 {offsets = [5], sizes = [1], strides = [1]} : vector<16xf32> to vector<1xf32>
        %squeeze3A_412 = vector.extract %slice3A_411[0] : f32 from vector<1xf32>
        %broadcast_in_dim3A_413 = vector.broadcast %squeeze3A_412 : f32 to vector<16xf32>
        %mul3A_414 = arith.mulf %get3A_410, %broadcast_in_dim3A_413 : vector<16xf32>
        %swap3A_415 = arith.index_cast %add3A_340 : i32 to index
        %swap3A_416 = arith.constant 80 : index
        %swap3A_417 = tpu.vector_load %arg8[%swap3A_415, %swap3A_416] {strides = array<i32>} : memref<80x144xf32, #tpu.memory_space<vmem>>, vector<1x16xf32>,
        %swap3A_418 = vector.shape_cast %swap3A_417 : vector<1x16xf32> to vector<16xf32>
        %swap3A_419 = vector.shape_cast %mul3A_414 : vector<16xf32> to vector<1x16xf32>
        tpu.vector_store %arg8[%swap3A_415, %swap3A_416], %swap3A_419 {strides = array<i32>} : memref<80x144xf32, #tpu.memory_space<vmem>>, vector<1x16xf32>,
        %get3A_420 = arith.index_cast %add3A_340 : i32 to index
        %get3A_421 = arith.constant 96 : index
        %get3A_422 = tpu.vector_load %arg8[%get3A_420, %get3A_421] {strides = array<i32>} : memref<80x144xf32, #tpu.memory_space<vmem>>, vector<1x16xf32>,
        %get3A_423 = vector.shape_cast %get3A_422 : vector<1x16xf32> to vector<16xf32>
        %slice3A_424 = vector.extract_strided_slice %get3A_344 {offsets = [6], sizes = [1], strides = [1]} : vector<16xf32> to vector<1xf32>
        %squeeze3A_425 = vector.extract %slice3A_424[0] : f32 from vector<1xf32>
        %broadcast_in_dim3A_426 = vector.broadcast %squeeze3A_425 : f32 to vector<16xf32>
        %mul3A_427 = arith.mulf %get3A_423, %broadcast_in_dim3A_426 : vector<16xf32>
        %swap3A_428 = arith.index_cast %add3A_340 : i32 to index
        %swap3A_429 = arith.constant 96 : index
        %swap3A_430 = tpu.vector_load %arg8[%swap3A_428, %swap3A_429] {strides = array<i32>} : memref<80x144xf32, #tpu.memory_space<vmem>>, vector<1x16xf32>,
        %swap3A_431 = vector.shape_cast %swap3A_430 : vector<1x16xf32> to vector<16xf32>
        %swap3A_432 = vector.shape_cast %mul3A_427 : vector<16xf32> to vector<1x16xf32>
        tpu.vector_store %arg8[%swap3A_428, %swap3A_429], %swap3A_432 {strides = array<i32>} : memref<80x144xf32, #tpu.memory_space<vmem>>, vector<1x16xf32>,
        %get3A_433 = arith.index_cast %add3A_340 : i32 to index
        %get3A_434 = arith.constant 112 : index
        %get3A_435 = tpu.vector_load %arg8[%get3A_433, %get3A_434] {strides = array<i32>} : memref<80x144xf32, #tpu.memory_space<vmem>>, vector<1x16xf32>,
        %get3A_436 = vector.shape_cast %get3A_435 : vector<1x16xf32> to vector<16xf32>
        %slice3A_437 = vector.extract_strided_slice %get3A_344 {offsets = [7], sizes = [1], strides = [1]} : vector<16xf32> to vector<1xf32>
        %squeeze3A_438 = vector.extract %slice3A_437[0] : f32 from vector<1xf32>
        %broadcast_in_dim3A_439 = vector.broadcast %squeeze3A_438 : f32 to vector<16xf32>
        %mul3A_440 = arith.mulf %get3A_436, %broadcast_in_dim3A_439 : vector<16xf32>
        %swap3A_441 = arith.index_cast %add3A_340 : i32 to index
        %swap3A_442 = arith.constant 112 : index
        %swap3A_443 = tpu.vector_load %arg8[%swap3A_441, %swap3A_442] {strides = array<i32>} : memref<80x144xf32, #tpu.memory_space<vmem>>, vector<1x16xf32>,
        %swap3A_444 = vector.shape_cast %swap3A_443 : vector<1x16xf32> to vector<16xf32>
        %swap3A_445 = vector.shape_cast %mul3A_440 : vector<16xf32> to vector<1x16xf32>
        tpu.vector_store %arg8[%swap3A_441, %swap3A_442], %swap3A_445 {strides = array<i32>} : memref<80x144xf32, #tpu.memory_space<vmem>>, vector<1x16xf32>,
        %mul3A_446 = arith.constant 2 : i32
        %mul3A_447 = arith.muli %mul3A_446, %scan3A_335 : i32
        %add3A_448 = arith.constant 1 : i32
        %add3A_449 = arith.addi %mul3A_447, %add3A_448 : i32
        %get3A_450 = arith.index_cast %add3A_449 : i32 to index
        %get3A_451 = arith.constant 128 : index
        %get3A_452 = tpu.vector_load %arg8[%get3A_450, %get3A_451] {strides = array<i32>} : memref<80x144xf32, #tpu.memory_space<vmem>>, vector<1x16xf32>,
        %get3A_453 = vector.shape_cast %get3A_452 : vector<1x16xf32> to vector<16xf32>
        %get3A_454 = arith.index_cast %add3A_449 : i32 to index
        %get3A_455 = arith.constant 0 : index
        %get3A_456 = tpu.vector_load %arg8[%get3A_454, %get3A_455] {strides = array<i32>} : memref<80x144xf32, #tpu.memory_space<vmem>>, vector<1x16xf32>,
        %get3A_457 = vector.shape_cast %get3A_456 : vector<1x16xf32> to vector<16xf32>
        %slice3A_458 = vector.extract_strided_slice %get3A_453 {offsets = [0], sizes = [1], strides = [1]} : vector<16xf32> to vector<1xf32>
        %squeeze3A_459 = vector.extract %slice3A_458[0] : f32 from vector<1xf32>
        %broadcast_in_dim3A_460 = vector.broadcast %squeeze3A_459 : f32 to vector<16xf32>
        %mul3A_461 = arith.mulf %get3A_457, %broadcast_in_dim3A_460 : vector<16xf32>
        %swap3A_462 = arith.index_cast %add3A_449 : i32 to index
        %swap3A_463 = arith.constant 0 : index
        %swap3A_464 = tpu.vector_load %arg8[%swap3A_462, %swap3A_463] {strides = array<i32>} : memref<80x144xf32, #tpu.memory_space<vmem>>, vector<1x16xf32>,
        %swap3A_465 = vector.shape_cast %swap3A_464 : vector<1x16xf32> to vector<16xf32>
        %swap3A_466 = vector.shape_cast %mul3A_461 : vector<16xf32> to vector<1x16xf32>
        tpu.vector_store %arg8[%swap3A_462, %swap3A_463], %swap3A_466 {strides = array<i32>} : memref<80x144xf32, #tpu.memory_space<vmem>>, vector<1x16xf32>,
        %get3A_467 = arith.index_cast %add3A_449 : i32 to index
        %get3A_468 = arith.constant 16 : index
        %get3A_469 = tpu.vector_load %arg8[%get3A_467, %get3A_468] {strides = array<i32>} : memref<80x144xf32, #tpu.memory_space<vmem>>, vector<1x16xf32>,
        %get3A_470 = vector.shape_cast %get3A_469 : vector<1x16xf32> to vector<16xf32>
        %slice3A_471 = vector.extract_strided_slice %get3A_453 {offsets = [1], sizes = [1], strides = [1]} : vector<16xf32> to vector<1xf32>
        %squeeze3A_472 = vector.extract %slice3A_471[0] : f32 from vector<1xf32>
        %broadcast_in_dim3A_473 = vector.broadcast %squeeze3A_472 : f32 to vector<16xf32>
        %mul3A_474 = arith.mulf %get3A_470, %broadcast_in_dim3A_473 : vector<16xf32>
        %swap3A_475 = arith.index_cast %add3A_449 : i32 to index
        %swap3A_476 = arith.constant 16 : index
        %swap3A_477 = tpu.vector_load %arg8[%swap3A_475, %swap3A_476] {strides = array<i32>} : memref<80x144xf32, #tpu.memory_space<vmem>>, vector<1x16xf32>,
        %swap3A_478 = vector.shape_cast %swap3A_477 : vector<1x16xf32> to vector<16xf32>
        %swap3A_479 = vector.shape_cast %mul3A_474 : vector<16xf32> to vector<1x16xf32>
        tpu.vector_store %arg8[%swap3A_475, %swap3A_476], %swap3A_479 {strides = array<i32>} : memref<80x144xf32, #tpu.memory_space<vmem>>, vector<1x16xf32>,
        %get3A_480 = arith.index_cast %add3A_449 : i32 to index
        %get3A_481 = arith.constant 32 : index
        %get3A_482 = tpu.vector_load %arg8[%get3A_480, %get3A_481] {strides = array<i32>} : memref<80x144xf32, #tpu.memory_space<vmem>>, vector<1x16xf32>,
        %get3A_483 = vector.shape_cast %get3A_482 : vector<1x16xf32> to vector<16xf32>
        %slice3A_484 = vector.extract_strided_slice %get3A_453 {offsets = [2], sizes = [1], strides = [1]} : vector<16xf32> to vector<1xf32>
        %squeeze3A_485 = vector.extract %slice3A_484[0] : f32 from vector<1xf32>
        %broadcast_in_dim3A_486 = vector.broadcast %squeeze3A_485 : f32 to vector<16xf32>
        %mul3A_487 = arith.mulf %get3A_483, %broadcast_in_dim3A_486 : vector<16xf32>
        %swap3A_488 = arith.index_cast %add3A_449 : i32 to index
        %swap3A_489 = arith.constant 32 : index
        %swap3A_490 = tpu.vector_load %arg8[%swap3A_488, %swap3A_489] {strides = array<i32>} : memref<80x144xf32, #tpu.memory_space<vmem>>, vector<1x16xf32>,
        %swap3A_491 = vector.shape_cast %swap3A_490 : vector<1x16xf32> to vector<16xf32>
        %swap3A_492 = vector.shape_cast %mul3A_487 : vector<16xf32> to vector<1x16xf32>
        tpu.vector_store %arg8[%swap3A_488, %swap3A_489], %swap3A_492 {strides = array<i32>} : memref<80x144xf32, #tpu.memory_space<vmem>>, vector<1x16xf32>,
        %get3A_493 = arith.index_cast %add3A_449 : i32 to index
        %get3A_494 = arith.constant 48 : index
        %get3A_495 = tpu.vector_load %arg8[%get3A_493, %get3A_494] {strides = array<i32>} : memref<80x144xf32, #tpu.memory_space<vmem>>, vector<1x16xf32>,
        %get3A_496 = vector.shape_cast %get3A_495 : vector<1x16xf32> to vector<16xf32>
        %slice3A_497 = vector.extract_strided_slice %get3A_453 {offsets = [3], sizes = [1], strides = [1]} : vector<16xf32> to vector<1xf32>
        %squeeze3A_498 = vector.extract %slice3A_497[0] : f32 from vector<1xf32>
        %broadcast_in_dim3A_499 = vector.broadcast %squeeze3A_498 : f32 to vector<16xf32>
        %mul3A_500 = arith.mulf %get3A_496, %broadcast_in_dim3A_499 : vector<16xf32>
        %swap3A_501 = arith.index_cast %add3A_449 : i32 to index
        %swap3A_502 = arith.constant 48 : index
        %swap3A_503 = tpu.vector_load %arg8[%swap3A_501, %swap3A_502] {strides = array<i32>} : memref<80x144xf32, #tpu.memory_space<vmem>>, vector<1x16xf32>,
        %swap3A_504 = vector.shape_cast %swap3A_503 : vector<1x16xf32> to vector<16xf32>
        %swap3A_505 = vector.shape_cast %mul3A_500 : vector<16xf32> to vector<1x16xf32>
        tpu.vector_store %arg8[%swap3A_501, %swap3A_502], %swap3A_505 {strides = array<i32>} : memref<80x144xf32, #tpu.memory_space<vmem>>, vector<1x16xf32>,
        %get3A_506 = arith.index_cast %add3A_449 : i32 to index
        %get3A_507 = arith.constant 64 : index
        %get3A_508 = tpu.vector_load %arg8[%get3A_506, %get3A_507] {strides = array<i32>} : memref<80x144xf32, #tpu.memory_space<vmem>>, vector<1x16xf32>,
        %get3A_509 = vector.shape_cast %get3A_508 : vector<1x16xf32> to vector<16xf32>
        %slice3A_510 = vector.extract_strided_slice %get3A_453 {offsets = [4], sizes = [1], strides = [1]} : vector<16xf32> to vector<1xf32>
        %squeeze3A_511 = vector.extract %slice3A_510[0] : f32 from vector<1xf32>
        %broadcast_in_dim3A_512 = vector.broadcast %squeeze3A_511 : f32 to vector<16xf32>
        %mul3A_513 = arith.mulf %get3A_509, %broadcast_in_dim3A_512 : vector<16xf32>
        %swap3A_514 = arith.index_cast %add3A_449 : i32 to index
        %swap3A_515 = arith.constant 64 : index
        %swap3A_516 = tpu.vector_load %arg8[%swap3A_514, %swap3A_515] {strides = array<i32>} : memref<80x144xf32, #tpu.memory_space<vmem>>, vector<1x16xf32>,
        %swap3A_517 = vector.shape_cast %swap3A_516 : vector<1x16xf32> to vector<16xf32>
        %swap3A_518 = vector.shape_cast %mul3A_513 : vector<16xf32> to vector<1x16xf32>
        tpu.vector_store %arg8[%swap3A_514, %swap3A_515], %swap3A_518 {strides = array<i32>} : memref<80x144xf32, #tpu.memory_space<vmem>>, vector<1x16xf32>,
        %get3A_519 = arith.index_cast %add3A_449 : i32 to index
        %get3A_520 = arith.constant 80 : index
        %get3A_521 = tpu.vector_load %arg8[%get3A_519, %get3A_520] {strides = array<i32>} : memref<80x144xf32, #tpu.memory_space<vmem>>, vector<1x16xf32>,
        %get3A_522 = vector.shape_cast %get3A_521 : vector<1x16xf32> to vector<16xf32>
        %slice3A_523 = vector.extract_strided_slice %get3A_453 {offsets = [5], sizes = [1], strides = [1]} : vector<16xf32> to vector<1xf32>
        %squeeze3A_524 = vector.extract %slice3A_523[0] : f32 from vector<1xf32>
        %broadcast_in_dim3A_525 = vector.broadcast %squeeze3A_524 : f32 to vector<16xf32>
        %mul3A_526 = arith.mulf %get3A_522, %broadcast_in_dim3A_525 : vector<16xf32>
        %swap3A_527 = arith.index_cast %add3A_449 : i32 to index
        %swap3A_528 = arith.constant 80 : index
        %swap3A_529 = tpu.vector_load %arg8[%swap3A_527, %swap3A_528] {strides = array<i32>} : memref<80x144xf32, #tpu.memory_space<vmem>>, vector<1x16xf32>,
        %swap3A_530 = vector.shape_cast %swap3A_529 : vector<1x16xf32> to vector<16xf32>
        %swap3A_531 = vector.shape_cast %mul3A_526 : vector<16xf32> to vector<1x16xf32>
        tpu.vector_store %arg8[%swap3A_527, %swap3A_528], %swap3A_531 {strides = array<i32>} : memref<80x144xf32, #tpu.memory_space<vmem>>, vector<1x16xf32>,
        %get3A_532 = arith.index_cast %add3A_449 : i32 to index
        %get3A_533 = arith.constant 96 : index
        %get3A_534 = tpu.vector_load %arg8[%get3A_532, %get3A_533] {strides = array<i32>} : memref<80x144xf32, #tpu.memory_space<vmem>>, vector<1x16xf32>,
        %get3A_535 = vector.shape_cast %get3A_534 : vector<1x16xf32> to vector<16xf32>
        %slice3A_536 = vector.extract_strided_slice %get3A_453 {offsets = [6], sizes = [1], strides = [1]} : vector<16xf32> to vector<1xf32>
        %squeeze3A_537 = vector.extract %slice3A_536[0] : f32 from vector<1xf32>
        %broadcast_in_dim3A_538 = vector.broadcast %squeeze3A_537 : f32 to vector<16xf32>
        %mul3A_539 = arith.mulf %get3A_535, %broadcast_in_dim3A_538 : vector<16xf32>
        %swap3A_540 = arith.index_cast %add3A_449 : i32 to index
        %swap3A_541 = arith.constant 96 : index
        %swap3A_542 = tpu.vector_load %arg8[%swap3A_540, %swap3A_541] {strides = array<i32>} : memref<80x144xf32, #tpu.memory_space<vmem>>, vector<1x16xf32>,
        %swap3A_543 = vector.shape_cast %swap3A_542 : vector<1x16xf32> to vector<16xf32>
        %swap3A_544 = vector.shape_cast %mul3A_539 : vector<16xf32> to vector<1x16xf32>
        tpu.vector_store %arg8[%swap3A_540, %swap3A_541], %swap3A_544 {strides = array<i32>} : memref<80x144xf32, #tpu.memory_space<vmem>>, vector<1x16xf32>,
        %get3A_545 = arith.index_cast %add3A_449 : i32 to index
        %get3A_546 = arith.constant 112 : index
        %get3A_547 = tpu.vector_load %arg8[%get3A_545, %get3A_546] {strides = array<i32>} : memref<80x144xf32, #tpu.memory_space<vmem>>, vector<1x16xf32>,
        %get3A_548 = vector.shape_cast %get3A_547 : vector<1x16xf32> to vector<16xf32>
        %slice3A_549 = vector.extract_strided_slice %get3A_453 {offsets = [7], sizes = [1], strides = [1]} : vector<16xf32> to vector<1xf32>
        %squeeze3A_550 = vector.extract %slice3A_549[0] : f32 from vector<1xf32>
        %broadcast_in_dim3A_551 = vector.broadcast %squeeze3A_550 : f32 to vector<16xf32>
        %mul3A_552 = arith.mulf %get3A_548, %broadcast_in_dim3A_551 : vector<16xf32>
        %swap3A_553 = arith.index_cast %add3A_449 : i32 to index
        %swap3A_554 = arith.constant 112 : index
        %swap3A_555 = tpu.vector_load %arg8[%swap3A_553, %swap3A_554] {strides = array<i32>} : memref<80x144xf32, #tpu.memory_space<vmem>>, vector<1x16xf32>,
        %swap3A_556 = vector.shape_cast %swap3A_555 : vector<1x16xf32> to vector<16xf32>
        %swap3A_557 = vector.shape_cast %mul3A_552 : vector<16xf32> to vector<1x16xf32>
        tpu.vector_store %arg8[%swap3A_553, %swap3A_554], %swap3A_557 {strides = array<i32>} : memref<80x144xf32, #tpu.memory_space<vmem>>, vector<1x16xf32>,
        %scan3A_558 = arith.constant 0 : i32
        scf.yield %scan3A_558 : i32
      }
      %scan3A_230 = arith.constant 40 : i32
      %dma_start3A_231 = arith.constant 0 : i32
      %dma_start3A_232 = arith.constant 0 : i32
      %dma_start3A_233 = tpu.memref_slice %arg17[%dma_start3A_231, %dma_start3A_232] : memref<10000x144xf32, #tpu.memory_space<vmem_shared>> -> memref<10000x144xf32, #tpu.memory_space<vmem_shared>>
      tpu.enqueue_indirect_dma source(%arg8 : memref<80x144xf32, #tpu.memory_space<vmem>>) target(%dma_start3A_233 : memref<10000x144xf32, #tpu.memory_space<vmem_shared>>) offsets(%arg14 : memref<80xi32, #tpu.memory_space<vmem>>) semaphore(%arg22 : memref<!tpu.dma_semaphore, #tpu.memory_space<semaphore_mem>>) {add = true}
      %mul3A_234 = arith.constant 2 : i32
      %mul3A_235 = arith.muli %mul3A_234, %scan3A_138 : i32
      %add3A_236 = arith.constant 1 : i32
      %add3A_237 = arith.addi %mul3A_235, %add3A_236 : i32
      %dma_wait3A_238 = arith.constant 0 : i32
      %dma_wait3A_239 = arith.constant 0 : i32
      %dma_wait3A_240 = tpu.memref_slice %arg4[%dma_wait3A_238, %dma_wait3A_239] : memref<2x320000xi32, #tpu.memory_space<hbm>> -> memref<1x80xi32, #tpu.memory_space<hbm>>
      %dma_wait3A_241 = tpu.memref_squeeze %dma_wait3A_240 : memref<1x80xi32, #tpu.memory_space<hbm>> -> memref<80xi32, #tpu.memory_space<hbm>>
      %dma_wait3A_242 = arith.constant 0 : i32
      %dma_wait3A_243 = tpu.memref_slice %arg4[%dma_wait3A_238, %dma_wait3A_242] : memref<2x320000xi32, #tpu.memory_space<hbm>> -> memref<1x80xi32, #tpu.memory_space<hbm>>
      %dma_wait3A_244 = tpu.memref_squeeze %dma_wait3A_243 : memref<1x80xi32, #tpu.memory_space<hbm>> -> memref<80xi32, #tpu.memory_space<hbm>>
      tpu.wait_dma2 semaphore(%arg18 : memref<!tpu.dma_semaphore, #tpu.memory_space<semaphore_mem>>) src(%dma_wait3A_244 : memref<80xi32, #tpu.memory_space<hbm>>) dst(%arg6 : memref<80xi32, #tpu.memory_space<vmem>>)
      %dma_wait3A_245 = arith.constant 1 : i32
      %dma_wait3A_246 = arith.constant 0 : i32
      %dma_wait3A_247 = tpu.memref_slice %arg4[%dma_wait3A_245, %dma_wait3A_246] : memref<2x320000xi32, #tpu.memory_space<hbm>> -> memref<1x80xi32, #tpu.memory_space<hbm>>
      %dma_wait3A_248 = tpu.memref_squeeze %dma_wait3A_247 : memref<1x80xi32, #tpu.memory_space<hbm>> -> memref<80xi32, #tpu.memory_space<hbm>>
      %dma_wait3A_249 = arith.constant 0 : i32
      %dma_wait3A_250 = tpu.memref_slice %arg4[%dma_wait3A_245, %dma_wait3A_249] : memref<2x320000xi32, #tpu.memory_space<hbm>> -> memref<1x80xi32, #tpu.memory_space<hbm>>
      %dma_wait3A_251 = tpu.memref_squeeze %dma_wait3A_250 : memref<1x80xi32, #tpu.memory_space<hbm>> -> memref<80xi32, #tpu.memory_space<hbm>>
      tpu.wait_dma2 semaphore(%arg18 : memref<!tpu.dma_semaphore, #tpu.memory_space<semaphore_mem>>) src(%dma_wait3A_251 : memref<80xi32, #tpu.memory_space<hbm>>) dst(%arg7 : memref<80xi32, #tpu.memory_space<vmem>>)
      %gt3A_252 = arith.constant 0 : i32
      %gt3A_253 = arith.cmpi sgt, %add3A_237, %gt3A_252 : i32
      %convert_element_type3A_254 = arith.extui %gt3A_253 : i1 to i32
      %cond3A_255 = arith.constant 0 : i32
      %cond3A_256 = arith.cmpi ne, %convert_element_type3A_254, %cond3A_255 : i32
      scf.if %cond3A_256 {
        %dma_wait3A_335 = arith.constant 0 : i32
        %dma_wait3A_336 = arith.constant 0 : i32
        %dma_wait3A_337 = tpu.memref_slice %arg17[%dma_wait3A_335, %dma_wait3A_336] : memref<10000x144xf32, #tpu.memory_space<vmem_shared>> -> memref<10000x144xf32, #tpu.memory_space<vmem_shared>>
        tpu.wait_indirect_dma semaphore(%arg22 : memref<!tpu.dma_semaphore, #tpu.memory_space<semaphore_mem>>) src(%arg8 : memref<80x144xf32, #tpu.memory_space<vmem>>) dst(%dma_wait3A_337 : memref<10000x144xf32, #tpu.memory_space<vmem_shared>>)
      } else {
      }
      %dma_start3A_257 = arith.constant 0 : i32
      %dma_start3A_258 = arith.constant 0 : i32
      %dma_start3A_259 = tpu.memref_slice %arg2[%dma_start3A_257, %dma_start3A_258] : memref<10000x144xf32, #tpu.memory_space<hbm>> -> memref<10000x144xf32, #tpu.memory_space<hbm>>
      tpu.enqueue_indirect_dma source(%dma_start3A_259 : memref<10000x144xf32, #tpu.memory_space<hbm>>) target(%arg8 : memref<80x144xf32, #tpu.memory_space<vmem>>) offsets(%arg6 : memref<80xi32, #tpu.memory_space<vmem>>) semaphore(%arg20 : memref<!tpu.dma_semaphore, #tpu.memory_space<semaphore_mem>>)
      %dma_start3A_260 = arith.constant 0 : i32
      %dma_start3A_261 = arith.constant 0 : i32
      %dma_start3A_262 = tpu.memref_slice %arg3[%dma_start3A_260, %dma_start3A_261] : memref<10000x16xf32, #tpu.memory_space<hbm>> -> memref<10000x16xf32, #tpu.memory_space<hbm>>
      tpu.enqueue_indirect_dma source(%dma_start3A_262 : memref<10000x16xf32, #tpu.memory_space<hbm>>) target(%arg9 : memref<80x16xf32, #tpu.memory_space<vmem>>) offsets(%arg7 : memref<80xi32, #tpu.memory_space<vmem>>) semaphore(%arg20 : memref<!tpu.dma_semaphore, #tpu.memory_space<semaphore_mem>>)
      %dma_wait3A_263 = arith.constant 0 : i32
      %dma_wait3A_264 = arith.constant 0 : i32
      %dma_wait3A_265 = tpu.memref_slice %arg2[%dma_wait3A_263, %dma_wait3A_264] : memref<10000x144xf32, #tpu.memory_space<hbm>> -> memref<80x144xf32, #tpu.memory_space<hbm>>
      %dma_wait3A_266 = arith.constant 0 : i32
      %dma_wait3A_267 = arith.constant 0 : i32
      %dma_wait3A_268 = tpu.memref_slice %arg2[%dma_wait3A_266, %dma_wait3A_267] : memref<10000x144xf32, #tpu.memory_space<hbm>> -> memref<80x144xf32, #tpu.memory_space<hbm>>
      tpu.wait_dma2 semaphore(%arg21 : memref<!tpu.dma_semaphore, #tpu.memory_space<semaphore_mem>>) src(%dma_wait3A_268 : memref<80x144xf32, #tpu.memory_space<hbm>>) dst(%arg12 : memref<80x144xf32, #tpu.memory_space<vmem>>)
      %dma_wait3A_269 = arith.constant 0 : i32
      %dma_wait3A_270 = arith.constant 0 : i32
      %dma_wait3A_271 = tpu.memref_slice %arg3[%dma_wait3A_269, %dma_wait3A_270] : memref<10000x16xf32, #tpu.memory_space<hbm>> -> memref<80x16xf32, #tpu.memory_space<hbm>>
      %dma_wait3A_272 = arith.constant 0 : i32
      %dma_wait3A_273 = arith.constant 0 : i32
      %dma_wait3A_274 = tpu.memref_slice %arg3[%dma_wait3A_272, %dma_wait3A_273] : memref<10000x16xf32, #tpu.memory_space<hbm>> -> memref<80x16xf32, #tpu.memory_space<hbm>>
      tpu.wait_dma2 semaphore(%arg21 : memref<!tpu.dma_semaphore, #tpu.memory_space<semaphore_mem>>) src(%dma_wait3A_274 : memref<80x16xf32, #tpu.memory_space<hbm>>) dst(%arg13 : memref<80x16xf32, #tpu.memory_space<vmem>>)
      %get3A_275 = arith.constant 0 : index
      %get3A_276 = tpu.vector_load %arg11[%get3A_275] {strides = array<i32>} : memref<80xi32, #tpu.memory_space<vmem>>, vector<16xi32>,
      %get3A_277 = vector.shape_cast %get3A_276 : vector<16xi32> to vector<16xi32>
      %swap3A_278 = arith.constant 0 : index
      %swap3A_279 = tpu.vector_load %arg15[%swap3A_278] {strides = array<i32>} : memref<80xi32, #tpu.memory_space<vmem>>, vector<16xi32>,
      %swap3A_280 = vector.shape_cast %swap3A_279 : vector<16xi32> to vector<16xi32>
      %swap3A_281 = vector.shape_cast %get3A_277 : vector<16xi32> to vector<16xi32>
      tpu.vector_store %arg15[%swap3A_278], %swap3A_281 {strides = array<i32>} : memref<80xi32, #tpu.memory_space<vmem>>, vector<16xi32>,
      %get3A_282 = arith.constant 16 : index
      %get3A_283 = tpu.vector_load %arg11[%get3A_282] {strides = array<i32>} : memref<80xi32, #tpu.memory_space<vmem>>, vector<16xi32>,
      %get3A_284 = vector.shape_cast %get3A_283 : vector<16xi32> to vector<16xi32>
      %swap3A_285 = arith.constant 16 : index
      %swap3A_286 = tpu.vector_load %arg15[%swap3A_285] {strides = array<i32>} : memref<80xi32, #tpu.memory_space<vmem>>, vector<16xi32>,
      %swap3A_287 = vector.shape_cast %swap3A_286 : vector<16xi32> to vector<16xi32>
      %swap3A_288 = vector.shape_cast %get3A_284 : vector<16xi32> to vector<16xi32>
      tpu.vector_store %arg15[%swap3A_285], %swap3A_288 {strides = array<i32>} : memref<80xi32, #tpu.memory_space<vmem>>, vector<16xi32>,
      %get3A_289 = arith.constant 32 : index
      %get3A_290 = tpu.vector_load %arg11[%get3A_289] {strides = array<i32>} : memref<80xi32, #tpu.memory_space<vmem>>, vector<16xi32>,
      %get3A_291 = vector.shape_cast %get3A_290 : vector<16xi32> to vector<16xi32>
      %swap3A_292 = arith.constant 32 : index
      %swap3A_293 = tpu.vector_load %arg15[%swap3A_292] {strides = array<i32>} : memref<80xi32, #tpu.memory_space<vmem>>, vector<16xi32>,
      %swap3A_294 = vector.shape_cast %swap3A_293 : vector<16xi32> to vector<16xi32>
      %swap3A_295 = vector.shape_cast %get3A_291 : vector<16xi32> to vector<16xi32>
      tpu.vector_store %arg15[%swap3A_292], %swap3A_295 {strides = array<i32>} : memref<80xi32, #tpu.memory_space<vmem>>, vector<16xi32>,
      %get3A_296 = arith.constant 48 : index
      %get3A_297 = tpu.vector_load %arg11[%get3A_296] {strides = array<i32>} : memref<80xi32, #tpu.memory_space<vmem>>, vector<16xi32>,
      %get3A_298 = vector.shape_cast %get3A_297 : vector<16xi32> to vector<16xi32>
      %swap3A_299 = arith.constant 48 : index
      %swap3A_300 = tpu.vector_load %arg15[%swap3A_299] {strides = array<i32>} : memref<80xi32, #tpu.memory_space<vmem>>, vector<16xi32>,
      %swap3A_301 = vector.shape_cast %swap3A_300 : vector<16xi32> to vector<16xi32>
      %swap3A_302 = vector.shape_cast %get3A_298 : vector<16xi32> to vector<16xi32>
      tpu.vector_store %arg15[%swap3A_299], %swap3A_302 {strides = array<i32>} : memref<80xi32, #tpu.memory_space<vmem>>, vector<16xi32>,
      %get3A_303 = arith.constant 64 : index
      %get3A_304 = tpu.vector_load %arg11[%get3A_303] {strides = array<i32>} : memref<80xi32, #tpu.memory_space<vmem>>, vector<16xi32>,
      %get3A_305 = vector.shape_cast %get3A_304 : vector<16xi32> to vector<16xi32>
      %swap3A_306 = arith.constant 64 : index
      %swap3A_307 = tpu.vector_load %arg15[%swap3A_306] {strides = array<i32>} : memref<80xi32, #tpu.memory_space<vmem>>, vector<16xi32>,
      %swap3A_308 = vector.shape_cast %swap3A_307 : vector<16xi32> to vector<16xi32>
      %swap3A_309 = vector.shape_cast %get3A_305 : vector<16xi32> to vector<16xi32>
      tpu.vector_store %arg15[%swap3A_306], %swap3A_309 {strides = array<i32>} : memref<80xi32, #tpu.memory_space<vmem>>, vector<16xi32>,
      %add3A_310 = arith.constant 2 : i32
      %add3A_311 = arith.addi %add3A_237, %add3A_310 : i32
      %lt3A_312 = arith.constant 125 : i32
      %lt3A_313 = arith.cmpi slt, %add3A_311, %lt3A_312 : i32
      %convert_element_type3A_314 = arith.extui %lt3A_313 : i1 to i32
      %cond3A_315 = arith.constant 0 : i32
      %cond3A_316 = arith.cmpi ne, %convert_element_type3A_314, %cond3A_315 : i32
      scf.if %cond3A_316 {
        %add3A_335 = arith.constant 2 : i32
        %add3A_336 = arith.addi %add3A_237, %add3A_335 : i32
        %mul3A_337 = arith.constant 80 : i32
        %mul3A_338 = arith.muli %add3A_336, %mul3A_337 : i32
        %add3A_339 = arith.addi %mul3A_2, %mul3A_338 : i32
        %dma_start3A_340 = arith.constant 0 : i32
        %dma_start3A_341 = tpu.memref_slice %arg4[%dma_start3A_340, %add3A_339] : memref<2x320000xi32, #tpu.memory_space<hbm>> -> memref<1x80xi32, #tpu.memory_space<hbm>>
        %dma_start3A_342 = tpu.memref_squeeze %dma_start3A_341 : memref<1x80xi32, #tpu.memory_space<hbm>> -> memref<80xi32, #tpu.memory_space<hbm>>
        %dma_start3A_343 = tpu.memref_slice %arg4[%dma_start3A_340, %add3A_339] : memref<2x320000xi32, #tpu.memory_space<hbm>> -> memref<1x80xi32, #tpu.memory_space<hbm>>
        %dma_start3A_344 = tpu.memref_squeeze %dma_start3A_343 : memref<1x80xi32, #tpu.memory_space<hbm>> -> memref<80xi32, #tpu.memory_space<hbm>>
        tpu.enqueue_dma source(%dma_start3A_344 : memref<80xi32, #tpu.memory_space<hbm>>) target(%arg10 : memref<80xi32, #tpu.memory_space<vmem>>) target_semaphore(%arg19 : memref<!tpu.dma_semaphore, #tpu.memory_space<semaphore_mem>>)
        %dma_start3A_345 = arith.constant 1 : i32
        %dma_start3A_346 = tpu.memref_slice %arg4[%dma_start3A_345, %add3A_339] : memref<2x320000xi32, #tpu.memory_space<hbm>> -> memref<1x80xi32, #tpu.memory_space<hbm>>
        %dma_start3A_347 = tpu.memref_squeeze %dma_start3A_346 : memref<1x80xi32, #tpu.memory_space<hbm>> -> memref<80xi32, #tpu.memory_space<hbm>>
        %dma_start3A_348 = tpu.memref_slice %arg4[%dma_start3A_345, %add3A_339] : memref<2x320000xi32, #tpu.memory_space<hbm>> -> memref<1x80xi32, #tpu.memory_space<hbm>>
        %dma_start3A_349 = tpu.memref_squeeze %dma_start3A_348 : memref<1x80xi32, #tpu.memory_space<hbm>> -> memref<80xi32, #tpu.memory_space<hbm>>
        tpu.enqueue_dma source(%dma_start3A_349 : memref<80xi32, #tpu.memory_space<hbm>>) target(%arg11 : memref<80xi32, #tpu.memory_space<vmem>>) target_semaphore(%arg19 : memref<!tpu.dma_semaphore, #tpu.memory_space<semaphore_mem>>)
      } else {
      }
      %scan3A_317 = arith.constant 0 : i32
      %scan3A_318 = arith.constant 0 : i32
      %scan3A_319 = arith.constant 20 : i32
      %scan3A_320 = arith.addi %scan3A_318, %scan3A_319 : i32
      %scan3A_321 = arith.constant 1 : i32
      %scan3A_322 = scf.for %scan3A_335 = %scan3A_318 to %scan3A_320 step %scan3A_321 iter_args(%scan3A_336 = %scan3A_317) -> (i32)  : i32 {
        %mul3A_337 = arith.constant 4 : i32
        %mul3A_338 = arith.muli %mul3A_337, %scan3A_335 : i32
        %add3A_339 = arith.constant 0 : i32
        %add3A_340 = arith.addi %mul3A_338, %add3A_339 : i32
        %get3A_341 = arith.index_cast %add3A_340 : i32 to index
        %get3A_342 = arith.constant 128 : index
        %get3A_343 = tpu.vector_load %arg12[%get3A_341, %get3A_342] {strides = array<i32>} : memref<80x144xf32, #tpu.memory_space<vmem>>, vector<1x16xf32>,
        %get3A_344 = vector.shape_cast %get3A_343 : vector<1x16xf32> to vector<16xf32>
        %get3A_345 = arith.index_cast %add3A_340 : i32 to index
        %get3A_346 = arith.constant 0 : index
        %get3A_347 = tpu.vector_load %arg13[%get3A_345, %get3A_346] {strides = array<i32>} : memref<80x16xf32, #tpu.memory_space<vmem>>, vector<1x16xf32>,
        %get3A_348 = vector.shape_cast %get3A_347 : vector<1x16xf32> to vector<16xf32>
        %add3A_349 = arith.addf %get3A_344, %get3A_348 : vector<16xf32>
        %ge3A = arith.constant 0.000000e+00 : f32
        %ge3A_350 = vector.broadcast %ge3A : f32 to vector<16xf32>
        %ge3A_351 = arith.cmpf oge, %add3A_349, %ge3A_350 : vector<16xf32>
        %mul3A_352 = arith.constant 2.000000e-01 : f32
        %mul3A_353 = vector.broadcast %mul3A_352 : f32 to vector<16xf32>
        %mul3A_354 = arith.mulf %mul3A_353, %add3A_349 : vector<16xf32>
        %select_n3A = arith.select %ge3A_351, %add3A_349, %mul3A_354 : vector<16xi1>, vector<16xf32>
        %exp3A = math.exp %select_n3A : vector<16xf32>
        %swap3A_355 = arith.index_cast %add3A_340 : i32 to index
        %swap3A_356 = arith.constant 128 : index
        %swap3A_357 = tpu.vector_load %arg12[%swap3A_355, %swap3A_356] {strides = array<i32>} : memref<80x144xf32, #tpu.memory_space<vmem>>, vector<1x16xf32>,
        %swap3A_358 = vector.shape_cast %swap3A_357 : vector<1x16xf32> to vector<16xf32>
        %swap3A_359 = vector.shape_cast %exp3A : vector<16xf32> to vector<1x16xf32>
        tpu.vector_store %arg12[%swap3A_355, %swap3A_356], %swap3A_359 {strides = array<i32>} : memref<80x144xf32, #tpu.memory_space<vmem>>, vector<1x16xf32>,
        %mul3A_360 = arith.constant 4 : i32
        %mul3A_361 = arith.muli %mul3A_360, %scan3A_335 : i32
        %add3A_362 = arith.constant 1 : i32
        %add3A_363 = arith.addi %mul3A_361, %add3A_362 : i32
        %get3A_364 = arith.index_cast %add3A_363 : i32 to index
        %get3A_365 = arith.constant 128 : index
        %get3A_366 = tpu.vector_load %arg12[%get3A_364, %get3A_365] {strides = array<i32>} : memref<80x144xf32, #tpu.memory_space<vmem>>, vector<1x16xf32>,
        %get3A_367 = vector.shape_cast %get3A_366 : vector<1x16xf32> to vector<16xf32>
        %get3A_368 = arith.index_cast %add3A_363 : i32 to index
        %get3A_369 = arith.constant 0 : index
        %get3A_370 = tpu.vector_load %arg13[%get3A_368, %get3A_369] {strides = array<i32>} : memref<80x16xf32, #tpu.memory_space<vmem>>, vector<1x16xf32>,
        %get3A_371 = vector.shape_cast %get3A_370 : vector<1x16xf32> to vector<16xf32>
        %add3A_372 = arith.addf %get3A_367, %get3A_371 : vector<16xf32>
        %ge3A_373 = arith.constant 0.000000e+00 : f32
        %ge3A_374 = vector.broadcast %ge3A_373 : f32 to vector<16xf32>
        %ge3A_375 = arith.cmpf oge, %add3A_372, %ge3A_374 : vector<16xf32>
        %mul3A_376 = arith.constant 2.000000e-01 : f32
        %mul3A_377 = vector.broadcast %mul3A_376 : f32 to vector<16xf32>
        %mul3A_378 = arith.mulf %mul3A_377, %add3A_372 : vector<16xf32>
        %select_n3A_379 = arith.select %ge3A_375, %add3A_372, %mul3A_378 : vector<16xi1>, vector<16xf32>
        %exp3A_380 = math.exp %select_n3A_379 : vector<16xf32>
        %swap3A_381 = arith.index_cast %add3A_363 : i32 to index
        %swap3A_382 = arith.constant 128 : index
        %swap3A_383 = tpu.vector_load %arg12[%swap3A_381, %swap3A_382] {strides = array<i32>} : memref<80x144xf32, #tpu.memory_space<vmem>>, vector<1x16xf32>,
        %swap3A_384 = vector.shape_cast %swap3A_383 : vector<1x16xf32> to vector<16xf32>
        %swap3A_385 = vector.shape_cast %exp3A_380 : vector<16xf32> to vector<1x16xf32>
        tpu.vector_store %arg12[%swap3A_381, %swap3A_382], %swap3A_385 {strides = array<i32>} : memref<80x144xf32, #tpu.memory_space<vmem>>, vector<1x16xf32>,
        %mul3A_386 = arith.constant 4 : i32
        %mul3A_387 = arith.muli %mul3A_386, %scan3A_335 : i32
        %add3A_388 = arith.constant 2 : i32
        %add3A_389 = arith.addi %mul3A_387, %add3A_388 : i32
        %get3A_390 = arith.index_cast %add3A_389 : i32 to index
        %get3A_391 = arith.constant 128 : index
        %get3A_392 = tpu.vector_load %arg12[%get3A_390, %get3A_391] {strides = array<i32>} : memref<80x144xf32, #tpu.memory_space<vmem>>, vector<1x16xf32>,
        %get3A_393 = vector.shape_cast %get3A_392 : vector<1x16xf32> to vector<16xf32>
        %get3A_394 = arith.index_cast %add3A_389 : i32 to index
        %get3A_395 = arith.constant 0 : index
        %get3A_396 = tpu.vector_load %arg13[%get3A_394, %get3A_395] {strides = array<i32>} : memref<80x16xf32, #tpu.memory_space<vmem>>, vector<1x16xf32>,
        %get3A_397 = vector.shape_cast %get3A_396 : vector<1x16xf32> to vector<16xf32>
        %add3A_398 = arith.addf %get3A_393, %get3A_397 : vector<16xf32>
        %ge3A_399 = arith.constant 0.000000e+00 : f32
        %ge3A_400 = vector.broadcast %ge3A_399 : f32 to vector<16xf32>
        %ge3A_401 = arith.cmpf oge, %add3A_398, %ge3A_400 : vector<16xf32>
        %mul3A_402 = arith.constant 2.000000e-01 : f32
        %mul3A_403 = vector.broadcast %mul3A_402 : f32 to vector<16xf32>
        %mul3A_404 = arith.mulf %mul3A_403, %add3A_398 : vector<16xf32>
        %select_n3A_405 = arith.select %ge3A_401, %add3A_398, %mul3A_404 : vector<16xi1>, vector<16xf32>
        %exp3A_406 = math.exp %select_n3A_405 : vector<16xf32>
        %swap3A_407 = arith.index_cast %add3A_389 : i32 to index
        %swap3A_408 = arith.constant 128 : index
        %swap3A_409 = tpu.vector_load %arg12[%swap3A_407, %swap3A_408] {strides = array<i32>} : memref<80x144xf32, #tpu.memory_space<vmem>>, vector<1x16xf32>,
        %swap3A_410 = vector.shape_cast %swap3A_409 : vector<1x16xf32> to vector<16xf32>
        %swap3A_411 = vector.shape_cast %exp3A_406 : vector<16xf32> to vector<1x16xf32>
        tpu.vector_store %arg12[%swap3A_407, %swap3A_408], %swap3A_411 {strides = array<i32>} : memref<80x144xf32, #tpu.memory_space<vmem>>, vector<1x16xf32>,
        %mul3A_412 = arith.constant 4 : i32
        %mul3A_413 = arith.muli %mul3A_412, %scan3A_335 : i32
        %add3A_414 = arith.constant 3 : i32
        %add3A_415 = arith.addi %mul3A_413, %add3A_414 : i32
        %get3A_416 = arith.index_cast %add3A_415 : i32 to index
        %get3A_417 = arith.constant 128 : index
        %get3A_418 = tpu.vector_load %arg12[%get3A_416, %get3A_417] {strides = array<i32>} : memref<80x144xf32, #tpu.memory_space<vmem>>, vector<1x16xf32>,
        %get3A_419 = vector.shape_cast %get3A_418 : vector<1x16xf32> to vector<16xf32>
        %get3A_420 = arith.index_cast %add3A_415 : i32 to index
        %get3A_421 = arith.constant 0 : index
        %get3A_422 = tpu.vector_load %arg13[%get3A_420, %get3A_421] {strides = array<i32>} : memref<80x16xf32, #tpu.memory_space<vmem>>, vector<1x16xf32>,
        %get3A_423 = vector.shape_cast %get3A_422 : vector<1x16xf32> to vector<16xf32>
        %add3A_424 = arith.addf %get3A_419, %get3A_423 : vector<16xf32>
        %ge3A_425 = arith.constant 0.000000e+00 : f32
        %ge3A_426 = vector.broadcast %ge3A_425 : f32 to vector<16xf32>
        %ge3A_427 = arith.cmpf oge, %add3A_424, %ge3A_426 : vector<16xf32>
        %mul3A_428 = arith.constant 2.000000e-01 : f32
        %mul3A_429 = vector.broadcast %mul3A_428 : f32 to vector<16xf32>
        %mul3A_430 = arith.mulf %mul3A_429, %add3A_424 : vector<16xf32>
        %select_n3A_431 = arith.select %ge3A_427, %add3A_424, %mul3A_430 : vector<16xi1>, vector<16xf32>
        %exp3A_432 = math.exp %select_n3A_431 : vector<16xf32>
        %swap3A_433 = arith.index_cast %add3A_415 : i32 to index
        %swap3A_434 = arith.constant 128 : index
        %swap3A_435 = tpu.vector_load %arg12[%swap3A_433, %swap3A_434] {strides = array<i32>} : memref<80x144xf32, #tpu.memory_space<vmem>>, vector<1x16xf32>,
        %swap3A_436 = vector.shape_cast %swap3A_435 : vector<1x16xf32> to vector<16xf32>
        %swap3A_437 = vector.shape_cast %exp3A_432 : vector<16xf32> to vector<1x16xf32>
        tpu.vector_store %arg12[%swap3A_433, %swap3A_434], %swap3A_437 {strides = array<i32>} : memref<80x144xf32, #tpu.memory_space<vmem>>, vector<1x16xf32>,
        %scan3A_438 = arith.constant 0 : i32
        scf.yield %scan3A_438 : i32
      }
      %scan3A_323 = arith.constant 20 : i32
      %scan3A_324 = arith.constant 0 : i32
      %scan3A_325 = arith.constant 0 : i32
      %scan3A_326 = arith.constant 40 : i32
      %scan3A_327 = arith.addi %scan3A_325, %scan3A_326 : i32
      %scan3A_328 = arith.constant 1 : i32
      %scan3A_329 = scf.for %scan3A_335 = %scan3A_325 to %scan3A_327 step %scan3A_328 iter_args(%scan3A_336 = %scan3A_324) -> (i32)  : i32 {
        %mul3A_337 = arith.constant 2 : i32
        %mul3A_338 = arith.muli %mul3A_337, %scan3A_335 : i32
        %add3A_339 = arith.constant 0 : i32
        %add3A_340 = arith.addi %mul3A_338, %add3A_339 : i32
        %get3A_341 = arith.index_cast %add3A_340 : i32 to index
        %get3A_342 = arith.constant 128 : index
        %get3A_343 = tpu.vector_load %arg12[%get3A_341, %get3A_342] {strides = array<i32>} : memref<80x144xf32, #tpu.memory_space<vmem>>, vector<1x16xf32>,
        %get3A_344 = vector.shape_cast %get3A_343 : vector<1x16xf32> to vector<16xf32>
        %get3A_345 = arith.index_cast %add3A_340 : i32 to index
        %get3A_346 = arith.constant 0 : index
        %get3A_347 = tpu.vector_load %arg12[%get3A_345, %get3A_346] {strides = array<i32>} : memref<80x144xf32, #tpu.memory_space<vmem>>, vector<1x16xf32>,
        %get3A_348 = vector.shape_cast %get3A_347 : vector<1x16xf32> to vector<16xf32>
        %slice3A = vector.extract_strided_slice %get3A_344 {offsets = [0], sizes = [1], strides = [1]} : vector<16xf32> to vector<1xf32>
        %squeeze3A = vector.extract %slice3A[0] : f32 from vector<1xf32>
        %broadcast_in_dim3A = vector.broadcast %squeeze3A : f32 to vector<16xf32>
        %mul3A_349 = arith.mulf %get3A_348, %broadcast_in_dim3A : vector<16xf32>
        %swap3A_350 = arith.index_cast %add3A_340 : i32 to index
        %swap3A_351 = arith.constant 0 : index
        %swap3A_352 = tpu.vector_load %arg12[%swap3A_350, %swap3A_351] {strides = array<i32>} : memref<80x144xf32, #tpu.memory_space<vmem>>, vector<1x16xf32>,
        %swap3A_353 = vector.shape_cast %swap3A_352 : vector<1x16xf32> to vector<16xf32>
        %swap3A_354 = vector.shape_cast %mul3A_349 : vector<16xf32> to vector<1x16xf32>
        tpu.vector_store %arg12[%swap3A_350, %swap3A_351], %swap3A_354 {strides = array<i32>} : memref<80x144xf32, #tpu.memory_space<vmem>>, vector<1x16xf32>,
        %get3A_355 = arith.index_cast %add3A_340 : i32 to index
        %get3A_356 = arith.constant 16 : index
        %get3A_357 = tpu.vector_load %arg12[%get3A_355, %get3A_356] {strides = array<i32>} : memref<80x144xf32, #tpu.memory_space<vmem>>, vector<1x16xf32>,
        %get3A_358 = vector.shape_cast %get3A_357 : vector<1x16xf32> to vector<16xf32>
        %slice3A_359 = vector.extract_strided_slice %get3A_344 {offsets = [1], sizes = [1], strides = [1]} : vector<16xf32> to vector<1xf32>
        %squeeze3A_360 = vector.extract %slice3A_359[0] : f32 from vector<1xf32>
        %broadcast_in_dim3A_361 = vector.broadcast %squeeze3A_360 : f32 to vector<16xf32>
        %mul3A_362 = arith.mulf %get3A_358, %broadcast_in_dim3A_361 : vector<16xf32>
        %swap3A_363 = arith.index_cast %add3A_340 : i32 to index
        %swap3A_364 = arith.constant 16 : index
        %swap3A_365 = tpu.vector_load %arg12[%swap3A_363, %swap3A_364] {strides = array<i32>} : memref<80x144xf32, #tpu.memory_space<vmem>>, vector<1x16xf32>,
        %swap3A_366 = vector.shape_cast %swap3A_365 : vector<1x16xf32> to vector<16xf32>
        %swap3A_367 = vector.shape_cast %mul3A_362 : vector<16xf32> to vector<1x16xf32>
        tpu.vector_store %arg12[%swap3A_363, %swap3A_364], %swap3A_367 {strides = array<i32>} : memref<80x144xf32, #tpu.memory_space<vmem>>, vector<1x16xf32>,
        %get3A_368 = arith.index_cast %add3A_340 : i32 to index
        %get3A_369 = arith.constant 32 : index
        %get3A_370 = tpu.vector_load %arg12[%get3A_368, %get3A_369] {strides = array<i32>} : memref<80x144xf32, #tpu.memory_space<vmem>>, vector<1x16xf32>,
        %get3A_371 = vector.shape_cast %get3A_370 : vector<1x16xf32> to vector<16xf32>
        %slice3A_372 = vector.extract_strided_slice %get3A_344 {offsets = [2], sizes = [1], strides = [1]} : vector<16xf32> to vector<1xf32>
        %squeeze3A_373 = vector.extract %slice3A_372[0] : f32 from vector<1xf32>
        %broadcast_in_dim3A_374 = vector.broadcast %squeeze3A_373 : f32 to vector<16xf32>
        %mul3A_375 = arith.mulf %get3A_371, %broadcast_in_dim3A_374 : vector<16xf32>
        %swap3A_376 = arith.index_cast %add3A_340 : i32 to index
        %swap3A_377 = arith.constant 32 : index
        %swap3A_378 = tpu.vector_load %arg12[%swap3A_376, %swap3A_377] {strides = array<i32>} : memref<80x144xf32, #tpu.memory_space<vmem>>, vector<1x16xf32>,
        %swap3A_379 = vector.shape_cast %swap3A_378 : vector<1x16xf32> to vector<16xf32>
        %swap3A_380 = vector.shape_cast %mul3A_375 : vector<16xf32> to vector<1x16xf32>
        tpu.vector_store %arg12[%swap3A_376, %swap3A_377], %swap3A_380 {strides = array<i32>} : memref<80x144xf32, #tpu.memory_space<vmem>>, vector<1x16xf32>,
        %get3A_381 = arith.index_cast %add3A_340 : i32 to index
        %get3A_382 = arith.constant 48 : index
        %get3A_383 = tpu.vector_load %arg12[%get3A_381, %get3A_382] {strides = array<i32>} : memref<80x144xf32, #tpu.memory_space<vmem>>, vector<1x16xf32>,
        %get3A_384 = vector.shape_cast %get3A_383 : vector<1x16xf32> to vector<16xf32>
        %slice3A_385 = vector.extract_strided_slice %get3A_344 {offsets = [3], sizes = [1], strides = [1]} : vector<16xf32> to vector<1xf32>
        %squeeze3A_386 = vector.extract %slice3A_385[0] : f32 from vector<1xf32>
        %broadcast_in_dim3A_387 = vector.broadcast %squeeze3A_386 : f32 to vector<16xf32>
        %mul3A_388 = arith.mulf %get3A_384, %broadcast_in_dim3A_387 : vector<16xf32>
        %swap3A_389 = arith.index_cast %add3A_340 : i32 to index
        %swap3A_390 = arith.constant 48 : index
        %swap3A_391 = tpu.vector_load %arg12[%swap3A_389, %swap3A_390] {strides = array<i32>} : memref<80x144xf32, #tpu.memory_space<vmem>>, vector<1x16xf32>,
        %swap3A_392 = vector.shape_cast %swap3A_391 : vector<1x16xf32> to vector<16xf32>
        %swap3A_393 = vector.shape_cast %mul3A_388 : vector<16xf32> to vector<1x16xf32>
        tpu.vector_store %arg12[%swap3A_389, %swap3A_390], %swap3A_393 {strides = array<i32>} : memref<80x144xf32, #tpu.memory_space<vmem>>, vector<1x16xf32>,
        %get3A_394 = arith.index_cast %add3A_340 : i32 to index
        %get3A_395 = arith.constant 64 : index
        %get3A_396 = tpu.vector_load %arg12[%get3A_394, %get3A_395] {strides = array<i32>} : memref<80x144xf32, #tpu.memory_space<vmem>>, vector<1x16xf32>,
        %get3A_397 = vector.shape_cast %get3A_396 : vector<1x16xf32> to vector<16xf32>
        %slice3A_398 = vector.extract_strided_slice %get3A_344 {offsets = [4], sizes = [1], strides = [1]} : vector<16xf32> to vector<1xf32>
        %squeeze3A_399 = vector.extract %slice3A_398[0] : f32 from vector<1xf32>
        %broadcast_in_dim3A_400 = vector.broadcast %squeeze3A_399 : f32 to vector<16xf32>
        %mul3A_401 = arith.mulf %get3A_397, %broadcast_in_dim3A_400 : vector<16xf32>
        %swap3A_402 = arith.index_cast %add3A_340 : i32 to index
        %swap3A_403 = arith.constant 64 : index
        %swap3A_404 = tpu.vector_load %arg12[%swap3A_402, %swap3A_403] {strides = array<i32>} : memref<80x144xf32, #tpu.memory_space<vmem>>, vector<1x16xf32>,
        %swap3A_405 = vector.shape_cast %swap3A_404 : vector<1x16xf32> to vector<16xf32>
        %swap3A_406 = vector.shape_cast %mul3A_401 : vector<16xf32> to vector<1x16xf32>
        tpu.vector_store %arg12[%swap3A_402, %swap3A_403], %swap3A_406 {strides = array<i32>} : memref<80x144xf32, #tpu.memory_space<vmem>>, vector<1x16xf32>,
        %get3A_407 = arith.index_cast %add3A_340 : i32 to index
        %get3A_408 = arith.constant 80 : index
        %get3A_409 = tpu.vector_load %arg12[%get3A_407, %get3A_408] {strides = array<i32>} : memref<80x144xf32, #tpu.memory_space<vmem>>, vector<1x16xf32>,
        %get3A_410 = vector.shape_cast %get3A_409 : vector<1x16xf32> to vector<16xf32>
        %slice3A_411 = vector.extract_strided_slice %get3A_344 {offsets = [5], sizes = [1], strides = [1]} : vector<16xf32> to vector<1xf32>
        %squeeze3A_412 = vector.extract %slice3A_411[0] : f32 from vector<1xf32>
        %broadcast_in_dim3A_413 = vector.broadcast %squeeze3A_412 : f32 to vector<16xf32>
        %mul3A_414 = arith.mulf %get3A_410, %broadcast_in_dim3A_413 : vector<16xf32>
        %swap3A_415 = arith.index_cast %add3A_340 : i32 to index
        %swap3A_416 = arith.constant 80 : index
        %swap3A_417 = tpu.vector_load %arg12[%swap3A_415, %swap3A_416] {strides = array<i32>} : memref<80x144xf32, #tpu.memory_space<vmem>>, vector<1x16xf32>,
        %swap3A_418 = vector.shape_cast %swap3A_417 : vector<1x16xf32> to vector<16xf32>
        %swap3A_419 = vector.shape_cast %mul3A_414 : vector<16xf32> to vector<1x16xf32>
        tpu.vector_store %arg12[%swap3A_415, %swap3A_416], %swap3A_419 {strides = array<i32>} : memref<80x144xf32, #tpu.memory_space<vmem>>, vector<1x16xf32>,
        %get3A_420 = arith.index_cast %add3A_340 : i32 to index
        %get3A_421 = arith.constant 96 : index
        %get3A_422 = tpu.vector_load %arg12[%get3A_420, %get3A_421] {strides = array<i32>} : memref<80x144xf32, #tpu.memory_space<vmem>>, vector<1x16xf32>,
        %get3A_423 = vector.shape_cast %get3A_422 : vector<1x16xf32> to vector<16xf32>
        %slice3A_424 = vector.extract_strided_slice %get3A_344 {offsets = [6], sizes = [1], strides = [1]} : vector<16xf32> to vector<1xf32>
        %squeeze3A_425 = vector.extract %slice3A_424[0] : f32 from vector<1xf32>
        %broadcast_in_dim3A_426 = vector.broadcast %squeeze3A_425 : f32 to vector<16xf32>
        %mul3A_427 = arith.mulf %get3A_423, %broadcast_in_dim3A_426 : vector<16xf32>
        %swap3A_428 = arith.index_cast %add3A_340 : i32 to index
        %swap3A_429 = arith.constant 96 : index
        %swap3A_430 = tpu.vector_load %arg12[%swap3A_428, %swap3A_429] {strides = array<i32>} : memref<80x144xf32, #tpu.memory_space<vmem>>, vector<1x16xf32>,
        %swap3A_431 = vector.shape_cast %swap3A_430 : vector<1x16xf32> to vector<16xf32>
        %swap3A_432 = vector.shape_cast %mul3A_427 : vector<16xf32> to vector<1x16xf32>
        tpu.vector_store %arg12[%swap3A_428, %swap3A_429], %swap3A_432 {strides = array<i32>} : memref<80x144xf32, #tpu.memory_space<vmem>>, vector<1x16xf32>,
        %get3A_433 = arith.index_cast %add3A_340 : i32 to index
        %get3A_434 = arith.constant 112 : index
        %get3A_435 = tpu.vector_load %arg12[%get3A_433, %get3A_434] {strides = array<i32>} : memref<80x144xf32, #tpu.memory_space<vmem>>, vector<1x16xf32>,
        %get3A_436 = vector.shape_cast %get3A_435 : vector<1x16xf32> to vector<16xf32>
        %slice3A_437 = vector.extract_strided_slice %get3A_344 {offsets = [7], sizes = [1], strides = [1]} : vector<16xf32> to vector<1xf32>
        %squeeze3A_438 = vector.extract %slice3A_437[0] : f32 from vector<1xf32>
        %broadcast_in_dim3A_439 = vector.broadcast %squeeze3A_438 : f32 to vector<16xf32>
        %mul3A_440 = arith.mulf %get3A_436, %broadcast_in_dim3A_439 : vector<16xf32>
        %swap3A_441 = arith.index_cast %add3A_340 : i32 to index
        %swap3A_442 = arith.constant 112 : index
        %swap3A_443 = tpu.vector_load %arg12[%swap3A_441, %swap3A_442] {strides = array<i32>} : memref<80x144xf32, #tpu.memory_space<vmem>>, vector<1x16xf32>,
        %swap3A_444 = vector.shape_cast %swap3A_443 : vector<1x16xf32> to vector<16xf32>
        %swap3A_445 = vector.shape_cast %mul3A_440 : vector<16xf32> to vector<1x16xf32>
        tpu.vector_store %arg12[%swap3A_441, %swap3A_442], %swap3A_445 {strides = array<i32>} : memref<80x144xf32, #tpu.memory_space<vmem>>, vector<1x16xf32>,
        %mul3A_446 = arith.constant 2 : i32
        %mul3A_447 = arith.muli %mul3A_446, %scan3A_335 : i32
        %add3A_448 = arith.constant 1 : i32
        %add3A_449 = arith.addi %mul3A_447, %add3A_448 : i32
        %get3A_450 = arith.index_cast %add3A_449 : i32 to index
        %get3A_451 = arith.constant 128 : index
        %get3A_452 = tpu.vector_load %arg12[%get3A_450, %get3A_451] {strides = array<i32>} : memref<80x144xf32, #tpu.memory_space<vmem>>, vector<1x16xf32>,
        %get3A_453 = vector.shape_cast %get3A_452 : vector<1x16xf32> to vector<16xf32>
        %get3A_454 = arith.index_cast %add3A_449 : i32 to index
        %get3A_455 = arith.constant 0 : index
        %get3A_456 = tpu.vector_load %arg12[%get3A_454, %get3A_455] {strides = array<i32>} : memref<80x144xf32, #tpu.memory_space<vmem>>, vector<1x16xf32>,
        %get3A_457 = vector.shape_cast %get3A_456 : vector<1x16xf32> to vector<16xf32>
        %slice3A_458 = vector.extract_strided_slice %get3A_453 {offsets = [0], sizes = [1], strides = [1]} : vector<16xf32> to vector<1xf32>
        %squeeze3A_459 = vector.extract %slice3A_458[0] : f32 from vector<1xf32>
        %broadcast_in_dim3A_460 = vector.broadcast %squeeze3A_459 : f32 to vector<16xf32>
        %mul3A_461 = arith.mulf %get3A_457, %broadcast_in_dim3A_460 : vector<16xf32>
        %swap3A_462 = arith.index_cast %add3A_449 : i32 to index
        %swap3A_463 = arith.constant 0 : index
        %swap3A_464 = tpu.vector_load %arg12[%swap3A_462, %swap3A_463] {strides = array<i32>} : memref<80x144xf32, #tpu.memory_space<vmem>>, vector<1x16xf32>,
        %swap3A_465 = vector.shape_cast %swap3A_464 : vector<1x16xf32> to vector<16xf32>
        %swap3A_466 = vector.shape_cast %mul3A_461 : vector<16xf32> to vector<1x16xf32>
        tpu.vector_store %arg12[%swap3A_462, %swap3A_463], %swap3A_466 {strides = array<i32>} : memref<80x144xf32, #tpu.memory_space<vmem>>, vector<1x16xf32>,
        %get3A_467 = arith.index_cast %add3A_449 : i32 to index
        %get3A_468 = arith.constant 16 : index
        %get3A_469 = tpu.vector_load %arg12[%get3A_467, %get3A_468] {strides = array<i32>} : memref<80x144xf32, #tpu.memory_space<vmem>>, vector<1x16xf32>,
        %get3A_470 = vector.shape_cast %get3A_469 : vector<1x16xf32> to vector<16xf32>
        %slice3A_471 = vector.extract_strided_slice %get3A_453 {offsets = [1], sizes = [1], strides = [1]} : vector<16xf32> to vector<1xf32>
        %squeeze3A_472 = vector.extract %slice3A_471[0] : f32 from vector<1xf32>
        %broadcast_in_dim3A_473 = vector.broadcast %squeeze3A_472 : f32 to vector<16xf32>
        %mul3A_474 = arith.mulf %get3A_470, %broadcast_in_dim3A_473 : vector<16xf32>
        %swap3A_475 = arith.index_cast %add3A_449 : i32 to index
        %swap3A_476 = arith.constant 16 : index
        %swap3A_477 = tpu.vector_load %arg12[%swap3A_475, %swap3A_476] {strides = array<i32>} : memref<80x144xf32, #tpu.memory_space<vmem>>, vector<1x16xf32>,
        %swap3A_478 = vector.shape_cast %swap3A_477 : vector<1x16xf32> to vector<16xf32>
        %swap3A_479 = vector.shape_cast %mul3A_474 : vector<16xf32> to vector<1x16xf32>
        tpu.vector_store %arg12[%swap3A_475, %swap3A_476], %swap3A_479 {strides = array<i32>} : memref<80x144xf32, #tpu.memory_space<vmem>>, vector<1x16xf32>,
        %get3A_480 = arith.index_cast %add3A_449 : i32 to index
        %get3A_481 = arith.constant 32 : index
        %get3A_482 = tpu.vector_load %arg12[%get3A_480, %get3A_481] {strides = array<i32>} : memref<80x144xf32, #tpu.memory_space<vmem>>, vector<1x16xf32>,
        %get3A_483 = vector.shape_cast %get3A_482 : vector<1x16xf32> to vector<16xf32>
        %slice3A_484 = vector.extract_strided_slice %get3A_453 {offsets = [2], sizes = [1], strides = [1]} : vector<16xf32> to vector<1xf32>
        %squeeze3A_485 = vector.extract %slice3A_484[0] : f32 from vector<1xf32>
        %broadcast_in_dim3A_486 = vector.broadcast %squeeze3A_485 : f32 to vector<16xf32>
        %mul3A_487 = arith.mulf %get3A_483, %broadcast_in_dim3A_486 : vector<16xf32>
        %swap3A_488 = arith.index_cast %add3A_449 : i32 to index
        %swap3A_489 = arith.constant 32 : index
        %swap3A_490 = tpu.vector_load %arg12[%swap3A_488, %swap3A_489] {strides = array<i32>} : memref<80x144xf32, #tpu.memory_space<vmem>>, vector<1x16xf32>,
        %swap3A_491 = vector.shape_cast %swap3A_490 : vector<1x16xf32> to vector<16xf32>
        %swap3A_492 = vector.shape_cast %mul3A_487 : vector<16xf32> to vector<1x16xf32>
        tpu.vector_store %arg12[%swap3A_488, %swap3A_489], %swap3A_492 {strides = array<i32>} : memref<80x144xf32, #tpu.memory_space<vmem>>, vector<1x16xf32>,
        %get3A_493 = arith.index_cast %add3A_449 : i32 to index
        %get3A_494 = arith.constant 48 : index
        %get3A_495 = tpu.vector_load %arg12[%get3A_493, %get3A_494] {strides = array<i32>} : memref<80x144xf32, #tpu.memory_space<vmem>>, vector<1x16xf32>,
        %get3A_496 = vector.shape_cast %get3A_495 : vector<1x16xf32> to vector<16xf32>
        %slice3A_497 = vector.extract_strided_slice %get3A_453 {offsets = [3], sizes = [1], strides = [1]} : vector<16xf32> to vector<1xf32>
        %squeeze3A_498 = vector.extract %slice3A_497[0] : f32 from vector<1xf32>
        %broadcast_in_dim3A_499 = vector.broadcast %squeeze3A_498 : f32 to vector<16xf32>
        %mul3A_500 = arith.mulf %get3A_496, %broadcast_in_dim3A_499 : vector<16xf32>
        %swap3A_501 = arith.index_cast %add3A_449 : i32 to index
        %swap3A_502 = arith.constant 48 : index
        %swap3A_503 = tpu.vector_load %arg12[%swap3A_501, %swap3A_502] {strides = array<i32>} : memref<80x144xf32, #tpu.memory_space<vmem>>, vector<1x16xf32>,
        %swap3A_504 = vector.shape_cast %swap3A_503 : vector<1x16xf32> to vector<16xf32>
        %swap3A_505 = vector.shape_cast %mul3A_500 : vector<16xf32> to vector<1x16xf32>
        tpu.vector_store %arg12[%swap3A_501, %swap3A_502], %swap3A_505 {strides = array<i32>} : memref<80x144xf32, #tpu.memory_space<vmem>>, vector<1x16xf32>,
        %get3A_506 = arith.index_cast %add3A_449 : i32 to index
        %get3A_507 = arith.constant 64 : index
        %get3A_508 = tpu.vector_load %arg12[%get3A_506, %get3A_507] {strides = array<i32>} : memref<80x144xf32, #tpu.memory_space<vmem>>, vector<1x16xf32>,
        %get3A_509 = vector.shape_cast %get3A_508 : vector<1x16xf32> to vector<16xf32>
        %slice3A_510 = vector.extract_strided_slice %get3A_453 {offsets = [4], sizes = [1], strides = [1]} : vector<16xf32> to vector<1xf32>
        %squeeze3A_511 = vector.extract %slice3A_510[0] : f32 from vector<1xf32>
        %broadcast_in_dim3A_512 = vector.broadcast %squeeze3A_511 : f32 to vector<16xf32>
        %mul3A_513 = arith.mulf %get3A_509, %broadcast_in_dim3A_512 : vector<16xf32>
        %swap3A_514 = arith.index_cast %add3A_449 : i32 to index
        %swap3A_515 = arith.constant 64 : index
        %swap3A_516 = tpu.vector_load %arg12[%swap3A_514, %swap3A_515] {strides = array<i32>} : memref<80x144xf32, #tpu.memory_space<vmem>>, vector<1x16xf32>,
        %swap3A_517 = vector.shape_cast %swap3A_516 : vector<1x16xf32> to vector<16xf32>
        %swap3A_518 = vector.shape_cast %mul3A_513 : vector<16xf32> to vector<1x16xf32>
        tpu.vector_store %arg12[%swap3A_514, %swap3A_515], %swap3A_518 {strides = array<i32>} : memref<80x144xf32, #tpu.memory_space<vmem>>, vector<1x16xf32>,
        %get3A_519 = arith.index_cast %add3A_449 : i32 to index
        %get3A_520 = arith.constant 80 : index
        %get3A_521 = tpu.vector_load %arg12[%get3A_519, %get3A_520] {strides = array<i32>} : memref<80x144xf32, #tpu.memory_space<vmem>>, vector<1x16xf32>,
        %get3A_522 = vector.shape_cast %get3A_521 : vector<1x16xf32> to vector<16xf32>
        %slice3A_523 = vector.extract_strided_slice %get3A_453 {offsets = [5], sizes = [1], strides = [1]} : vector<16xf32> to vector<1xf32>
        %squeeze3A_524 = vector.extract %slice3A_523[0] : f32 from vector<1xf32>
        %broadcast_in_dim3A_525 = vector.broadcast %squeeze3A_524 : f32 to vector<16xf32>
        %mul3A_526 = arith.mulf %get3A_522, %broadcast_in_dim3A_525 : vector<16xf32>
        %swap3A_527 = arith.index_cast %add3A_449 : i32 to index
        %swap3A_528 = arith.constant 80 : index
        %swap3A_529 = tpu.vector_load %arg12[%swap3A_527, %swap3A_528] {strides = array<i32>} : memref<80x144xf32, #tpu.memory_space<vmem>>, vector<1x16xf32>,
        %swap3A_530 = vector.shape_cast %swap3A_529 : vector<1x16xf32> to vector<16xf32>
        %swap3A_531 = vector.shape_cast %mul3A_526 : vector<16xf32> to vector<1x16xf32>
        tpu.vector_store %arg12[%swap3A_527, %swap3A_528], %swap3A_531 {strides = array<i32>} : memref<80x144xf32, #tpu.memory_space<vmem>>, vector<1x16xf32>,
        %get3A_532 = arith.index_cast %add3A_449 : i32 to index
        %get3A_533 = arith.constant 96 : index
        %get3A_534 = tpu.vector_load %arg12[%get3A_532, %get3A_533] {strides = array<i32>} : memref<80x144xf32, #tpu.memory_space<vmem>>, vector<1x16xf32>,
        %get3A_535 = vector.shape_cast %get3A_534 : vector<1x16xf32> to vector<16xf32>
        %slice3A_536 = vector.extract_strided_slice %get3A_453 {offsets = [6], sizes = [1], strides = [1]} : vector<16xf32> to vector<1xf32>
        %squeeze3A_537 = vector.extract %slice3A_536[0] : f32 from vector<1xf32>
        %broadcast_in_dim3A_538 = vector.broadcast %squeeze3A_537 : f32 to vector<16xf32>
        %mul3A_539 = arith.mulf %get3A_535, %broadcast_in_dim3A_538 : vector<16xf32>
        %swap3A_540 = arith.index_cast %add3A_449 : i32 to index
        %swap3A_541 = arith.constant 96 : index
        %swap3A_542 = tpu.vector_load %arg12[%swap3A_540, %swap3A_541] {strides = array<i32>} : memref<80x144xf32, #tpu.memory_space<vmem>>, vector<1x16xf32>,
        %swap3A_543 = vector.shape_cast %swap3A_542 : vector<1x16xf32> to vector<16xf32>
        %swap3A_544 = vector.shape_cast %mul3A_539 : vector<16xf32> to vector<1x16xf32>
        tpu.vector_store %arg12[%swap3A_540, %swap3A_541], %swap3A_544 {strides = array<i32>} : memref<80x144xf32, #tpu.memory_space<vmem>>, vector<1x16xf32>,
        %get3A_545 = arith.index_cast %add3A_449 : i32 to index
        %get3A_546 = arith.constant 112 : index
        %get3A_547 = tpu.vector_load %arg12[%get3A_545, %get3A_546] {strides = array<i32>} : memref<80x144xf32, #tpu.memory_space<vmem>>, vector<1x16xf32>,
        %get3A_548 = vector.shape_cast %get3A_547 : vector<1x16xf32> to vector<16xf32>
        %slice3A_549 = vector.extract_strided_slice %get3A_453 {offsets = [7], sizes = [1], strides = [1]} : vector<16xf32> to vector<1xf32>
        %squeeze3A_550 = vector.extract %slice3A_549[0] : f32 from vector<1xf32>
        %broadcast_in_dim3A_551 = vector.broadcast %squeeze3A_550 : f32 to vector<16xf32>
        %mul3A_552 = arith.mulf %get3A_548, %broadcast_in_dim3A_551 : vector<16xf32>
        %swap3A_553 = arith.index_cast %add3A_449 : i32 to index
        %swap3A_554 = arith.constant 112 : index
        %swap3A_555 = tpu.vector_load %arg12[%swap3A_553, %swap3A_554] {strides = array<i32>} : memref<80x144xf32, #tpu.memory_space<vmem>>, vector<1x16xf32>,
        %swap3A_556 = vector.shape_cast %swap3A_555 : vector<1x16xf32> to vector<16xf32>
        %swap3A_557 = vector.shape_cast %mul3A_552 : vector<16xf32> to vector<1x16xf32>
        tpu.vector_store %arg12[%swap3A_553, %swap3A_554], %swap3A_557 {strides = array<i32>} : memref<80x144xf32, #tpu.memory_space<vmem>>, vector<1x16xf32>,
        %scan3A_558 = arith.constant 0 : i32
        scf.yield %scan3A_558 : i32
      }
      %scan3A_330 = arith.constant 40 : i32
      %dma_start3A_331 = arith.constant 0 : i32
      %dma_start3A_332 = arith.constant 0 : i32
      %dma_start3A_333 = tpu.memref_slice %arg17[%dma_start3A_331, %dma_start3A_332] : memref<10000x144xf32, #tpu.memory_space<vmem_shared>> -> memref<10000x144xf32, #tpu.memory_space<vmem_shared>>
      tpu.enqueue_indirect_dma source(%arg12 : memref<80x144xf32, #tpu.memory_space<vmem>>) target(%dma_start3A_333 : memref<10000x144xf32, #tpu.memory_space<vmem_shared>>) offsets(%arg15 : memref<80xi32, #tpu.memory_space<vmem>>) semaphore(%arg23 : memref<!tpu.dma_semaphore, #tpu.memory_space<semaphore_mem>>) {add = true}
      %scan3A_334 = arith.constant 0 : i32
      scf.yield %scan3A_334 : i32
    }
    %scan3A_64 = arith.constant 62 : i32
    %dma_wait3A_65 = arith.constant 0 : i32
    %dma_wait3A_66 = arith.constant 0 : i32
    %dma_wait3A_67 = tpu.memref_slice %arg17[%dma_wait3A_65, %dma_wait3A_66] : memref<10000x144xf32, #tpu.memory_space<vmem_shared>> -> memref<10000x144xf32, #tpu.memory_space<vmem_shared>>
    tpu.wait_indirect_dma semaphore(%arg23 : memref<!tpu.dma_semaphore, #tpu.memory_space<semaphore_mem>>) src(%arg12 : memref<80x144xf32, #tpu.memory_space<vmem>>) dst(%dma_wait3A_67 : memref<10000x144xf32, #tpu.memory_space<vmem_shared>>)
    %dma_wait3A_68 = arith.constant 0 : i32
    %dma_wait3A_69 = arith.constant 0 : i32
    %dma_wait3A_70 = tpu.memref_slice %arg2[%dma_wait3A_68, %dma_wait3A_69] : memref<10000x144xf32, #tpu.memory_space<hbm>> -> memref<80x144xf32, #tpu.memory_space<hbm>>
    %dma_wait3A_71 = arith.constant 0 : i32
    %dma_wait3A_72 = arith.constant 0 : i32
    %dma_wait3A_73 = tpu.memref_slice %arg2[%dma_wait3A_71, %dma_wait3A_72] : memref<10000x144xf32, #tpu.memory_space<hbm>> -> memref<80x144xf32, #tpu.memory_space<hbm>>
    tpu.wait_dma2 semaphore(%arg20 : memref<!tpu.dma_semaphore, #tpu.memory_space<semaphore_mem>>) src(%dma_wait3A_73 : memref<80x144xf32, #tpu.memory_space<hbm>>) dst(%arg8 : memref<80x144xf32, #tpu.memory_space<vmem>>)
    %dma_wait3A_74 = arith.constant 0 : i32
    %dma_wait3A_75 = arith.constant 0 : i32
    %dma_wait3A_76 = tpu.memref_slice %arg3[%dma_wait3A_74, %dma_wait3A_75] : memref<10000x16xf32, #tpu.memory_space<hbm>> -> memref<80x16xf32, #tpu.memory_space<hbm>>
    %dma_wait3A_77 = arith.constant 0 : i32
    %dma_wait3A_78 = arith.constant 0 : i32
    %dma_wait3A_79 = tpu.memref_slice %arg3[%dma_wait3A_77, %dma_wait3A_78] : memref<10000x16xf32, #tpu.memory_space<hbm>> -> memref<80x16xf32, #tpu.memory_space<hbm>>
    tpu.wait_dma2 semaphore(%arg20 : memref<!tpu.dma_semaphore, #tpu.memory_space<semaphore_mem>>) src(%dma_wait3A_79 : memref<80x16xf32, #tpu.memory_space<hbm>>) dst(%arg9 : memref<80x16xf32, #tpu.memory_space<vmem>>)
    %get3A = arith.constant 0 : index
    %get3A_80 = tpu.vector_load %arg7[%get3A] {strides = array<i32>} : memref<80xi32, #tpu.memory_space<vmem>>, vector<16xi32>,
    %get3A_81 = vector.shape_cast %get3A_80 : vector<16xi32> to vector<16xi32>
    %swap3A = arith.constant 0 : index
    %swap3A_82 = tpu.vector_load %arg14[%swap3A] {strides = array<i32>} : memref<80xi32, #tpu.memory_space<vmem>>, vector<16xi32>,
    %swap3A_83 = vector.shape_cast %swap3A_82 : vector<16xi32> to vector<16xi32>
    %swap3A_84 = vector.shape_cast %get3A_81 : vector<16xi32> to vector<16xi32>
    tpu.vector_store %arg14[%swap3A], %swap3A_84 {strides = array<i32>} : memref<80xi32, #tpu.memory_space<vmem>>, vector<16xi32>,
    %get3A_85 = arith.constant 16 : index
    %get3A_86 = tpu.vector_load %arg7[%get3A_85] {strides = array<i32>} : memref<80xi32, #tpu.memory_space<vmem>>, vector<16xi32>,
    %get3A_87 = vector.shape_cast %get3A_86 : vector<16xi32> to vector<16xi32>
    %swap3A_88 = arith.constant 16 : index
    %swap3A_89 = tpu.vector_load %arg14[%swap3A_88] {strides = array<i32>} : memref<80xi32, #tpu.memory_space<vmem>>, vector<16xi32>,
    %swap3A_90 = vector.shape_cast %swap3A_89 : vector<16xi32> to vector<16xi32>
    %swap3A_91 = vector.shape_cast %get3A_87 : vector<16xi32> to vector<16xi32>
    tpu.vector_store %arg14[%swap3A_88], %swap3A_91 {strides = array<i32>} : memref<80xi32, #tpu.memory_space<vmem>>, vector<16xi32>,
    %get3A_92 = arith.constant 32 : index
    %get3A_93 = tpu.vector_load %arg7[%get3A_92] {strides = array<i32>} : memref<80xi32, #tpu.memory_space<vmem>>, vector<16xi32>,
    %get3A_94 = vector.shape_cast %get3A_93 : vector<16xi32> to vector<16xi32>
    %swap3A_95 = arith.constant 32 : index
    %swap3A_96 = tpu.vector_load %arg14[%swap3A_95] {strides = array<i32>} : memref<80xi32, #tpu.memory_space<vmem>>, vector<16xi32>,
    %swap3A_97 = vector.shape_cast %swap3A_96 : vector<16xi32> to vector<16xi32>
    %swap3A_98 = vector.shape_cast %get3A_94 : vector<16xi32> to vector<16xi32>
    tpu.vector_store %arg14[%swap3A_95], %swap3A_98 {strides = array<i32>} : memref<80xi32, #tpu.memory_space<vmem>>, vector<16xi32>,
    %get3A_99 = arith.constant 48 : index
    %get3A_100 = tpu.vector_load %arg7[%get3A_99] {strides = array<i32>} : memref<80xi32, #tpu.memory_space<vmem>>, vector<16xi32>,
    %get3A_101 = vector.shape_cast %get3A_100 : vector<16xi32> to vector<16xi32>
    %swap3A_102 = arith.constant 48 : index
    %swap3A_103 = tpu.vector_load %arg14[%swap3A_102] {strides = array<i32>} : memref<80xi32, #tpu.memory_space<vmem>>, vector<16xi32>,
    %swap3A_104 = vector.shape_cast %swap3A_103 : vector<16xi32> to vector<16xi32>
    %swap3A_105 = vector.shape_cast %get3A_101 : vector<16xi32> to vector<16xi32>
    tpu.vector_store %arg14[%swap3A_102], %swap3A_105 {strides = array<i32>} : memref<80xi32, #tpu.memory_space<vmem>>, vector<16xi32>,
    %get3A_106 = arith.constant 64 : index
    %get3A_107 = tpu.vector_load %arg7[%get3A_106] {strides = array<i32>} : memref<80xi32, #tpu.memory_space<vmem>>, vector<16xi32>,
    %get3A_108 = vector.shape_cast %get3A_107 : vector<16xi32> to vector<16xi32>
    %swap3A_109 = arith.constant 64 : index
    %swap3A_110 = tpu.vector_load %arg14[%swap3A_109] {strides = array<i32>} : memref<80xi32, #tpu.memory_space<vmem>>, vector<16xi32>,
    %swap3A_111 = vector.shape_cast %swap3A_110 : vector<16xi32> to vector<16xi32>
    %swap3A_112 = vector.shape_cast %get3A_108 : vector<16xi32> to vector<16xi32>
    tpu.vector_store %arg14[%swap3A_109], %swap3A_112 {strides = array<i32>} : memref<80xi32, #tpu.memory_space<vmem>>, vector<16xi32>,
    %scan3A_113 = arith.constant 0 : i32
    %scan3A_114 = arith.constant 0 : i32
    %scan3A_115 = arith.constant 20 : i32
    %scan3A_116 = arith.addi %scan3A_114, %scan3A_115 : i32
    %scan3A_117 = arith.constant 1 : i32
    %scan3A_118 = scf.for %scan3A_138 = %scan3A_114 to %scan3A_116 step %scan3A_117 iter_args(%scan3A_139 = %scan3A_113) -> (i32)  : i32 {
      %mul3A_140 = arith.constant 4 : i32
      %mul3A_141 = arith.muli %mul3A_140, %scan3A_138 : i32
      %add3A_142 = arith.constant 0 : i32
      %add3A_143 = arith.addi %mul3A_141, %add3A_142 : i32
      %get3A_144 = arith.index_cast %add3A_143 : i32 to index
      %get3A_145 = arith.constant 128 : index
      %get3A_146 = tpu.vector_load %arg8[%get3A_144, %get3A_145] {strides = array<i32>} : memref<80x144xf32, #tpu.memory_space<vmem>>, vector<1x16xf32>,
      %get3A_147 = vector.shape_cast %get3A_146 : vector<1x16xf32> to vector<16xf32>
      %get3A_148 = arith.index_cast %add3A_143 : i32 to index
      %get3A_149 = arith.constant 0 : index
      %get3A_150 = tpu.vector_load %arg9[%get3A_148, %get3A_149] {strides = array<i32>} : memref<80x16xf32, #tpu.memory_space<vmem>>, vector<1x16xf32>,
      %get3A_151 = vector.shape_cast %get3A_150 : vector<1x16xf32> to vector<16xf32>
      %add3A_152 = arith.addf %get3A_147, %get3A_151 : vector<16xf32>
      %ge3A = arith.constant 0.000000e+00 : f32
      %ge3A_153 = vector.broadcast %ge3A : f32 to vector<16xf32>
      %ge3A_154 = arith.cmpf oge, %add3A_152, %ge3A_153 : vector<16xf32>
      %mul3A_155 = arith.constant 2.000000e-01 : f32
      %mul3A_156 = vector.broadcast %mul3A_155 : f32 to vector<16xf32>
      %mul3A_157 = arith.mulf %mul3A_156, %add3A_152 : vector<16xf32>
      %select_n3A = arith.select %ge3A_154, %add3A_152, %mul3A_157 : vector<16xi1>, vector<16xf32>
      %exp3A = math.exp %select_n3A : vector<16xf32>
      %swap3A_158 = arith.index_cast %add3A_143 : i32 to index
      %swap3A_159 = arith.constant 128 : index
      %swap3A_160 = tpu.vector_load %arg8[%swap3A_158, %swap3A_159] {strides = array<i32>} : memref<80x144xf32, #tpu.memory_space<vmem>>, vector<1x16xf32>,
      %swap3A_161 = vector.shape_cast %swap3A_160 : vector<1x16xf32> to vector<16xf32>
      %swap3A_162 = vector.shape_cast %exp3A : vector<16xf32> to vector<1x16xf32>
      tpu.vector_store %arg8[%swap3A_158, %swap3A_159], %swap3A_162 {strides = array<i32>} : memref<80x144xf32, #tpu.memory_space<vmem>>, vector<1x16xf32>,
      %mul3A_163 = arith.constant 4 : i32
      %mul3A_164 = arith.muli %mul3A_163, %scan3A_138 : i32
      %add3A_165 = arith.constant 1 : i32
      %add3A_166 = arith.addi %mul3A_164, %add3A_165 : i32
      %get3A_167 = arith.index_cast %add3A_166 : i32 to index
      %get3A_168 = arith.constant 128 : index
      %get3A_169 = tpu.vector_load %arg8[%get3A_167, %get3A_168] {strides = array<i32>} : memref<80x144xf32, #tpu.memory_space<vmem>>, vector<1x16xf32>,
      %get3A_170 = vector.shape_cast %get3A_169 : vector<1x16xf32> to vector<16xf32>
      %get3A_171 = arith.index_cast %add3A_166 : i32 to index
      %get3A_172 = arith.constant 0 : index
      %get3A_173 = tpu.vector_load %arg9[%get3A_171, %get3A_172] {strides = array<i32>} : memref<80x16xf32, #tpu.memory_space<vmem>>, vector<1x16xf32>,
      %get3A_174 = vector.shape_cast %get3A_173 : vector<1x16xf32> to vector<16xf32>
      %add3A_175 = arith.addf %get3A_170, %get3A_174 : vector<16xf32>
      %ge3A_176 = arith.constant 0.000000e+00 : f32
      %ge3A_177 = vector.broadcast %ge3A_176 : f32 to vector<16xf32>
      %ge3A_178 = arith.cmpf oge, %add3A_175, %ge3A_177 : vector<16xf32>
      %mul3A_179 = arith.constant 2.000000e-01 : f32
      %mul3A_180 = vector.broadcast %mul3A_179 : f32 to vector<16xf32>
      %mul3A_181 = arith.mulf %mul3A_180, %add3A_175 : vector<16xf32>
      %select_n3A_182 = arith.select %ge3A_178, %add3A_175, %mul3A_181 : vector<16xi1>, vector<16xf32>
      %exp3A_183 = math.exp %select_n3A_182 : vector<16xf32>
      %swap3A_184 = arith.index_cast %add3A_166 : i32 to index
      %swap3A_185 = arith.constant 128 : index
      %swap3A_186 = tpu.vector_load %arg8[%swap3A_184, %swap3A_185] {strides = array<i32>} : memref<80x144xf32, #tpu.memory_space<vmem>>, vector<1x16xf32>,
      %swap3A_187 = vector.shape_cast %swap3A_186 : vector<1x16xf32> to vector<16xf32>
      %swap3A_188 = vector.shape_cast %exp3A_183 : vector<16xf32> to vector<1x16xf32>
      tpu.vector_store %arg8[%swap3A_184, %swap3A_185], %swap3A_188 {strides = array<i32>} : memref<80x144xf32, #tpu.memory_space<vmem>>, vector<1x16xf32>,
      %mul3A_189 = arith.constant 4 : i32
      %mul3A_190 = arith.muli %mul3A_189, %scan3A_138 : i32
      %add3A_191 = arith.constant 2 : i32
      %add3A_192 = arith.addi %mul3A_190, %add3A_191 : i32
      %get3A_193 = arith.index_cast %add3A_192 : i32 to index
      %get3A_194 = arith.constant 128 : index
      %get3A_195 = tpu.vector_load %arg8[%get3A_193, %get3A_194] {strides = array<i32>} : memref<80x144xf32, #tpu.memory_space<vmem>>, vector<1x16xf32>,
      %get3A_196 = vector.shape_cast %get3A_195 : vector<1x16xf32> to vector<16xf32>
      %get3A_197 = arith.index_cast %add3A_192 : i32 to index
      %get3A_198 = arith.constant 0 : index
      %get3A_199 = tpu.vector_load %arg9[%get3A_197, %get3A_198] {strides = array<i32>} : memref<80x16xf32, #tpu.memory_space<vmem>>, vector<1x16xf32>,
      %get3A_200 = vector.shape_cast %get3A_199 : vector<1x16xf32> to vector<16xf32>
      %add3A_201 = arith.addf %get3A_196, %get3A_200 : vector<16xf32>
      %ge3A_202 = arith.constant 0.000000e+00 : f32
      %ge3A_203 = vector.broadcast %ge3A_202 : f32 to vector<16xf32>
      %ge3A_204 = arith.cmpf oge, %add3A_201, %ge3A_203 : vector<16xf32>
      %mul3A_205 = arith.constant 2.000000e-01 : f32
      %mul3A_206 = vector.broadcast %mul3A_205 : f32 to vector<16xf32>
      %mul3A_207 = arith.mulf %mul3A_206, %add3A_201 : vector<16xf32>
      %select_n3A_208 = arith.select %ge3A_204, %add3A_201, %mul3A_207 : vector<16xi1>, vector<16xf32>
      %exp3A_209 = math.exp %select_n3A_208 : vector<16xf32>
      %swap3A_210 = arith.index_cast %add3A_192 : i32 to index
      %swap3A_211 = arith.constant 128 : index
      %swap3A_212 = tpu.vector_load %arg8[%swap3A_210, %swap3A_211] {strides = array<i32>} : memref<80x144xf32, #tpu.memory_space<vmem>>, vector<1x16xf32>,
      %swap3A_213 = vector.shape_cast %swap3A_212 : vector<1x16xf32> to vector<16xf32>
      %swap3A_214 = vector.shape_cast %exp3A_209 : vector<16xf32> to vector<1x16xf32>
      tpu.vector_store %arg8[%swap3A_210, %swap3A_211], %swap3A_214 {strides = array<i32>} : memref<80x144xf32, #tpu.memory_space<vmem>>, vector<1x16xf32>,
      %mul3A_215 = arith.constant 4 : i32
      %mul3A_216 = arith.muli %mul3A_215, %scan3A_138 : i32
      %add3A_217 = arith.constant 3 : i32
      %add3A_218 = arith.addi %mul3A_216, %add3A_217 : i32
      %get3A_219 = arith.index_cast %add3A_218 : i32 to index
      %get3A_220 = arith.constant 128 : index
      %get3A_221 = tpu.vector_load %arg8[%get3A_219, %get3A_220] {strides = array<i32>} : memref<80x144xf32, #tpu.memory_space<vmem>>, vector<1x16xf32>,
      %get3A_222 = vector.shape_cast %get3A_221 : vector<1x16xf32> to vector<16xf32>
      %get3A_223 = arith.index_cast %add3A_218 : i32 to index
      %get3A_224 = arith.constant 0 : index
      %get3A_225 = tpu.vector_load %arg9[%get3A_223, %get3A_224] {strides = array<i32>} : memref<80x16xf32, #tpu.memory_space<vmem>>, vector<1x16xf32>,
      %get3A_226 = vector.shape_cast %get3A_225 : vector<1x16xf32> to vector<16xf32>
      %add3A_227 = arith.addf %get3A_222, %get3A_226 : vector<16xf32>
      %ge3A_228 = arith.constant 0.000000e+00 : f32
      %ge3A_229 = vector.broadcast %ge3A_228 : f32 to vector<16xf32>
      %ge3A_230 = arith.cmpf oge, %add3A_227, %ge3A_229 : vector<16xf32>
      %mul3A_231 = arith.constant 2.000000e-01 : f32
      %mul3A_232 = vector.broadcast %mul3A_231 : f32 to vector<16xf32>
      %mul3A_233 = arith.mulf %mul3A_232, %add3A_227 : vector<16xf32>
      %select_n3A_234 = arith.select %ge3A_230, %add3A_227, %mul3A_233 : vector<16xi1>, vector<16xf32>
      %exp3A_235 = math.exp %select_n3A_234 : vector<16xf32>
      %swap3A_236 = arith.index_cast %add3A_218 : i32 to index
      %swap3A_237 = arith.constant 128 : index
      %swap3A_238 = tpu.vector_load %arg8[%swap3A_236, %swap3A_237] {strides = array<i32>} : memref<80x144xf32, #tpu.memory_space<vmem>>, vector<1x16xf32>,
      %swap3A_239 = vector.shape_cast %swap3A_238 : vector<1x16xf32> to vector<16xf32>
      %swap3A_240 = vector.shape_cast %exp3A_235 : vector<16xf32> to vector<1x16xf32>
      tpu.vector_store %arg8[%swap3A_236, %swap3A_237], %swap3A_240 {strides = array<i32>} : memref<80x144xf32, #tpu.memory_space<vmem>>, vector<1x16xf32>,
      %scan3A_241 = arith.constant 0 : i32
      scf.yield %scan3A_241 : i32
    }
    %scan3A_119 = arith.constant 20 : i32
    %scan3A_120 = arith.constant 0 : i32
    %scan3A_121 = arith.constant 0 : i32
    %scan3A_122 = arith.constant 40 : i32
    %scan3A_123 = arith.addi %scan3A_121, %scan3A_122 : i32
    %scan3A_124 = arith.constant 1 : i32
    %scan3A_125 = scf.for %scan3A_138 = %scan3A_121 to %scan3A_123 step %scan3A_124 iter_args(%scan3A_139 = %scan3A_120) -> (i32)  : i32 {
      %mul3A_140 = arith.constant 2 : i32
      %mul3A_141 = arith.muli %mul3A_140, %scan3A_138 : i32
      %add3A_142 = arith.constant 0 : i32
      %add3A_143 = arith.addi %mul3A_141, %add3A_142 : i32
      %get3A_144 = arith.index_cast %add3A_143 : i32 to index
      %get3A_145 = arith.constant 128 : index
      %get3A_146 = tpu.vector_load %arg8[%get3A_144, %get3A_145] {strides = array<i32>} : memref<80x144xf32, #tpu.memory_space<vmem>>, vector<1x16xf32>,
      %get3A_147 = vector.shape_cast %get3A_146 : vector<1x16xf32> to vector<16xf32>
      %get3A_148 = arith.index_cast %add3A_143 : i32 to index
      %get3A_149 = arith.constant 0 : index
      %get3A_150 = tpu.vector_load %arg8[%get3A_148, %get3A_149] {strides = array<i32>} : memref<80x144xf32, #tpu.memory_space<vmem>>, vector<1x16xf32>,
      %get3A_151 = vector.shape_cast %get3A_150 : vector<1x16xf32> to vector<16xf32>
      %slice3A = vector.extract_strided_slice %get3A_147 {offsets = [0], sizes = [1], strides = [1]} : vector<16xf32> to vector<1xf32>
      %squeeze3A = vector.extract %slice3A[0] : f32 from vector<1xf32>
      %broadcast_in_dim3A = vector.broadcast %squeeze3A : f32 to vector<16xf32>
      %mul3A_152 = arith.mulf %get3A_151, %broadcast_in_dim3A : vector<16xf32>
      %swap3A_153 = arith.index_cast %add3A_143 : i32 to index
      %swap3A_154 = arith.constant 0 : index
      %swap3A_155 = tpu.vector_load %arg8[%swap3A_153, %swap3A_154] {strides = array<i32>} : memref<80x144xf32, #tpu.memory_space<vmem>>, vector<1x16xf32>,
      %swap3A_156 = vector.shape_cast %swap3A_155 : vector<1x16xf32> to vector<16xf32>
      %swap3A_157 = vector.shape_cast %mul3A_152 : vector<16xf32> to vector<1x16xf32>
      tpu.vector_store %arg8[%swap3A_153, %swap3A_154], %swap3A_157 {strides = array<i32>} : memref<80x144xf32, #tpu.memory_space<vmem>>, vector<1x16xf32>,
      %get3A_158 = arith.index_cast %add3A_143 : i32 to index
      %get3A_159 = arith.constant 16 : index
      %get3A_160 = tpu.vector_load %arg8[%get3A_158, %get3A_159] {strides = array<i32>} : memref<80x144xf32, #tpu.memory_space<vmem>>, vector<1x16xf32>,
      %get3A_161 = vector.shape_cast %get3A_160 : vector<1x16xf32> to vector<16xf32>
      %slice3A_162 = vector.extract_strided_slice %get3A_147 {offsets = [1], sizes = [1], strides = [1]} : vector<16xf32> to vector<1xf32>
      %squeeze3A_163 = vector.extract %slice3A_162[0] : f32 from vector<1xf32>
      %broadcast_in_dim3A_164 = vector.broadcast %squeeze3A_163 : f32 to vector<16xf32>
      %mul3A_165 = arith.mulf %get3A_161, %broadcast_in_dim3A_164 : vector<16xf32>
      %swap3A_166 = arith.index_cast %add3A_143 : i32 to index
      %swap3A_167 = arith.constant 16 : index
      %swap3A_168 = tpu.vector_load %arg8[%swap3A_166, %swap3A_167] {strides = array<i32>} : memref<80x144xf32, #tpu.memory_space<vmem>>, vector<1x16xf32>,
      %swap3A_169 = vector.shape_cast %swap3A_168 : vector<1x16xf32> to vector<16xf32>
      %swap3A_170 = vector.shape_cast %mul3A_165 : vector<16xf32> to vector<1x16xf32>
      tpu.vector_store %arg8[%swap3A_166, %swap3A_167], %swap3A_170 {strides = array<i32>} : memref<80x144xf32, #tpu.memory_space<vmem>>, vector<1x16xf32>,
      %get3A_171 = arith.index_cast %add3A_143 : i32 to index
      %get3A_172 = arith.constant 32 : index
      %get3A_173 = tpu.vector_load %arg8[%get3A_171, %get3A_172] {strides = array<i32>} : memref<80x144xf32, #tpu.memory_space<vmem>>, vector<1x16xf32>,
      %get3A_174 = vector.shape_cast %get3A_173 : vector<1x16xf32> to vector<16xf32>
      %slice3A_175 = vector.extract_strided_slice %get3A_147 {offsets = [2], sizes = [1], strides = [1]} : vector<16xf32> to vector<1xf32>
      %squeeze3A_176 = vector.extract %slice3A_175[0] : f32 from vector<1xf32>
      %broadcast_in_dim3A_177 = vector.broadcast %squeeze3A_176 : f32 to vector<16xf32>
      %mul3A_178 = arith.mulf %get3A_174, %broadcast_in_dim3A_177 : vector<16xf32>
      %swap3A_179 = arith.index_cast %add3A_143 : i32 to index
      %swap3A_180 = arith.constant 32 : index
      %swap3A_181 = tpu.vector_load %arg8[%swap3A_179, %swap3A_180] {strides = array<i32>} : memref<80x144xf32, #tpu.memory_space<vmem>>, vector<1x16xf32>,
      %swap3A_182 = vector.shape_cast %swap3A_181 : vector<1x16xf32> to vector<16xf32>
      %swap3A_183 = vector.shape_cast %mul3A_178 : vector<16xf32> to vector<1x16xf32>
      tpu.vector_store %arg8[%swap3A_179, %swap3A_180], %swap3A_183 {strides = array<i32>} : memref<80x144xf32, #tpu.memory_space<vmem>>, vector<1x16xf32>,
      %get3A_184 = arith.index_cast %add3A_143 : i32 to index
      %get3A_185 = arith.constant 48 : index
      %get3A_186 = tpu.vector_load %arg8[%get3A_184, %get3A_185] {strides = array<i32>} : memref<80x144xf32, #tpu.memory_space<vmem>>, vector<1x16xf32>,
      %get3A_187 = vector.shape_cast %get3A_186 : vector<1x16xf32> to vector<16xf32>
      %slice3A_188 = vector.extract_strided_slice %get3A_147 {offsets = [3], sizes = [1], strides = [1]} : vector<16xf32> to vector<1xf32>
      %squeeze3A_189 = vector.extract %slice3A_188[0] : f32 from vector<1xf32>
      %broadcast_in_dim3A_190 = vector.broadcast %squeeze3A_189 : f32 to vector<16xf32>
      %mul3A_191 = arith.mulf %get3A_187, %broadcast_in_dim3A_190 : vector<16xf32>
      %swap3A_192 = arith.index_cast %add3A_143 : i32 to index
      %swap3A_193 = arith.constant 48 : index
      %swap3A_194 = tpu.vector_load %arg8[%swap3A_192, %swap3A_193] {strides = array<i32>} : memref<80x144xf32, #tpu.memory_space<vmem>>, vector<1x16xf32>,
      %swap3A_195 = vector.shape_cast %swap3A_194 : vector<1x16xf32> to vector<16xf32>
      %swap3A_196 = vector.shape_cast %mul3A_191 : vector<16xf32> to vector<1x16xf32>
      tpu.vector_store %arg8[%swap3A_192, %swap3A_193], %swap3A_196 {strides = array<i32>} : memref<80x144xf32, #tpu.memory_space<vmem>>, vector<1x16xf32>,
      %get3A_197 = arith.index_cast %add3A_143 : i32 to index
      %get3A_198 = arith.constant 64 : index
      %get3A_199 = tpu.vector_load %arg8[%get3A_197, %get3A_198] {strides = array<i32>} : memref<80x144xf32, #tpu.memory_space<vmem>>, vector<1x16xf32>,
      %get3A_200 = vector.shape_cast %get3A_199 : vector<1x16xf32> to vector<16xf32>
      %slice3A_201 = vector.extract_strided_slice %get3A_147 {offsets = [4], sizes = [1], strides = [1]} : vector<16xf32> to vector<1xf32>
      %squeeze3A_202 = vector.extract %slice3A_201[0] : f32 from vector<1xf32>
      %broadcast_in_dim3A_203 = vector.broadcast %squeeze3A_202 : f32 to vector<16xf32>
      %mul3A_204 = arith.mulf %get3A_200, %broadcast_in_dim3A_203 : vector<16xf32>
      %swap3A_205 = arith.index_cast %add3A_143 : i32 to index
      %swap3A_206 = arith.constant 64 : index
      %swap3A_207 = tpu.vector_load %arg8[%swap3A_205, %swap3A_206] {strides = array<i32>} : memref<80x144xf32, #tpu.memory_space<vmem>>, vector<1x16xf32>,
      %swap3A_208 = vector.shape_cast %swap3A_207 : vector<1x16xf32> to vector<16xf32>
      %swap3A_209 = vector.shape_cast %mul3A_204 : vector<16xf32> to vector<1x16xf32>
      tpu.vector_store %arg8[%swap3A_205, %swap3A_206], %swap3A_209 {strides = array<i32>} : memref<80x144xf32, #tpu.memory_space<vmem>>, vector<1x16xf32>,
      %get3A_210 = arith.index_cast %add3A_143 : i32 to index
      %get3A_211 = arith.constant 80 : index
      %get3A_212 = tpu.vector_load %arg8[%get3A_210, %get3A_211] {strides = array<i32>} : memref<80x144xf32, #tpu.memory_space<vmem>>, vector<1x16xf32>,
      %get3A_213 = vector.shape_cast %get3A_212 : vector<1x16xf32> to vector<16xf32>
      %slice3A_214 = vector.extract_strided_slice %get3A_147 {offsets = [5], sizes = [1], strides = [1]} : vector<16xf32> to vector<1xf32>
      %squeeze3A_215 = vector.extract %slice3A_214[0] : f32 from vector<1xf32>
      %broadcast_in_dim3A_216 = vector.broadcast %squeeze3A_215 : f32 to vector<16xf32>
      %mul3A_217 = arith.mulf %get3A_213, %broadcast_in_dim3A_216 : vector<16xf32>
      %swap3A_218 = arith.index_cast %add3A_143 : i32 to index
      %swap3A_219 = arith.constant 80 : index
      %swap3A_220 = tpu.vector_load %arg8[%swap3A_218, %swap3A_219] {strides = array<i32>} : memref<80x144xf32, #tpu.memory_space<vmem>>, vector<1x16xf32>,
      %swap3A_221 = vector.shape_cast %swap3A_220 : vector<1x16xf32> to vector<16xf32>
      %swap3A_222 = vector.shape_cast %mul3A_217 : vector<16xf32> to vector<1x16xf32>
      tpu.vector_store %arg8[%swap3A_218, %swap3A_219], %swap3A_222 {strides = array<i32>} : memref<80x144xf32, #tpu.memory_space<vmem>>, vector<1x16xf32>,
      %get3A_223 = arith.index_cast %add3A_143 : i32 to index
      %get3A_224 = arith.constant 96 : index
      %get3A_225 = tpu.vector_load %arg8[%get3A_223, %get3A_224] {strides = array<i32>} : memref<80x144xf32, #tpu.memory_space<vmem>>, vector<1x16xf32>,
      %get3A_226 = vector.shape_cast %get3A_225 : vector<1x16xf32> to vector<16xf32>
      %slice3A_227 = vector.extract_strided_slice %get3A_147 {offsets = [6], sizes = [1], strides = [1]} : vector<16xf32> to vector<1xf32>
      %squeeze3A_228 = vector.extract %slice3A_227[0] : f32 from vector<1xf32>
      %broadcast_in_dim3A_229 = vector.broadcast %squeeze3A_228 : f32 to vector<16xf32>
      %mul3A_230 = arith.mulf %get3A_226, %broadcast_in_dim3A_229 : vector<16xf32>
      %swap3A_231 = arith.index_cast %add3A_143 : i32 to index
      %swap3A_232 = arith.constant 96 : index
      %swap3A_233 = tpu.vector_load %arg8[%swap3A_231, %swap3A_232] {strides = array<i32>} : memref<80x144xf32, #tpu.memory_space<vmem>>, vector<1x16xf32>,
      %swap3A_234 = vector.shape_cast %swap3A_233 : vector<1x16xf32> to vector<16xf32>
      %swap3A_235 = vector.shape_cast %mul3A_230 : vector<16xf32> to vector<1x16xf32>
      tpu.vector_store %arg8[%swap3A_231, %swap3A_232], %swap3A_235 {strides = array<i32>} : memref<80x144xf32, #tpu.memory_space<vmem>>, vector<1x16xf32>,
      %get3A_236 = arith.index_cast %add3A_143 : i32 to index
      %get3A_237 = arith.constant 112 : index
      %get3A_238 = tpu.vector_load %arg8[%get3A_236, %get3A_237] {strides = array<i32>} : memref<80x144xf32, #tpu.memory_space<vmem>>, vector<1x16xf32>,
      %get3A_239 = vector.shape_cast %get3A_238 : vector<1x16xf32> to vector<16xf32>
      %slice3A_240 = vector.extract_strided_slice %get3A_147 {offsets = [7], sizes = [1], strides = [1]} : vector<16xf32> to vector<1xf32>
      %squeeze3A_241 = vector.extract %slice3A_240[0] : f32 from vector<1xf32>
      %broadcast_in_dim3A_242 = vector.broadcast %squeeze3A_241 : f32 to vector<16xf32>
      %mul3A_243 = arith.mulf %get3A_239, %broadcast_in_dim3A_242 : vector<16xf32>
      %swap3A_244 = arith.index_cast %add3A_143 : i32 to index
      %swap3A_245 = arith.constant 112 : index
      %swap3A_246 = tpu.vector_load %arg8[%swap3A_244, %swap3A_245] {strides = array<i32>} : memref<80x144xf32, #tpu.memory_space<vmem>>, vector<1x16xf32>,
      %swap3A_247 = vector.shape_cast %swap3A_246 : vector<1x16xf32> to vector<16xf32>
      %swap3A_248 = vector.shape_cast %mul3A_243 : vector<16xf32> to vector<1x16xf32>
      tpu.vector_store %arg8[%swap3A_244, %swap3A_245], %swap3A_248 {strides = array<i32>} : memref<80x144xf32, #tpu.memory_space<vmem>>, vector<1x16xf32>,
      %mul3A_249 = arith.constant 2 : i32
      %mul3A_250 = arith.muli %mul3A_249, %scan3A_138 : i32
      %add3A_251 = arith.constant 1 : i32
      %add3A_252 = arith.addi %mul3A_250, %add3A_251 : i32
      %get3A_253 = arith.index_cast %add3A_252 : i32 to index
      %get3A_254 = arith.constant 128 : index
      %get3A_255 = tpu.vector_load %arg8[%get3A_253, %get3A_254] {strides = array<i32>} : memref<80x144xf32, #tpu.memory_space<vmem>>, vector<1x16xf32>,
      %get3A_256 = vector.shape_cast %get3A_255 : vector<1x16xf32> to vector<16xf32>
      %get3A_257 = arith.index_cast %add3A_252 : i32 to index
      %get3A_258 = arith.constant 0 : index
      %get3A_259 = tpu.vector_load %arg8[%get3A_257, %get3A_258] {strides = array<i32>} : memref<80x144xf32, #tpu.memory_space<vmem>>, vector<1x16xf32>,
      %get3A_260 = vector.shape_cast %get3A_259 : vector<1x16xf32> to vector<16xf32>
      %slice3A_261 = vector.extract_strided_slice %get3A_256 {offsets = [0], sizes = [1], strides = [1]} : vector<16xf32> to vector<1xf32>
      %squeeze3A_262 = vector.extract %slice3A_261[0] : f32 from vector<1xf32>
      %broadcast_in_dim3A_263 = vector.broadcast %squeeze3A_262 : f32 to vector<16xf32>
      %mul3A_264 = arith.mulf %get3A_260, %broadcast_in_dim3A_263 : vector<16xf32>
      %swap3A_265 = arith.index_cast %add3A_252 : i32 to index
      %swap3A_266 = arith.constant 0 : index
      %swap3A_267 = tpu.vector_load %arg8[%swap3A_265, %swap3A_266] {strides = array<i32>} : memref<80x144xf32, #tpu.memory_space<vmem>>, vector<1x16xf32>,
      %swap3A_268 = vector.shape_cast %swap3A_267 : vector<1x16xf32> to vector<16xf32>
      %swap3A_269 = vector.shape_cast %mul3A_264 : vector<16xf32> to vector<1x16xf32>
      tpu.vector_store %arg8[%swap3A_265, %swap3A_266], %swap3A_269 {strides = array<i32>} : memref<80x144xf32, #tpu.memory_space<vmem>>, vector<1x16xf32>,
      %get3A_270 = arith.index_cast %add3A_252 : i32 to index
      %get3A_271 = arith.constant 16 : index
      %get3A_272 = tpu.vector_load %arg8[%get3A_270, %get3A_271] {strides = array<i32>} : memref<80x144xf32, #tpu.memory_space<vmem>>, vector<1x16xf32>,
      %get3A_273 = vector.shape_cast %get3A_272 : vector<1x16xf32> to vector<16xf32>
      %slice3A_274 = vector.extract_strided_slice %get3A_256 {offsets = [1], sizes = [1], strides = [1]} : vector<16xf32> to vector<1xf32>
      %squeeze3A_275 = vector.extract %slice3A_274[0] : f32 from vector<1xf32>
      %broadcast_in_dim3A_276 = vector.broadcast %squeeze3A_275 : f32 to vector<16xf32>
      %mul3A_277 = arith.mulf %get3A_273, %broadcast_in_dim3A_276 : vector<16xf32>
      %swap3A_278 = arith.index_cast %add3A_252 : i32 to index
      %swap3A_279 = arith.constant 16 : index
      %swap3A_280 = tpu.vector_load %arg8[%swap3A_278, %swap3A_279] {strides = array<i32>} : memref<80x144xf32, #tpu.memory_space<vmem>>, vector<1x16xf32>,
      %swap3A_281 = vector.shape_cast %swap3A_280 : vector<1x16xf32> to vector<16xf32>
      %swap3A_282 = vector.shape_cast %mul3A_277 : vector<16xf32> to vector<1x16xf32>
      tpu.vector_store %arg8[%swap3A_278, %swap3A_279], %swap3A_282 {strides = array<i32>} : memref<80x144xf32, #tpu.memory_space<vmem>>, vector<1x16xf32>,
      %get3A_283 = arith.index_cast %add3A_252 : i32 to index
      %get3A_284 = arith.constant 32 : index
      %get3A_285 = tpu.vector_load %arg8[%get3A_283, %get3A_284] {strides = array<i32>} : memref<80x144xf32, #tpu.memory_space<vmem>>, vector<1x16xf32>,
      %get3A_286 = vector.shape_cast %get3A_285 : vector<1x16xf32> to vector<16xf32>
      %slice3A_287 = vector.extract_strided_slice %get3A_256 {offsets = [2], sizes = [1], strides = [1]} : vector<16xf32> to vector<1xf32>
      %squeeze3A_288 = vector.extract %slice3A_287[0] : f32 from vector<1xf32>
      %broadcast_in_dim3A_289 = vector.broadcast %squeeze3A_288 : f32 to vector<16xf32>
      %mul3A_290 = arith.mulf %get3A_286, %broadcast_in_dim3A_289 : vector<16xf32>
      %swap3A_291 = arith.index_cast %add3A_252 : i32 to index
      %swap3A_292 = arith.constant 32 : index
      %swap3A_293 = tpu.vector_load %arg8[%swap3A_291, %swap3A_292] {strides = array<i32>} : memref<80x144xf32, #tpu.memory_space<vmem>>, vector<1x16xf32>,
      %swap3A_294 = vector.shape_cast %swap3A_293 : vector<1x16xf32> to vector<16xf32>
      %swap3A_295 = vector.shape_cast %mul3A_290 : vector<16xf32> to vector<1x16xf32>
      tpu.vector_store %arg8[%swap3A_291, %swap3A_292], %swap3A_295 {strides = array<i32>} : memref<80x144xf32, #tpu.memory_space<vmem>>, vector<1x16xf32>,
      %get3A_296 = arith.index_cast %add3A_252 : i32 to index
      %get3A_297 = arith.constant 48 : index
      %get3A_298 = tpu.vector_load %arg8[%get3A_296, %get3A_297] {strides = array<i32>} : memref<80x144xf32, #tpu.memory_space<vmem>>, vector<1x16xf32>,
      %get3A_299 = vector.shape_cast %get3A_298 : vector<1x16xf32> to vector<16xf32>
      %slice3A_300 = vector.extract_strided_slice %get3A_256 {offsets = [3], sizes = [1], strides = [1]} : vector<16xf32> to vector<1xf32>
      %squeeze3A_301 = vector.extract %slice3A_300[0] : f32 from vector<1xf32>
      %broadcast_in_dim3A_302 = vector.broadcast %squeeze3A_301 : f32 to vector<16xf32>
      %mul3A_303 = arith.mulf %get3A_299, %broadcast_in_dim3A_302 : vector<16xf32>
      %swap3A_304 = arith.index_cast %add3A_252 : i32 to index
      %swap3A_305 = arith.constant 48 : index
      %swap3A_306 = tpu.vector_load %arg8[%swap3A_304, %swap3A_305] {strides = array<i32>} : memref<80x144xf32, #tpu.memory_space<vmem>>, vector<1x16xf32>,
      %swap3A_307 = vector.shape_cast %swap3A_306 : vector<1x16xf32> to vector<16xf32>
      %swap3A_308 = vector.shape_cast %mul3A_303 : vector<16xf32> to vector<1x16xf32>
      tpu.vector_store %arg8[%swap3A_304, %swap3A_305], %swap3A_308 {strides = array<i32>} : memref<80x144xf32, #tpu.memory_space<vmem>>, vector<1x16xf32>,
      %get3A_309 = arith.index_cast %add3A_252 : i32 to index
      %get3A_310 = arith.constant 64 : index
      %get3A_311 = tpu.vector_load %arg8[%get3A_309, %get3A_310] {strides = array<i32>} : memref<80x144xf32, #tpu.memory_space<vmem>>, vector<1x16xf32>,
      %get3A_312 = vector.shape_cast %get3A_311 : vector<1x16xf32> to vector<16xf32>
      %slice3A_313 = vector.extract_strided_slice %get3A_256 {offsets = [4], sizes = [1], strides = [1]} : vector<16xf32> to vector<1xf32>
      %squeeze3A_314 = vector.extract %slice3A_313[0] : f32 from vector<1xf32>
      %broadcast_in_dim3A_315 = vector.broadcast %squeeze3A_314 : f32 to vector<16xf32>
      %mul3A_316 = arith.mulf %get3A_312, %broadcast_in_dim3A_315 : vector<16xf32>
      %swap3A_317 = arith.index_cast %add3A_252 : i32 to index
      %swap3A_318 = arith.constant 64 : index
      %swap3A_319 = tpu.vector_load %arg8[%swap3A_317, %swap3A_318] {strides = array<i32>} : memref<80x144xf32, #tpu.memory_space<vmem>>, vector<1x16xf32>,
      %swap3A_320 = vector.shape_cast %swap3A_319 : vector<1x16xf32> to vector<16xf32>
      %swap3A_321 = vector.shape_cast %mul3A_316 : vector<16xf32> to vector<1x16xf32>
      tpu.vector_store %arg8[%swap3A_317, %swap3A_318], %swap3A_321 {strides = array<i32>} : memref<80x144xf32, #tpu.memory_space<vmem>>, vector<1x16xf32>,
      %get3A_322 = arith.index_cast %add3A_252 : i32 to index
      %get3A_323 = arith.constant 80 : index
      %get3A_324 = tpu.vector_load %arg8[%get3A_322, %get3A_323] {strides = array<i32>} : memref<80x144xf32, #tpu.memory_space<vmem>>, vector<1x16xf32>,
      %get3A_325 = vector.shape_cast %get3A_324 : vector<1x16xf32> to vector<16xf32>
      %slice3A_326 = vector.extract_strided_slice %get3A_256 {offsets = [5], sizes = [1], strides = [1]} : vector<16xf32> to vector<1xf32>
      %squeeze3A_327 = vector.extract %slice3A_326[0] : f32 from vector<1xf32>
      %broadcast_in_dim3A_328 = vector.broadcast %squeeze3A_327 : f32 to vector<16xf32>
      %mul3A_329 = arith.mulf %get3A_325, %broadcast_in_dim3A_328 : vector<16xf32>
      %swap3A_330 = arith.index_cast %add3A_252 : i32 to index
      %swap3A_331 = arith.constant 80 : index
      %swap3A_332 = tpu.vector_load %arg8[%swap3A_330, %swap3A_331] {strides = array<i32>} : memref<80x144xf32, #tpu.memory_space<vmem>>, vector<1x16xf32>,
      %swap3A_333 = vector.shape_cast %swap3A_332 : vector<1x16xf32> to vector<16xf32>
      %swap3A_334 = vector.shape_cast %mul3A_329 : vector<16xf32> to vector<1x16xf32>
      tpu.vector_store %arg8[%swap3A_330, %swap3A_331], %swap3A_334 {strides = array<i32>} : memref<80x144xf32, #tpu.memory_space<vmem>>, vector<1x16xf32>,
      %get3A_335 = arith.index_cast %add3A_252 : i32 to index
      %get3A_336 = arith.constant 96 : index
      %get3A_337 = tpu.vector_load %arg8[%get3A_335, %get3A_336] {strides = array<i32>} : memref<80x144xf32, #tpu.memory_space<vmem>>, vector<1x16xf32>,
      %get3A_338 = vector.shape_cast %get3A_337 : vector<1x16xf32> to vector<16xf32>
      %slice3A_339 = vector.extract_strided_slice %get3A_256 {offsets = [6], sizes = [1], strides = [1]} : vector<16xf32> to vector<1xf32>
      %squeeze3A_340 = vector.extract %slice3A_339[0] : f32 from vector<1xf32>
      %broadcast_in_dim3A_341 = vector.broadcast %squeeze3A_340 : f32 to vector<16xf32>
      %mul3A_342 = arith.mulf %get3A_338, %broadcast_in_dim3A_341 : vector<16xf32>
      %swap3A_343 = arith.index_cast %add3A_252 : i32 to index
      %swap3A_344 = arith.constant 96 : index
      %swap3A_345 = tpu.vector_load %arg8[%swap3A_343, %swap3A_344] {strides = array<i32>} : memref<80x144xf32, #tpu.memory_space<vmem>>, vector<1x16xf32>,
      %swap3A_346 = vector.shape_cast %swap3A_345 : vector<1x16xf32> to vector<16xf32>
      %swap3A_347 = vector.shape_cast %mul3A_342 : vector<16xf32> to vector<1x16xf32>
      tpu.vector_store %arg8[%swap3A_343, %swap3A_344], %swap3A_347 {strides = array<i32>} : memref<80x144xf32, #tpu.memory_space<vmem>>, vector<1x16xf32>,
      %get3A_348 = arith.index_cast %add3A_252 : i32 to index
      %get3A_349 = arith.constant 112 : index
      %get3A_350 = tpu.vector_load %arg8[%get3A_348, %get3A_349] {strides = array<i32>} : memref<80x144xf32, #tpu.memory_space<vmem>>, vector<1x16xf32>,
      %get3A_351 = vector.shape_cast %get3A_350 : vector<1x16xf32> to vector<16xf32>
      %slice3A_352 = vector.extract_strided_slice %get3A_256 {offsets = [7], sizes = [1], strides = [1]} : vector<16xf32> to vector<1xf32>
      %squeeze3A_353 = vector.extract %slice3A_352[0] : f32 from vector<1xf32>
      %broadcast_in_dim3A_354 = vector.broadcast %squeeze3A_353 : f32 to vector<16xf32>
      %mul3A_355 = arith.mulf %get3A_351, %broadcast_in_dim3A_354 : vector<16xf32>
      %swap3A_356 = arith.index_cast %add3A_252 : i32 to index
      %swap3A_357 = arith.constant 112 : index
      %swap3A_358 = tpu.vector_load %arg8[%swap3A_356, %swap3A_357] {strides = array<i32>} : memref<80x144xf32, #tpu.memory_space<vmem>>, vector<1x16xf32>,
      %swap3A_359 = vector.shape_cast %swap3A_358 : vector<1x16xf32> to vector<16xf32>
      %swap3A_360 = vector.shape_cast %mul3A_355 : vector<16xf32> to vector<1x16xf32>
      tpu.vector_store %arg8[%swap3A_356, %swap3A_357], %swap3A_360 {strides = array<i32>} : memref<80x144xf32, #tpu.memory_space<vmem>>, vector<1x16xf32>,
      %scan3A_361 = arith.constant 0 : i32
      scf.yield %scan3A_361 : i32
    }
    %scan3A_126 = arith.constant 40 : i32
    %dma_start3A_127 = arith.constant 0 : i32
    %dma_start3A_128 = arith.constant 0 : i32
    %dma_start3A_129 = tpu.memref_slice %arg17[%dma_start3A_127, %dma_start3A_128] : memref<10000x144xf32, #tpu.memory_space<vmem_shared>> -> memref<10000x144xf32, #tpu.memory_space<vmem_shared>>
    tpu.enqueue_indirect_dma source(%arg8 : memref<80x144xf32, #tpu.memory_space<vmem>>) target(%dma_start3A_129 : memref<10000x144xf32, #tpu.memory_space<vmem_shared>>) offsets(%arg14 : memref<80xi32, #tpu.memory_space<vmem>>) semaphore(%arg22 : memref<!tpu.dma_semaphore, #tpu.memory_space<semaphore_mem>>) {add = true}
    %dma_wait3A_130 = arith.constant 0 : i32
    %dma_wait3A_131 = arith.constant 0 : i32
    %dma_wait3A_132 = tpu.memref_slice %arg17[%dma_wait3A_130, %dma_wait3A_131] : memref<10000x144xf32, #tpu.memory_space<vmem_shared>> -> memref<10000x144xf32, #tpu.memory_space<vmem_shared>>
    tpu.wait_indirect_dma semaphore(%arg22 : memref<!tpu.dma_semaphore, #tpu.memory_space<semaphore_mem>>) src(%arg8 : memref<80x144xf32, #tpu.memory_space<vmem>>) dst(%dma_wait3A_132 : memref<10000x144xf32, #tpu.memory_space<vmem_shared>>)
    %barrier3A_133 = arith.constant 0 : index
    tpu.barrier barrier_id(%barrier3A_133)
    %mul3A_134 = arith.constant 625 : i32
    %mul3A_135 = arith.muli %arg1, %mul3A_134 : i32
    %mul3A_136 = arith.constant 625 : i32
    %mul3A_137 = arith.muli %arg1, %mul3A_136 : i32
    "tpu.region"() ({
      %run_scoped3A = tpu.sem_alloc : memref<!tpu.dma_semaphore, #tpu.memory_space<semaphore_mem>>
      %dma_start3A_138 = arith.constant 0 : i32
      %dma_start3A_139 = tpu.memref_slice %arg5[%arg0, %mul3A_137, %dma_start3A_138] : memref<2x10000x144xf32, #tpu.memory_space<hbm>> -> memref<1x625x144xf32, #tpu.memory_space<hbm>>
      %dma_start3A_140 = tpu.memref_squeeze %dma_start3A_139 : memref<1x625x144xf32, #tpu.memory_space<hbm>> -> memref<625x144xf32, #tpu.memory_space<hbm>>
      %dma_start3A_141 = arith.constant 0 : i32
      %dma_start3A_142 = tpu.memref_slice %arg17[%mul3A_135, %dma_start3A_141] : memref<10000x144xf32, #tpu.memory_space<vmem_shared>> -> memref<625x144xf32, #tpu.memory_space<vmem_shared>>
      tpu.enqueue_dma source(%dma_start3A_142 : memref<625x144xf32, #tpu.memory_space<vmem_shared>>) target(%dma_start3A_140 : memref<625x144xf32, #tpu.memory_space<hbm>>) target_semaphore(%run_scoped3A : memref<!tpu.dma_semaphore, #tpu.memory_space<semaphore_mem>>)
      %dma_wait3A_143 = arith.constant 0 : i32
      %dma_wait3A_144 = tpu.memref_slice %arg5[%arg0, %mul3A_137, %dma_wait3A_143] : memref<2x10000x144xf32, #tpu.memory_space<hbm>> -> memref<1x625x144xf32, #tpu.memory_space<hbm>>
      %dma_wait3A_145 = tpu.memref_squeeze %dma_wait3A_144 : memref<1x625x144xf32, #tpu.memory_space<hbm>> -> memref<625x144xf32, #tpu.memory_space<hbm>>
      %dma_wait3A_146 = arith.constant 0 : i32
      %dma_wait3A_147 = tpu.memref_slice %arg17[%mul3A_135, %dma_wait3A_146] : memref<10000x144xf32, #tpu.memory_space<vmem_shared>> -> memref<625x144xf32, #tpu.memory_space<vmem_shared>>
      tpu.wait_dma2 semaphore(%run_scoped3A : memref<!tpu.dma_semaphore, #tpu.memory_space<semaphore_mem>>) src(%dma_wait3A_147 : memref<625x144xf32, #tpu.memory_space<vmem_shared>>) dst(%dma_wait3A_145 : memref<625x144xf32, #tpu.memory_space<hbm>>)
      tpu.yield
    }) : () -> ()
    return
  }
}

module attributes {stable_mosaic.version = 14 : i64} {
  func.func @_tc_pre_body(%arg0: i32, %arg1: memref<1000x128xf32, #tpu.memory_space<vmem>>, %arg2: memref<1000x128xf32, #tpu.memory_space<vmem>>, %arg3: memref<128x128xf32, #tpu.memory_space<vmem>>, %arg4: memref<1x128xf32, #tpu.memory_space<vmem>>, %arg5: memref<128x128xf32, #tpu.memory_space<vmem>>, %arg6: memref<1x128xf32, #tpu.memory_space<vmem>>, %arg7: memref<1x128xf32, #tpu.memory_space<vmem>>, %arg8: memref<1x128xf32, #tpu.memory_space<vmem>>, %arg9: memref<128x16xf32, #tpu.memory_space<vmem>>, %arg10: memref<1000x144xf32, #tpu.memory_space<vmem>>, %arg11: memref<1000x16xf32, #tpu.memory_space<vmem>>) attributes {dimension_semantics = [#tpu.dimension_semantics<arbitrary>], iteration_bounds = array<i64: 10>, scalar_prefetch = 0 : i64, scratch_operands = 0 : i64, tpu.core_type = #tpu.core_type<tc>, window_params = [{transform_indices = @transform_0, window_bounds = array<i64: 1000, 128>}, {transform_indices = @transform_1, window_bounds = array<i64: 1000, 128>}, {pipeline_mode = #tpu.pipeline_mode<synchronous>, transform_indices = @transform_2, window_bounds = array<i64: 128, 128>}, {pipeline_mode = #tpu.pipeline_mode<synchronous>, transform_indices = @transform_3, window_bounds = array<i64: 1, 128>}, {pipeline_mode = #tpu.pipeline_mode<synchronous>, transform_indices = @transform_4, window_bounds = array<i64: 128, 128>}, {pipeline_mode = #tpu.pipeline_mode<synchronous>, transform_indices = @transform_5, window_bounds = array<i64: 1, 128>}, {pipeline_mode = #tpu.pipeline_mode<synchronous>, transform_indices = @transform_6, window_bounds = array<i64: 1, 128>}, {pipeline_mode = #tpu.pipeline_mode<synchronous>, transform_indices = @transform_7, window_bounds = array<i64: 1, 128>}, {pipeline_mode = #tpu.pipeline_mode<synchronous>, transform_indices = @transform_8, window_bounds = array<i64: 128, 16>}, {transform_indices = @transform_9, window_bounds = array<i64: 1000, 144>}, {transform_indices = @transform_10, window_bounds = array<i64: 1000, 16>}]} {
    %get3A = arith.constant 0 : index
    %get3A_0 = arith.constant 0 : index
    %get3A_1 = vector.load %arg1[%get3A, %get3A_0] : memref<1000x128xf32, #tpu.memory_space<vmem>>, vector<1000x128xf32>
    %get3A_2 = arith.constant 0 : index
    %get3A_3 = arith.constant 0 : index
    %get3A_4 = vector.load %arg3[%get3A_2, %get3A_3] : memref<128x128xf32, #tpu.memory_space<vmem>>, vector<128x128xf32>
    %dot_general3A = arith.constant dense<0.000000e+00> : vector<1000x128xf32>
    %dot_general3A_5 = tpu.matmul %get3A_1, %get3A_4, %dot_general3A {dimension_numbers = #tpu.dot_dimension_numbers<[1], [0], [0], [1], [0, 0, 1, 1], [], []>, transpose_lhs_hint = false} : vector<1000x128xf32>, vector<128x128xf32>, vector<1000x128xf32> -> vector<1000x128xf32>
    %get3A_6 = arith.constant 0 : index
    %get3A_7 = arith.constant 0 : index
    %get3A_8 = vector.load %arg4[%get3A_6, %get3A_7] : memref<1x128xf32, #tpu.memory_space<vmem>>, vector<1x128xf32>
    %add3A = vector.broadcast %get3A_8 : vector<1x128xf32> to vector<1000x128xf32>
    %add3A_9 = arith.addf %dot_general3A_5, %add3A : vector<1000x128xf32>
    %get3A_10 = arith.constant 0 : index
    %get3A_11 = arith.constant 0 : index
    %get3A_12 = vector.load %arg7[%get3A_10, %get3A_11] : memref<1x128xf32, #tpu.memory_space<vmem>>, vector<1x128xf32>
    %mul3A = vector.broadcast %get3A_12 : vector<1x128xf32> to vector<1000x128xf32>
    %mul3A_13 = arith.mulf %add3A_9, %mul3A : vector<1000x128xf32>
    %get3A_14 = arith.constant 0 : index
    %get3A_15 = arith.constant 0 : index
    %get3A_16 = vector.load %arg9[%get3A_14, %get3A_15] : memref<128x16xf32, #tpu.memory_space<vmem>>, vector<128x16xf32>
    %dot_general3A_17 = arith.constant dense<0.000000e+00> : vector<1000x16xf32>
    %dot_general3A_18 = tpu.matmul %mul3A_13, %get3A_16, %dot_general3A_17 {dimension_numbers = #tpu.dot_dimension_numbers<[1], [0], [0], [1], [0, 0, 1, 1], [], []>, transpose_lhs_hint = false} : vector<1000x128xf32>, vector<128x16xf32>, vector<1000x16xf32> -> vector<1000x16xf32>
    %swap3A = arith.constant 0 : index
    %swap3A_19 = arith.constant 0 : index
    %swap3A_20 = vector.load %arg10[%swap3A, %swap3A_19] : memref<1000x144xf32, #tpu.memory_space<vmem>>, vector<1000x128xf32>
    tpu.vector_store %arg10[%swap3A, %swap3A_19], %add3A_9 {strides = array<i32>} : memref<1000x144xf32, #tpu.memory_space<vmem>>, vector<1000x128xf32>,
    %swap3A_21 = arith.constant 0 : index
    %swap3A_22 = arith.constant 128 : index
    %swap3A_23 = vector.load %arg10[%swap3A_21, %swap3A_22] : memref<1000x144xf32, #tpu.memory_space<vmem>>, vector<1000x16xf32>
    tpu.vector_store %arg10[%swap3A_21, %swap3A_22], %dot_general3A_18 {strides = array<i32>} : memref<1000x144xf32, #tpu.memory_space<vmem>>, vector<1000x16xf32>,
    %get3A_24 = arith.constant 0 : index
    %get3A_25 = arith.constant 0 : index
    %get3A_26 = vector.load %arg2[%get3A_24, %get3A_25] : memref<1000x128xf32, #tpu.memory_space<vmem>>, vector<1000x128xf32>
    %get3A_27 = arith.constant 0 : index
    %get3A_28 = arith.constant 0 : index
    %get3A_29 = vector.load %arg5[%get3A_27, %get3A_28] : memref<128x128xf32, #tpu.memory_space<vmem>>, vector<128x128xf32>
    %dot_general3A_30 = arith.constant dense<0.000000e+00> : vector<1000x128xf32>
    %dot_general3A_31 = tpu.matmul %get3A_26, %get3A_29, %dot_general3A_30 {dimension_numbers = #tpu.dot_dimension_numbers<[1], [0], [0], [1], [0, 0, 1, 1], [], []>, transpose_lhs_hint = false} : vector<1000x128xf32>, vector<128x128xf32>, vector<1000x128xf32> -> vector<1000x128xf32>
    %get3A_32 = arith.constant 0 : index
    %get3A_33 = arith.constant 0 : index
    %get3A_34 = vector.load %arg6[%get3A_32, %get3A_33] : memref<1x128xf32, #tpu.memory_space<vmem>>, vector<1x128xf32>
    %add3A_35 = vector.broadcast %get3A_34 : vector<1x128xf32> to vector<1000x128xf32>
    %add3A_36 = arith.addf %dot_general3A_31, %add3A_35 : vector<1000x128xf32>
    %get3A_37 = arith.constant 0 : index
    %get3A_38 = arith.constant 0 : index
    %get3A_39 = vector.load %arg8[%get3A_37, %get3A_38] : memref<1x128xf32, #tpu.memory_space<vmem>>, vector<1x128xf32>
    %mul3A_40 = vector.broadcast %get3A_39 : vector<1x128xf32> to vector<1000x128xf32>
    %mul3A_41 = arith.mulf %add3A_36, %mul3A_40 : vector<1000x128xf32>
    %get3A_42 = arith.constant 0 : index
    %get3A_43 = arith.constant 0 : index
    %get3A_44 = vector.load %arg9[%get3A_42, %get3A_43] : memref<128x16xf32, #tpu.memory_space<vmem>>, vector<128x16xf32>
    %dot_general3A_45 = arith.constant dense<0.000000e+00> : vector<1000x16xf32>
    %dot_general3A_46 = tpu.matmul %mul3A_41, %get3A_44, %dot_general3A_45 {dimension_numbers = #tpu.dot_dimension_numbers<[1], [0], [0], [1], [0, 0, 1, 1], [], []>, transpose_lhs_hint = false} : vector<1000x128xf32>, vector<128x16xf32>, vector<1000x16xf32> -> vector<1000x16xf32>
    %swap3A_47 = arith.constant 0 : index
    %swap3A_48 = arith.constant 0 : index
    %swap3A_49 = vector.load %arg11[%swap3A_47, %swap3A_48] : memref<1000x16xf32, #tpu.memory_space<vmem>>, vector<1000x16xf32>
    tpu.vector_store %arg11[%swap3A_47, %swap3A_48], %dot_general3A_46 {strides = array<i32>} : memref<1000x16xf32, #tpu.memory_space<vmem>>, vector<1000x16xf32>,
    return
  }
  func.func @transform_0(%arg0: i32) -> (i32, i32) {
    %c0_i32 = arith.constant 0 : i32
    %c0_i32_0 = arith.constant 0 : i32
    return %arg0, %c0_i32 : i32, i32
  }
  func.func @transform_1(%arg0: i32) -> (i32, i32) {
    %c0_i32 = arith.constant 0 : i32
    %c0_i32_0 = arith.constant 0 : i32
    return %arg0, %c0_i32 : i32, i32
  }
  func.func @transform_2(%arg0: i32) -> (i32, i32) {
    %c0_i32 = arith.constant 0 : i32
    %c0_i32_0 = arith.constant 0 : i32
    %c0_i32_1 = arith.constant 0 : i32
    return %c0_i32, %c0_i32_0 : i32, i32
  }
  func.func @transform_3(%arg0: i32) -> (i32, i32) {
    %c0_i32 = arith.constant 0 : i32
    %c0_i32_0 = arith.constant 0 : i32
    %c0_i32_1 = arith.constant 0 : i32
    return %c0_i32, %c0_i32_0 : i32, i32
  }
  func.func @transform_4(%arg0: i32) -> (i32, i32) {
    %c0_i32 = arith.constant 0 : i32
    %c0_i32_0 = arith.constant 0 : i32
    %c0_i32_1 = arith.constant 0 : i32
    return %c0_i32, %c0_i32_0 : i32, i32
  }
  func.func @transform_5(%arg0: i32) -> (i32, i32) {
    %c0_i32 = arith.constant 0 : i32
    %c0_i32_0 = arith.constant 0 : i32
    %c0_i32_1 = arith.constant 0 : i32
    return %c0_i32, %c0_i32_0 : i32, i32
  }
  func.func @transform_6(%arg0: i32) -> (i32, i32) {
    %c0_i32 = arith.constant 0 : i32
    %c0_i32_0 = arith.constant 0 : i32
    %c0_i32_1 = arith.constant 0 : i32
    return %c0_i32, %c0_i32_0 : i32, i32
  }
  func.func @transform_7(%arg0: i32) -> (i32, i32) {
    %c0_i32 = arith.constant 0 : i32
    %c0_i32_0 = arith.constant 0 : i32
    %c0_i32_1 = arith.constant 0 : i32
    return %c0_i32, %c0_i32_0 : i32, i32
  }
  func.func @transform_8(%arg0: i32) -> (i32, i32) {
    %c0_i32 = arith.constant 0 : i32
    %c0_i32_0 = arith.constant 0 : i32
    %c0_i32_1 = arith.constant 0 : i32
    return %c0_i32, %c0_i32_0 : i32, i32
  }
  func.func @transform_9(%arg0: i32) -> (i32, i32) {
    %c0_i32 = arith.constant 0 : i32
    %c0_i32_0 = arith.constant 0 : i32
    return %arg0, %c0_i32 : i32, i32
  }
  func.func @transform_10(%arg0: i32) -> (i32, i32) {
    %c0_i32 = arith.constant 0 : i32
    %c0_i32_0 = arith.constant 0 : i32
    return %arg0, %c0_i32 : i32, i32
  }
}

module attributes {stable_mosaic.version = 14 : i64} {
  func.func @_tc_post_body(%arg0: i32, %arg1: memref<2x1000x144xf32, #tpu.memory_space<vmem>>, %arg2: memref<8x128xf32, #tpu.memory_space<vmem>>, %arg3: memref<1000x128xf32, #tpu.memory_space<vmem>>) attributes {dimension_semantics = [#tpu.dimension_semantics<arbitrary>], iteration_bounds = array<i64: 10>, scalar_prefetch = 0 : i64, scratch_operands = 0 : i64, tpu.core_type = #tpu.core_type<tc>, window_params = [{transform_indices = @transform_0, window_bounds = array<i64: 2, 1000, 144>}, {pipeline_mode = #tpu.pipeline_mode<synchronous>, transform_indices = @transform_1, window_bounds = array<i64: 8, 128>}, {transform_indices = @transform_2, window_bounds = array<i64: 1000, 128>}]} {
    %get3A = arith.constant 0 : index
    %get3A_0 = arith.constant 0 : index
    %get3A_1 = arith.constant 0 : index
    %get3A_2 = vector.load %arg1[%get3A, %get3A_0, %get3A_1] : memref<2x1000x144xf32, #tpu.memory_space<vmem>>, vector<1x1000x144xf32>
    %get3A_3 = vector.shape_cast %get3A_2 : vector<1x1000x144xf32> to vector<1000x144xf32>
    %get3A_4 = arith.constant 1 : index
    %get3A_5 = arith.constant 0 : index
    %get3A_6 = arith.constant 0 : index
    %get3A_7 = vector.load %arg1[%get3A_4, %get3A_5, %get3A_6] : memref<2x1000x144xf32, #tpu.memory_space<vmem>>, vector<1x1000x144xf32>
    %get3A_8 = vector.shape_cast %get3A_7 : vector<1x1000x144xf32> to vector<1000x144xf32>
    %add3A = arith.addf %get3A_3, %get3A_8 : vector<1000x144xf32>
    %slice3A = vector.extract_strided_slice %add3A {offsets = [0, 128], sizes = [1000, 8], strides = [1, 1]} : vector<1000x144xf32> to vector<1000x8xf32>
    %gt3A = arith.constant 0.000000e+00 : f32
    %gt3A_9 = vector.broadcast %gt3A : f32 to vector<1000x8xf32>
    %gt3A_10 = arith.cmpf ogt, %slice3A, %gt3A_9 : vector<1000x8xf32>
    %div3A = arith.constant 1.000000e+00 : f32
    %div3A_11 = vector.broadcast %div3A : f32 to vector<1000x8xf32>
    %div3A_12 = arith.divf %div3A_11, %slice3A : vector<1000x8xf32>
    %jit3A = arith.constant 0.000000e+00 : f32
    %broadcast_in_dim3A = vector.broadcast %jit3A : f32 to vector<1000x8xf32>
    %select_n3A = arith.select %gt3A_10, %div3A_12, %broadcast_in_dim3A : vector<1000x8xi1>, vector<1000x8xf32>
    %slice3A_13 = vector.extract_strided_slice %add3A {offsets = [0, 0], sizes = [1000, 128], strides = [1, 1]} : vector<1000x144xf32> to vector<1000x128xf32>
    %get3A_14 = arith.constant 0 : index
    %get3A_15 = arith.constant 0 : index
    %get3A_16 = vector.load %arg2[%get3A_14, %get3A_15] : memref<8x128xf32, #tpu.memory_space<vmem>>, vector<8x128xf32>
    %dot_general3A = arith.constant dense<0.000000e+00> : vector<1000x128xf32>
    %dot_general3A_17 = tpu.matmul %select_n3A, %get3A_16, %dot_general3A {dimension_numbers = #tpu.dot_dimension_numbers<[1], [0], [0], [1], [0, 0, 1, 1], [], []>, transpose_lhs_hint = false} : vector<1000x8xf32>, vector<8x128xf32>, vector<1000x128xf32> -> vector<1000x128xf32>
    %mul3A = arith.mulf %slice3A_13, %dot_general3A_17 : vector<1000x128xf32>
    %swap3A = arith.constant 0 : index
    %swap3A_18 = arith.constant 0 : index
    %swap3A_19 = vector.load %arg3[%swap3A, %swap3A_18] : memref<1000x128xf32, #tpu.memory_space<vmem>>, vector<1000x128xf32>
    tpu.vector_store %arg3[%swap3A, %swap3A_18], %mul3A {strides = array<i32>} : memref<1000x128xf32, #tpu.memory_space<vmem>>, vector<1000x128xf32>,
    return
  }
  func.func @transform_0(%arg0: i32) -> (i32, i32, i32) {
    %c0_i32 = arith.constant 0 : i32
    %c0_i32_0 = arith.constant 0 : i32
    %c0_i32_1 = arith.constant 0 : i32
    return %c0_i32, %arg0, %c0_i32_0 : i32, i32, i32
  }
  func.func @transform_1(%arg0: i32) -> (i32, i32) {
    %c0_i32 = arith.constant 0 : i32
    %c0_i32_0 = arith.constant 0 : i32
    %c0_i32_1 = arith.constant 0 : i32
    return %c0_i32, %c0_i32_0 : i32, i32
  }
  func.func @transform_2(%arg0: i32) -> (i32, i32) {
    %c0_i32 = arith.constant 0 : i32
    %c0_i32_0 = arith.constant 0 : i32
    return %arg0, %c0_i32 : i32, i32
  }
}

</mosaic_0001>

<sc_bundles>
// kernel: kernel.5.cloned.1.call-start
scs
__scs_entry_jumppad:
0x0: {  	(pc) =	sbr.rel $0x88, $3  }
0x1: {  	(tag) =	ssettag $0x0;
	lr =	simm.s32 $0x1  }
0x2: {  	[smem:$0x3F99] =	sst lr;
	_ =	strace $0xD0000000  }
0x3: {  	_ = 	snop  }
0x4: {  	_ = 	snop  }
0x5: {  	_ = 	snop  }
0x6: {  	_ = 	snop  }
0x7: {  	_ = 	snop  }
__scs_overlays_trampoline_lowered:
0x8: {  	[smem:$0x3FA8] =	sst s0  }
0x9: {  	[smem:$0x3FA9] =	sst s1  }
0xa: {  	[smem:$0x3FAA] =	sst s2  }
0xb: {  	[smem:$0x3FAB] =	sst s3  }
0xc: {  	[smem:$0x3FAC] =	sst s4  }
0xd: {  	[smem:$0x3FAD] =	sst s5  }
0xe: {  	[smem:$0x3FAE] =	sst s6  }
0xf: {  	[smem:$0x3FAF] =	sst s7  }
0x10: {  	[smem:$0x3FB0] =	sst s8  }
0x11: {  	[smem:$0x3FB1] =	sst s9;
	s0 =	simm.s32 @!p0 $0x0  }
0x12: {  	s1 =	sld [smem:$0x3F97];
	s0 =	simm.s32 @p0 $0x1  }
0x13: {  	[smem:$0x3FB2] =	sst s0;
	s0 =	simm.s32 @!p1 $0x0  }
0x14: {  	s2 =	sld [smem:$0x3F96];
	s0 =	simm.s32 @p1 $0x1  }
0x15: {  	[smem:$0x3FB3] =	sst s0;
	s0 =	simm.s32 @!p2 $0x0  }
0x16: {  	s3 =	sld [smem:$0x3FDB];
	s0 =	simm.s32 @p2 $0x1  }
0x17: {  	s4 =	simm.s32 $0x1BF5;
	[smem:$0x3FB5] =	sst s0  }
0x18: {  	s0 =	sld [smem:$0x3F98];
	_ =	swait.ge [sflag:s4], $0x0  }
0x19: {  	s7 =	sld [smem:$0x3F99]  }
0x1a: {  	s8 =	sadd.s32 $0xFFFFE003, lr  }
0x1b: {  	s9 =	sadd.s32 $0xFFFFFEF7, lr;
	s5 =	simm.s32 $0xFFFFFFFF;
	p2 =	slt.u32 s8, $0xFFFFF086  }
0x1c: {  	p1 =	slt.u32 s9, $0xF7A;
	s5 =	simm.s32 @!p2 $0x0  }
0x1d: {  	s5 =	simm.s32 @p1 $0x1;
	p0 =	seq.s32 s7, s2  }
0x1e: {  	s7 =	smul.u32 @!p0 $0xF7A, s2;
	p2 =	seq.s32 @!p0 s5, $0x0  }
0x1f: {  	s9 =	smul.u32 $0xF7A, s1;
	s8 =	simm.s32 @!p0 $0x1BF5;
	p2 =	por !p2, p0  }
0x20: {  	[sflag:s8] =	ssyncset.s32 @!p0 $0xFFFFF086;
	s6 =	sadd.s32 @!p0 s3, s7;
	s7 =	simm.s32 @!p0 $0x108  }
0x21: {  	s3 =	sadd.s32 s3, s9;
	s6 =	sadd.s32 @!p0 $0x88, s6;
	s7 =	simm.s32 @p2 $0x1082  }
0x22: {  	[simem:s7], [sflag:s8] =	dma.local @!p0 [hbm:s6], $0xF7A  }
0x23: {  	s9 =	sor.u32 $0xD0000000, s2;
	s6 =	simm.s32 $0x108;
	_ =	swait.ge @!p0 [sflag:s8], $0x0  }
0x24: {  	s3 =	sadd.s32 $0x88, s3;
	s6 =	simm.s32 @!p1 $0x1082;
	[sflag:s4] =	ssyncset.s32 $0xFFFFF086  }
0x25: {  	[simem:s6], [sflag:s4] =	dma.local [hbm:s3], $0xF7A  }
0x26: {  	[smem:$0x3F99] =	sst s1;
	(tag) =	ssettag s2;
	_ =	strace s9  }
0x27: {  	s1 =	sld [smem:$0x3FA9]  }
0x28: {  	s2 =	sld [smem:$0x3FAA]  }
0x29: {  	s4 =	sld [smem:$0x3FAC]  }
0x2a: {  	p0 =	seq.s32 s5, $0x0;
	s5 =	sld [smem:$0x3FAD]  }
0x2b: {  	s6 =	sld [smem:$0x3FAE]  }
0x2c: {  	s7 =	sld [smem:$0x3FAF]  }
0x2d: {  	s3 =	simm.s32 $0x108;
	s8 =	sld [smem:$0x3FB0]  }
0x2e: {  	s3 =	simm.s32 @!p0 $0x1082;
	s9 =	sld [smem:$0x3FB1]  }
0x2f: {  	lr =	sadd.s32 s0, s3;
	s0 =	sld [smem:$0x3FA8]  }
0x30: {  	s3 =	sld [smem:$0x3FAB]  }
0x31: {  	[smem:$0x3FB4] =	sst s10  }
0x32: {  	s10 =	sld [smem:$0x3FB2];
	_ =	sdelay $0x3  }
0x33: {  	p0 =	seq.s32 s10, $0x1;
	s10 =	sld [smem:$0x3FB4];
	_ =	sdelay $0x3  }
0x34: {  	[smem:$0x3FB4] =	sst s10  }
0x35: {  	s10 =	sld [smem:$0x3FB3];
	_ =	sdelay $0x3  }
0x36: {  	p1 =	seq.s32 s10, $0x1;
	s10 =	sld [smem:$0x3FB4];
	_ =	sdelay $0x3  }
0x37: {  	[smem:$0x3FB4] =	sst s10  }
0x38: {  	s10 =	sld [smem:$0x3FB5]  }
0x39: {  	_ = 	snop;
	(pc) =	sbr.ind lr, $3  }
0x3a: {  	_ = 	snop  }
0x3b: {  	_ = 	snop  }
0x3c: {  	p2 =	seq.s32 s10, $0x1;
	s10 =	sld [smem:$0x3FB4]  }
0x3d: {  	_ =	shalt  }
0x3e: {  	_ =	shalt  }
0x3f: {  	_ =	shalt  }
0x40: {  	_ =	shalt  }
0x41: {  	_ =	shalt  }
0x42: {  	_ =	shalt  }
0x43: {  	_ =	shalt  }
0x44: {  	_ =	shalt  }
0x45: {  	_ =	shalt  }
0x46: {  	_ =	shalt  }
0x47: {  	_ =	shalt  }
0x48: {  	_ =	shalt  }
0x49: {  	_ =	shalt  }
0x4a: {  	_ =	shalt  }
0x4b: {  	_ =	shalt  }
0x4c: {  	_ =	shalt  }
0x4d: {  	_ =	shalt  }
0x4e: {  	_ =	shalt  }
0x4f: {  	_ =	shalt  }
0x50: {  	_ =	shalt  }
0x51: {  	_ =	shalt  }
0x52: {  	_ =	shalt  }
0x53: {  	_ =	shalt  }
0x54: {  	_ =	shalt  }
0x55: {  	_ =	shalt  }
0x56: {  	_ =	shalt  }
0x57: {  	_ =	shalt  }
0x58: {  	_ =	shalt  }
0x59: {  	_ =	shalt  }
0x5a: {  	_ =	shalt  }
0x5b: {  	_ =	shalt  }
0x5c: {  	_ =	shalt  }
0x5d: {  	_ =	shalt  }
0x5e: {  	_ =	shalt  }
0x5f: {  	_ =	shalt  }
0x60: {  	_ =	shalt  }
0x61: {  	_ =	shalt  }
0x62: {  	_ =	shalt  }
0x63: {  	_ =	shalt  }
0x64: {  	_ =	shalt  }
0x65: {  	_ =	shalt  }
0x66: {  	_ =	shalt  }
0x67: {  	_ =	shalt  }
0x68: {  	_ =	shalt  }
0x69: {  	_ =	shalt  }
0x6a: {  	_ =	shalt  }
0x6b: {  	_ =	shalt  }
0x6c: {  	_ =	shalt  }
0x6d: {  	_ =	shalt  }
0x6e: {  	_ =	shalt  }
0x6f: {  	_ =	shalt  }
0x70: {  	_ =	shalt  }
0x71: {  	_ =	shalt  }
0x72: {  	_ =	shalt  }
0x73: {  	_ =	shalt  }
0x74: {  	_ =	shalt  }
0x75: {  	_ =	shalt  }
0x76: {  	_ =	shalt  }
0x77: {  	_ =	shalt  }
0x78: {  	_ =	shalt  }
0x79: {  	_ =	shalt  }
0x7a: {  	_ =	shalt  }
0x7b: {  	_ =	shalt  }
0x7c: {  	_ =	shalt  }
0x7d: {  	_ =	shalt  }
0x7e: {  	_ =	shalt  }
0x7f: {  	_ =	shalt  }
0x80: {  	_ =	shalt  }
0x81: {  	_ =	shalt  }
0x82: {  	_ =	shalt  }
0x83: {  	_ =	shalt  }
0x84: {  	_ =	shalt  }
0x85: {  	_ =	shalt  }
0x86: {  	_ =	shalt  }
0x87: {  	_ =	shalt  }
.Lfunc_end0:
.L_simem_size_0:
called_computation_lowered:
.L_overlay_start_0:
0x88: {  	s2 =	sld [smem:$0x3FD9]  }
0x89: {  	s3 =	sld [smem:$0x3FFE];
	_ =	sdelay $0x1  }
0x8a: {  	s1 =	srdreg.scid  }
0x8b: {  	s0 =	sand.u32 $0x1, s1  }
0x8c: {  	s17 =	sshll.u32 s0, $0xA;
	s2 =	sadd.s32 s3, s2  }
0x8d: {  	s2 =	sadd.s32 s2, s17  }
0x8e: {  	[smem:$0x3FC0] =	sst s2  }
0x8f: {  	_ = 	snop  }
0x90: {  	s2 =	sld [smem:$0x3FD0];
	(tm) =	ssettm $0x1  }
0x91: {  	s18 =	sld [smem:$0x3FFB];
	_ =	sdelay $0x3  }
0x92: {  	_ =	strace s18  }
0x93: {  	s3 =	sld [smem:$0x3FFC];
	_ =	sdelay $0x3  }
0x94: {  	_ =	strace s3  }
0x95: {  	s3 =	sld [smem:$0x3FFD];
	_ =	sdelay $0x3  }
0x96: {  	_ =	strace s3  }
0x97: {  	_ =	strace $0x8FFFFFFF  }
0x98: {  	s19 =	sld [smem:$0x3FDB];
	_ =	sdelay $0x1  }
0x99: {  	s4 =	simm.s32 $_scs_section_size  }
0x9a: {  	s5 =	simm.s32 $_size__tile_overlayer_lowered;
	s6 =	simm.s32 $_tile_overlayer_lowered  }
0x9b: {  	s22 =	simm.s32 $0x1BFF;
	s21 =	sshll.u32 s6, $0x1;
	s3 =	sadd.s32 s4, s19  }
0x9c: {  	s7 =	simm.s32 $0x0;
	s20 =	sshll.u32 s5, $0x1;
	s5 =	sadd.s32 s21, s3  }
0x9d: {  	[timem:s7], [sflag:s22] =	dma.local [hbm:s5], s20  }
0x9e: {  	_ =	swait.ge [sflag:s22], s20  }
0x9f: {  	s4 =	ssub.s32 $0x0, s20;
	[sflag:s22] =	ssyncset.done $0x0  }
0xa0: {  	[sflag:s22] =	ssyncadd.s32 s4;
	_ =	sdelay $0x1  }
0xa1: {  	s23 =	simm.s32 $0x1B8B  }
0xa2: {  	_ =	swait.ge [sflag:s23], $0x1  }
0xa3: {  	[sflag:s23] =	ssyncset.done $0x0  }
0xa4: {  	s25 =	simm.s32 $0x1B8E;
	s24 =	sld [smem:$0x3FFE];
	[sflag:s23] =	ssyncadd.s32 $0xFFFFFFFF  }
0xa5: {  	s26 =	simm.s32 $execute0_lowered;
	[smem:$0x3FD2] =	sst s25  }
0xa6: {  	s5 =	sshll.u32 s26, $0x1;
	_ =	strace $0x80000046;
	[dreg:$0x1] =	wrdreg $0xFFFFFFFF  }
0xa7: {  	s28 =	simm.s32 $_size_execute0_lowered;
	s3 =	sadd.s32 s3, s5;
	[dreg:$0x0] =	wrdreg $0x0  }
0xa8: {  	s5 =	sshll.u32 s28, $0x1;
	[dreg:$0x2] =	wrdreg s3  }
0xa9: {  	[dreg:$0x3] =	wrdreg s5  }
0xaa: {  	[dreg:$0x4] =	wrdreg $0xC0  }
0xab: {  	_ =	task [dreg:s7], $0x5FFFF  }
0xac: {  	[dreg:$0x1] =	wrdreg $0xFFFFFFFF  }
0xad: {  	[dreg:$0x0] =	wrdreg $0x60  }
0xae: {  	[dreg:$0x2] =	wrdreg s24  }
0xaf: {  	[dreg:$0x3] =	wrdreg s2  }
0xb0: {  	[dreg:$0x4] =	wrdreg $0x73F00  }
0xb1: {  	[dreg:$0x5] =	wrdreg $0x9  }
0xb2: {  	_ =	task.clear_ibuf [dreg:s7], $0x6FFFF;
	_ =	strace $0x90000046  }
0xb3: {  	s29 =	simm.s32 $0x9;
	_ =	strace $0x80000048  }
0xb4: {  	_ =	swait.ge [sflag:s29], $0x1  }
0xb5: {  	[sflag:s29] =	ssyncadd.s32 $0xFFFFFFFF  }
0xb6: {  	_ =	strace $0x90000048  }
0xb7: {  	_ =	sfence  }
0xb8: {  	s30 =	sld [smem:$0x0];
	_ =	sdelay $0x2  }
0xb9: {  	s31 =	sshll.u32 s1, $0xD;
	s1 =	sshrl.u32 s1, $0x2  }
0xba: {  	s3 =	sand.u32 $0x4000, s31;
	s1 =	sadd.s32 s1, s30  }
0xbb: {  	s0 =	sor.u32 s3, s0;
	s1 =	sshll.u32 s1, $0x11  }
0xbc: {  	s0 =	sor.u32 s1, s0  }
0xbd: {  	s0 =	sadd.s32 $0x8F2B, s0  }
0xbe: {  	[sflag:s0] =	ssyncadd.remote.s32 $0x1  }
0xbf: {  	_ =	sfence.sel $0xFFFF  }
0xc0: {  	[dreg:$0x0] =	wrdreg $0xFFFFFFFF;
	(pc) =	sbr.abs _section_cstart, $3  }
0xc1: {  	[dreg:$0x1] =	wrdreg $0xFFFFFFFF  }
0xc2: {  	_ =	task.clear_ibuf [dreg:s7], $0x2FFFF;
	_ =	strace $0x9FFFFFFF  }
0xc3: {  	(tm) =	ssettm $0x7FFFFFFF  }
tec
execute0_lowered:
.L_overlay_start_1:
0x0: {  	(tag) =	ssettag $0x1  }
0x1: {  	s0 =	rddreg [dreg:$0x0]  }
0x2: {  	s2 =	rddreg [dreg:$0x1]  }
0x3: {  	s3 =	rddreg [dreg:$0x2]  }
0x4: {  	s1 =	srdreg.scid;
	s12 =	stileid.u32;
	s4 =	simm.s32 $0x0  }
0x5: {  	s16 =	simm.s32 $0x65E0;
	s17 =	simm.s32 $0x7;
	s18 =	simm.s32 $0x50  }
0x6: {  	s19 =	simm.s32 $0x32A0;
	s20 =	simm.s32 $0x32F0;
	s21 =	simm.s32 $0x1  }
0x7: {  	s28 =	simm.s32 $0x6040;
	s29 =	simm.s32 $0x3;
	s30 =	simm.s32 $0x6540  }
0x8: {  	s31 =	simm.s32 $0x5;
	s1 =	sand.u32 $0x1, s1;
	s8 =	smul.u32 $0x15F90, s12  }
0x9: {  	s5 =	sshll.u32 s12, $0x1;
	[smem:$0x7FF] =	sst s4;
	s25 =	smul.u32 $0x57E40, s12  }
0xa: {  	s7 =	smul.u32 $0x15F900, s1;
	s6 =	sor.u32 s1, s5;
	_ =	strace $0x80000047  }
0xb: {  	s5 =	sadd.s32 $0x4FA00, s0;
	s1 =	ssub.s32 $0x2, s1;
	s9 =	smul.u32 $0x2710, s6  }
0xc: {  	s6 =	sadd.s32 $0x1800, s0;
	s10 =	sshrl.u32 s1, $0x1;
	s7 =	sadd.s32 s8, s7  }
0xd: {  	s26 =	sadd.s32 s8, s3;
	s1 =	ssub.s32 s1, s10;
	s7 =	sshrl.u32 s7, $0x3  }
0xe: {  	s11 =	sshrl.u32 s9, $0x3;
	s12 =	sadd.s32 $0xF0, s9;
	s1 =	smax.u32 s1, $0x1  }
0xf: {  	s0 =	sadd.s32 s7, s0;
	s22 =	sadd.s32 s2, s11;
	[dreg:$0x9] =	wrdreg s1  }
0x10: {  	s11 =	sadd.s32 $0xA0, s9;
	s23 =	sadd.s32 $0x9C40, s22;
	[dreg:$0x4] =	wrdreg s22  }
0x11: {  	s7 =	sshrl.u32 s25, $0x2;
	s24 =	sadd.s32 $0xA, s22;
	[dreg:$0x5] =	wrdreg s23  }
0x12: {  	s1 =	simm.s32 $0x6590;
	s10 =	sadd.s32 $0x9C4A, s22;
	[dreg:$0x6] =	wrdreg s24  }
0x13: {  	s9 =	simm.s32 $0x0;
	s0 =	sadd.s32 $0x7BA00, s0;
	[dreg:$0x7] =	wrdreg s10  }
0x14: {  	s15 =	sadd.s32 s7, s3;
	s22 =	simm.s32 $0xA0;
	[dreg:$0x8] =	wrdreg s0  }
0x15: {  	s23 =	simm.s32 $0x2DA0;
	s24 =	simm.s32 $0x2;
	s0 =	sshrl.u32 s26, $0x3  }
0x16: {  	v0 =	vimm.f32 $0.0e+00;
	s26 =	simm.s32 $0x3340;
	[dreg:$0xa] =	wrdreg s0;
	s0 =	simm.s32 $0x4  }
.LBB2_1:
0x17: {  	s7 =	simm.s32 $0x65E0;
	s8 =	simm.s32 $0x0  }
.LBB2_2:
0x18: {  	p0 =	sne.s32 s8, $0xE0  }
.Ltmp0:
0x19: {  	_ = 	snop;
	(pc) =	sbr.rel @p0 .LBB2_2-.Ltmp0, $2  }
0x1a: {  	_ =	sdelay $0x2  }
0x1b: {  	[tilespmem:s7+$0x0] =	vst v0;
	s7 =	sadd.s32 $0x10, s7;
	s8 =	sadd.s32 $0x1, s8  }
0x1c: {  	s7 =	sadd.s32 $0x0, s15  }
0x1d: {  	[spmem:s7] =	stream.linear.scatter [tilespmem:s16], [sflag:$0x7], $0xE10, $0x38;
	[tilespmem:$0x1D380] =	vst v63  }
0x1e: {  	s7 =	simm.s32 $0x3840;
	_ =	swait.ge [sflag:s17], $0xE10  }
.LBB2_4:
0x1f: {  	s8 =	sshra.s32 s7, $0x2;
	[sflag:s17] =	ssyncset.done $0x0;
	p0 =	sne.s32 s7, $0x54600  }
.Ltmp1:
0x20: {  	s8 =	sadd.s32 s8, s15;
	[sflag:s17] =	ssyncadd.s32 $0xFFFFF1F0;
	(pc) =	sbr.rel @p0 .LBB2_4-.Ltmp1, $3  }
0x21: {  	[spmem:s8] =	stream.linear.scatter [tilespmem:s16], [sflag:$0x7], $0xE10, $0x38;
	[tilespmem:$0x1D380] =	vst v63  }
0x22: {  	s7 =	sadd.s32 $0x3840, s7;
	_ =	sdelay $0x1  }
0x23: {  	_ =	swait.ge [sflag:s17], $0xE10  }
0x24: {  	[sflag:s17] =	ssyncset.done $0x0  }
0x25: {  	[sflag:s17] =	ssyncadd.s32 $0xFFFFF1F0  }
0x26: {  	[bflag:$0x0] =	sbarrier.arrive $0xFFFF  }
0x27: {  	s10 =	simm.s32 $0x0;
	s7 =	rddreg [dreg:$0x4]  }
0x28: {  	[tilespmem:s10], [sflag:$0x1] =	stream.linear.gather [hbm4b:s7+s10], $0x50, $0x38;
	[tilespmem:$0x1D380] =	vst v63  }
0x29: {  	s13 =	rddreg [dreg:$0x5]  }
0x2a: {  	[tilespmem:s18], [sflag:$0x1] =	stream.linear.gather [hbm4b:s13+s10], $0x50, $0x38;
	[tilespmem:$0x1D380] =	vst v63  }
0x2b: {  	s14 =	rddreg [dreg:$0x6]  }
0x2c: {  	[tilespmem:s19], [sflag:$0x2] =	stream.linear.gather [hbm4b:s14+s10], $0x50, $0x38;
	[tilespmem:$0x1D380] =	vst v63  }
0x2d: {  	s25 =	rddreg [dreg:$0x7]  }
0x2e: {  	[tilespmem:s20], [sflag:$0x2] =	stream.linear.gather [hbm4b:s25+s10], $0x50, $0x38;
	[tilespmem:$0x1D380] =	vst v63  }
0x2f: {  	_ =	swait.ge [sflag:s21], $0x50  }
0x30: {  	[sflag:s21] =	ssyncset.done $0x0  }
0x31: {  	[sflag:s21] =	ssyncadd.s32 $0xFFFFFFB0  }
0x32: {  	_ =	swait.ge [sflag:s21], $0x50  }
0x33: {  	[sflag:s21] =	ssyncset.done $0x0  }
0x34: {  	[sflag:s21] =	ssyncadd.s32 $0xFFFFFFB0  }
0x35: {  	[tilespmem:s22], [sflag:$0x3] =	stream.indirect.gather [hbm4b:s5+s18], $0x90, s10, s18, $0xb8;
	[tilespmem:$0x1D380] =	vst v63  }
0x36: {  	_ = 	snop  }
0x37: {  	[tilespmem:s23], [sflag:$0x3] =	stream.indirect.gather [hbm4b:s6+s18], $0x10, s18, s18, $0xb8;
	[tilespmem:$0x1D380] =	vst v63  }
.LBB2_6:
0x38: {  	_ =	swait.ge [sflag:s24], $0x50  }
0x39: {  	[sflag:s24] =	ssyncset.done $0x0  }
0x3a: {  	[sflag:s24] =	ssyncadd.s32 $0xFFFFFFB0  }
0x3b: {  	_ =	swait.ge [sflag:s24], $0x50  }
0x3c: {  	p0 =	seq.s32 s10, $0x0;
	[sflag:s24] =	ssyncset.done $0x0  }
0x3d: {  	s7 =	simm.s32 @!p0 $0x6;
	[sflag:s24] =	ssyncadd.s32 $0xFFFFFFB0  }
0x3e: {  	_ =	swait.ge @!p0 [sflag:s7], $0x2D00  }
0x3f: {  	[sflag:s7] =	ssyncset.done @!p0 $0x0  }
0x40: {  	[sflag:s7] =	ssyncadd.s32 @!p0 $0xFFFFD300  }
0x41: {  	[tilespmem:s26], [sflag:$0x4] =	stream.indirect.gather [hbm4b:s5+s18], $0x90, s19, s18, $0xb8;
	[tilespmem:$0x1D380] =	vst v63  }
0x42: {  	_ = 	snop  }
0x43: {  	[tilespmem:s28], [sflag:$0x4] =	stream.indirect.gather [hbm4b:s6+s18], $0x10, s20, s18, $0xb8;
	[tilespmem:$0x1D380] =	vst v63  }
0x44: {  	_ =	swait.ge [sflag:s29], $0x2D00  }
0x45: {  	[sflag:s29] =	ssyncset.done $0x0  }
0x46: {  	[sflag:s29] =	ssyncadd.s32 $0xFFFFD300  }
0x47: {  	_ =	swait.ge [sflag:s29], $0x500  }
0x48: {  	[sflag:s29] =	ssyncset.done $0x0  }
0x49: {  	[sflag:s29] =	ssyncadd.s32 $0xFFFFFB00  }
0x4a: {  	v1 =	vld [tilespmem:$0x50]  }
0x4b: {  	v2 =	vld [tilespmem:$0x60]  }
0x4c: {  	v3 =	vld [tilespmem:$0x70]  }
0x4d: {  	v4 =	vld [tilespmem:$0x80]  }
0x4e: {  	v5 =	vld [tilespmem:$0x90]  }
0x4f: {  	s13 =	smul.u32 $0xA0, s10;
	[tilespmem:$0x6540] =	vst v1  }
0x50: {  	[tilespmem:$0x6550] =	vst v2  }
0x51: {  	s25 =	sadd.s32 s13, s11;
	[tilespmem:$0x6560] =	vst v3  }
0x52: {  	s7 =	sshrl.u32 s25, $0x3;
	[tilespmem:$0x6570] =	vst v4  }
0x53: {  	s7 =	sadd.s32 s2, s7;
	[tilespmem:$0x6580] =	vst v5  }
0x54: {  	[tilespmem:s4], [sflag:$0x1] =	stream.linear.gather [hbm4b:s7+s4], $0x50, $0x38;
	[tilespmem:$0x1D380] =	vst v63  }
0x55: {  	s25 =	simm.s32 $0x240;
	s7 =	sadd.s32 $0x9C40, s7  }
0x56: {  	[tilespmem:s18], [sflag:$0x1] =	stream.linear.gather [hbm4b:s7+s4], $0x50, $0x38;
	[tilespmem:$0x1D380] =	vst v63  }
0x57: {  	s8 =	simm.s32 $0x1C0;
	s14 =	simm.s32 $0x240;
	s7 =	simm.s32 $0x30;
	v1 =	vld [tilespmem:s25+$0xFFFFFEE0]  }
.LBB2_7:
0x58: {  	p0 =	sne.s32 s8, $0x13C0;
	v2 =	vld [tilespmem:s7+$0x2D70];
	_ =	sdelay $0x4  }
0x59: {  	v1 =	vadd.f32 v2, v1;
	_ =	sdelay $0x1  }
0x5a: {  	v2 =	vmul.f32 $2.000000030e-01, v1  }
0x5b: {  	vm0 =	vge.f32 v1, $0.0e+00  }
0x5c: {  	v1 =	vsel vm0, v1, v2  }
0x5d: {  	v1 =	vmul.f32 $1.442695020e+00, v1;
	_ =	sdelay $0x1  }
0x5e: {  	(erf) = vpow2.f32 v1;
	_ =	sdelay $0x8  }
0x5f: {  	v1 =	vpop (erf)  }
0x60: {  	[tilespmem:s25+$0xFFFFFEE0] =	vst v1;
	v1 =	vld [tilespmem:s25+$0xFFFFFF70]  }
0x61: {  	v2 =	vld [tilespmem:s7+$0x2D80];
	_ =	sdelay $0x4  }
0x62: {  	v1 =	vadd.f32 v2, v1;
	_ =	sdelay $0x1  }
0x63: {  	v2 =	vmul.f32 $2.000000030e-01, v1  }
0x64: {  	vm0 =	vge.f32 v1, $0.0e+00  }
0x65: {  	v1 =	vsel vm0, v1, v2  }
0x66: {  	v1 =	vmul.f32 $1.442695020e+00, v1;
	_ =	sdelay $0x1  }
0x67: {  	(erf) = vpow2.f32 v1;
	_ =	sdelay $0x8  }
0x68: {  	v1 =	vpop (erf)  }
0x69: {  	[tilespmem:s25+$0xFFFFFF70] =	vst v1;
	v1 =	vld [tilespmem:s25+$0x0]  }
0x6a: {  	v2 =	vld [tilespmem:s7+$0x2D90];
	_ =	sdelay $0x4  }
0x6b: {  	v1 =	vadd.f32 v2, v1;
	_ =	sdelay $0x1  }
0x6c: {  	v2 =	vmul.f32 $2.000000030e-01, v1  }
0x6d: {  	vm0 =	vge.f32 v1, $0.0e+00  }
0x6e: {  	v1 =	vsel vm0, v1, v2  }
0x6f: {  	v1 =	vmul.f32 $1.442695020e+00, v1;
	_ =	sdelay $0x1  }
0x70: {  	(erf) = vpow2.f32 v1;
	_ =	sdelay $0x8  }
0x71: {  	v1 =	vpop (erf)  }
0x72: {  	[tilespmem:s25+$0x0] =	vst v1;
	v1 =	vld [tilespmem:s25+$0x90]  }
0x73: {  	v2 =	vld [tilespmem:s7+$0x2DA0];
	_ =	sdelay $0x4  }
0x74: {  	v1 =	vadd.f32 v2, v1;
	_ =	sdelay $0x1  }
0x75: {  	v2 =	vmul.f32 $2.000000030e-01, v1  }
0x76: {  	vm0 =	vge.f32 v1, $0.0e+00  }
0x77: {  	v1 =	vsel vm0, v1, v2  }
0x78: {  	v1 =	vmul.f32 $1.442695020e+00, v1;
	_ =	sdelay $0x1  }
0x79: {  	(erf) = vpow2.f32 v1;
	_ =	sdelay $0x5  }
.Ltmp2:
0x7a: {  	(pc) =	sbr.rel @p0 .LBB2_7-.Ltmp2, $3  }
0x7b: {  	_ =	sdelay $0x1  }
0x7c: {  	s25 =	sadd.s32 $0x240, s25;
	v2 =	vpop (erf)  }
0x7d: {  	s7 =	sshra.s32 s8, $0x2;
	s8 =	sadd.s32 $0x100, s8;
	v1 =	vld [tilespmem:s25+$0xFFFFFEE0];
	[tilespmem:s14+$0x90] =	vst v2;
	s14 =	smov.u32 s25  }
0x7e: {  	v2 =	vld [tilespmem:s7+$0x2D70];
	_ =	sdelay $0x4  }
0x7f: {  	v1 =	vadd.f32 v2, v1;
	_ =	sdelay $0x1  }
0x80: {  	v2 =	vmul.f32 $2.000000030e-01, v1  }
0x81: {  	vm0 =	vge.f32 v1, $0.0e+00  }
0x82: {  	v1 =	vsel vm0, v1, v2  }
0x83: {  	v1 =	vmul.f32 $1.442695020e+00, v1;
	_ =	sdelay $0x1  }
0x84: {  	(erf) = vpow2.f32 v1;
	_ =	sdelay $0x8  }
0x85: {  	v1 =	vpop (erf)  }
0x86: {  	[tilespmem:s25+$0xFFFFFEE0] =	vst v1;
	v1 =	vld [tilespmem:s25+$0xFFFFFF70]  }
0x87: {  	v2 =	vld [tilespmem:s7+$0x2D80];
	_ =	sdelay $0x4  }
0x88: {  	v1 =	vadd.f32 v2, v1;
	_ =	sdelay $0x1  }
0x89: {  	v2 =	vmul.f32 $2.000000030e-01, v1  }
0x8a: {  	vm13 =	vge.f32 v1, $0.0e+00  }
0x8b: {  	v1 =	vsel vm13, v1, v2  }
0x8c: {  	v1 =	vmul.f32 $1.442695020e+00, v1;
	_ =	sdelay $0x1  }
0x8d: {  	(erf) = vpow2.f32 v1;
	_ =	sdelay $0x8  }
0x8e: {  	v1 =	vpop (erf)  }
0x8f: {  	[tilespmem:s25+$0xFFFFFF70] =	vst v1;
	v1 =	vld [tilespmem:s25+$0x0]  }
0x90: {  	v2 =	vld [tilespmem:s7+$0x2D90];
	_ =	sdelay $0x4  }
0x91: {  	v1 =	vadd.f32 v2, v1;
	_ =	sdelay $0x1  }
0x92: {  	v2 =	vmul.f32 $2.000000030e-01, v1  }
0x93: {  	vm14 =	vge.f32 v1, $0.0e+00  }
0x94: {  	v1 =	vsel vm14, v1, v2  }
0x95: {  	v1 =	vmul.f32 $1.442695020e+00, v1;
	_ =	sdelay $0x1  }
0x96: {  	(erf) = vpow2.f32 v1;
	_ =	sdelay $0x8  }
0x97: {  	v1 =	vpop (erf)  }
0x98: {  	[tilespmem:s25+$0x0] =	vst v1;
	v1 =	vld [tilespmem:s25+$0x90]  }
0x99: {  	v2 =	vld [tilespmem:s7+$0x2DA0];
	_ =	sdelay $0x4  }
0x9a: {  	v1 =	vadd.f32 v2, v1;
	_ =	sdelay $0x1  }
0x9b: {  	v2 =	vmul.f32 $2.000000030e-01, v1  }
0x9c: {  	vm15 =	vge.f32 v1, $0.0e+00  }
0x9d: {  	v1 =	vsel vm15, v1, v2  }
0x9e: {  	v1 =	vmul.f32 $1.442695020e+00, v1;
	_ =	sdelay $0x1  }
0x9f: {  	(erf) = vpow2.f32 v1;
	_ =	sdelay $0x8  }
0xa0: {  	v1 =	vpop (erf)  }
0xa1: {  	[tilespmem:s14+$0x90] =	vst v1;
	s14 =	simm.s32 $0x0  }
0xa2: {  	v5 =	vld [tilespmem:s14+$0x120];
	_ =	sdelay $0x1  }
0xa3: {  	v2 =	vld [tilespmem:s14+$0xA0]  }
0xa4: {  	v3 =	vld [tilespmem:s14+$0xB0]  }
0xa5: {  	v4 =	vld [tilespmem:s14+$0xC0]  }
0xa6: {  	v7 =	vld [tilespmem:s14+$0xD0];
	v6 =	vbroadcast v5, $0x0  }
0xa7: {  	v1 =	vld [tilespmem:s14+$0x1B0];
	v9 =	vbroadcast v5, $0x1  }
0xa8: {  	v8 =	vld [tilespmem:s14+$0xE0];
	v11 =	vbroadcast v5, $0x2;
	v2 =	vmul.f32 v6, v2  }
0xa9: {  	v6 =	vld [tilespmem:s14+$0xF0];
	v3 =	vmul.f32 v3, v9;
	v9 =	vbroadcast v5, $0x3  }
0xaa: {  	v10 =	vld [tilespmem:s14+$0x100];
	v4 =	vmul.f32 v4, v11  }
0xab: {  	v12 =	vld [tilespmem:s14+$0x110];
	v11 =	vbroadcast v5, $0x4;
	[tilespmem:s14+$0xA0] =	vst v2;
	v7 =	vmul.f32 v7, v9  }
0xac: {  	[tilespmem:s14+$0xB0] =	vst v3;
	v2 =	vld [tilespmem:s14+$0x130];
	v9 =	vbroadcast v5, $0x5  }
0xad: {  	v3 =	vld [tilespmem:s14+$0x140];
	v8 =	vmul.f32 v8, v11;
	[tilespmem:s14+$0xD0] =	vst v7;
	v7 =	vbroadcast v5, $0x6  }
0xae: {  	[tilespmem:s14+$0xC0] =	vst v4;
	v4 =	vld [tilespmem:s14+$0x150];
	v11 =	vbroadcast v5, $0x7;
	v6 =	vmul.f32 v6, v9  }
0xaf: {  	[tilespmem:s14+$0xE0] =	vst v8;
	v5 =	vld [tilespmem:s14+$0x160];
	v8 =	vbroadcast v1, $0x0;
	v9 =	vmul.f32 v10, v7  }
0xb0: {  	s7 =	simm.s32 $0x480;
	v10 =	vmul.f32 v12, v11;
	v7 =	vbroadcast v1, $0x1;
	[tilespmem:s14+$0xF0] =	vst v6;
	v6 =	vld [tilespmem:s14+$0x170]  }
.LBB2_9:
0xb1: {  	p0 =	sne.s32 s7, $0xAF80;
	[tilespmem:s14+$0x100] =	vst v9;
	v2 =	vmul.f32 v8, v2;
	v8 =	vbroadcast v1, $0x2;
	v9 =	vld [tilespmem:s14+$0x180]  }
0xb2: {  	[tilespmem:s14+$0x110] =	vst v10;
	v3 =	vmul.f32 v3, v7;
	v7 =	vbroadcast v1, $0x3;
	v10 =	vld [tilespmem:s14+$0x190]  }
0xb3: {  	s8 =	sshra.s32 s7, $0x2;
	[tilespmem:s14+$0x130] =	vst v2;
	v2 =	vmul.f32 v4, v8;
	v4 =	vbroadcast v1, $0x4;
	v8 =	vld [tilespmem:s14+$0x1A0]  }
0xb4: {  	v11 =	vld [tilespmem:s8+$0x120];
	[tilespmem:s14+$0x140] =	vst v3;
	v3 =	vmul.f32 v5, v7;
	v5 =	vbroadcast v1, $0x5  }
0xb5: {  	v7 =	vld [tilespmem:s8+$0x1B0];
	[tilespmem:s14+$0x150] =	vst v2;
	v2 =	vmul.f32 v6, v4;
	v4 =	vbroadcast v1, $0x6  }
0xb6: {  	v1 =	vbroadcast v1, $0x7;
	v6 =	vld [tilespmem:s8+$0xA0];
	[tilespmem:s14+$0x160] =	vst v3;
	v3 =	vmul.f32 v9, v5  }
0xb7: {  	v5 =	vld [tilespmem:s8+$0xB0];
	[tilespmem:s14+$0x170] =	vst v2;
	v2 =	vmul.f32 v10, v4  }
0xb8: {  	v4 =	vld [tilespmem:s8+$0xC0];
	[tilespmem:s14+$0x180] =	vst v3;
	v10 =	vmul.f32 v8, v1  }
0xb9: {  	v3 =	vbroadcast v11, $0x0;
	v8 =	vld [tilespmem:s8+$0xD0];
	[tilespmem:s14+$0x190] =	vst v2  }
0xba: {  	v2 =	vbroadcast v11, $0x1;
	v9 =	vld [tilespmem:s8+$0xE0];
	[tilespmem:s14+$0x1A0] =	vst v10;
	v1 =	vmov v7;
	s14 =	smov.u32 s8  }
0xbb: {  	v3 =	vmul.f32 v3, v6;
	v6 =	vbroadcast v11, $0x2;
	v7 =	vld [tilespmem:s14+$0xF0]  }
0xbc: {  	v2 =	vmul.f32 v5, v2;
	v5 =	vbroadcast v11, $0x3;
	v10 =	vld [tilespmem:s14+$0x100]  }
0xbd: {  	[tilespmem:s14+$0xA0] =	vst v3;
	v3 =	vmul.f32 v4, v6;
	v4 =	vbroadcast v11, $0x4;
	v6 =	vld [tilespmem:s14+$0x110]  }
.Ltmp3:
0xbe: {  	[tilespmem:s14+$0xB0] =	vst v2;
	v5 =	vmul.f32 v8, v5;
	v8 =	vbroadcast v11, $0x5;
	v2 =	vld [tilespmem:s14+$0x130];
	(pc) =	sbr.rel @p0 .LBB2_9-.Ltmp3, $4  }
0xbf: {  	v12 =	vbroadcast v11, $0x6;
	[tilespmem:s14+$0xC0] =	vst v3;
	v9 =	vmul.f32 v9, v4;
	v3 =	vld [tilespmem:s14+$0x140]  }
0xc0: {  	v11 =	vbroadcast v11, $0x7;
	[tilespmem:s14+$0xD0] =	vst v5;
	v7 =	vmul.f32 v7, v8;
	v4 =	vld [tilespmem:s14+$0x150]  }
0xc1: {  	v8 =	vbroadcast v1, $0x0;
	[tilespmem:s14+$0xE0] =	vst v9;
	v9 =	vmul.f32 v10, v12;
	v5 =	vld [tilespmem:s14+$0x160]  }
0xc2: {  	s7 =	sadd.s32 $0x480, s7;
	[tilespmem:s14+$0xF0] =	vst v7;
	v10 =	vmul.f32 v6, v11;
	v7 =	vbroadcast v1, $0x1;
	v6 =	vld [tilespmem:s14+$0x170]  }
0xc3: {  	v2 =	vmul.f32 v8, v2  }
0xc4: {  	[tilespmem:s14+$0x100] =	vst v9;
	v54 =	vld [tilespmem:s14+$0x180];
	v55 =	vbroadcast v1, $0x2;
	v57 =	vbroadcast v1, $0x3  }
0xc5: {  	v58 =	vbroadcast v1, $0x4;
	v59 =	vld [tilespmem:s14+$0x1A0];
	[tilespmem:s14+$0x110] =	vst v10;
	v3 =	vmul.f32 v3, v7  }
0xc6: {  	v56 =	vld [tilespmem:s14+$0x190];
	v60 =	vbroadcast v1, $0x5;
	[tilespmem:s14+$0x130] =	vst v2;
	v2 =	vmul.f32 v4, v55  }
0xc7: {  	v61 =	vbroadcast v1, $0x6;
	[tilespmem:s14+$0x140] =	vst v3;
	v3 =	vmul.f32 v5, v57  }
0xc8: {  	v1 =	vbroadcast v1, $0x7;
	[tilespmem:s14+$0x150] =	vst v2;
	v2 =	vmul.f32 v6, v58  }
0xc9: {  	[tilespmem:s14+$0x160] =	vst v3;
	v3 =	vmul.f32 v54, v60  }
0xca: {  	v1 =	vmul.f32 v59, v1;
	[tilespmem:s14+$0x170] =	vst v2  }
0xcb: {  	v2 =	vmul.f32 v56, v61;
	[tilespmem:s14+$0x180] =	vst v3  }
0xcc: {  	[tilespmem:s14+$0x1A0] =	vst v1  }
0xcd: {  	[tilespmem:s14+$0x190] =	vst v2  }
0xce: {  	[spmem:s3] =	stream.indirect.scatter.add.f32 [tilespmem:s22], [sflag:$0x5], $0x90, s30, s18, $0xb8;
	[tilespmem:$0x1D380] =	vst v63  }
0xcf: {  	_ =	swait.ge [sflag:s21], $0x50  }
0xd0: {  	[sflag:s21] =	ssyncset.done $0x0  }
0xd1: {  	[sflag:s21] =	ssyncadd.s32 $0xFFFFFFB0  }
0xd2: {  	_ =	swait.ge [sflag:s21], $0x50  }
0xd3: {  	[sflag:s21] =	ssyncset.done $0x0  }
0xd4: {  	[sflag:s21] =	ssyncadd.s32 $0xFFFFFFB0  }
0xd5: {  	_ =	swait.ge [sflag:s31], $0x2D00  }
0xd6: {  	[sflag:s31] =	ssyncset.done $0x0  }
0xd7: {  	[sflag:s31] =	ssyncadd.s32 $0xFFFFD300  }
0xd8: {  	[tilespmem:s22], [sflag:$0x3] =	stream.indirect.gather [hbm4b:s5+s18], $0x90, s4, s18, $0xb8;
	[tilespmem:$0x1D380] =	vst v63  }
0xd9: {  	_ = 	snop  }
0xda: {  	[tilespmem:s23], [sflag:$0x3] =	stream.indirect.gather [hbm4b:s6+s18], $0x10, s18, s18, $0xb8;
	[tilespmem:$0x1D380] =	vst v63  }
0xdb: {  	_ =	swait.ge [sflag:s0], $0x2D00  }
0xdc: {  	[sflag:s0] =	ssyncset.done $0x0  }
0xdd: {  	[sflag:s0] =	ssyncadd.s32 $0xFFFFD300  }
0xde: {  	_ =	swait.ge [sflag:s0], $0x500  }
0xdf: {  	[sflag:s0] =	ssyncset.done $0x0  }
0xe0: {  	[sflag:s0] =	ssyncadd.s32 $0xFFFFFB00  }
0xe1: {  	v1 =	vld [tilespmem:$0x32F0]  }
0xe2: {  	v2 =	vld [tilespmem:$0x3300]  }
0xe3: {  	v3 =	vld [tilespmem:$0x3310]  }
0xe4: {  	v62 =	vld [tilespmem:$0x3320]  }
0xe5: {  	v63 =	vld [tilespmem:$0x3330]  }
0xe6: {  	[tilespmem:$0x6590] =	vst v1  }
0xe7: {  	p0 =	seq.s32 s10, $0x3D;
	[tilespmem:$0x65A0] =	vst v2  }
0xe8: {  	s7 =	sadd.s32 @!p0 s13, s12;
	[tilespmem:$0x65B0] =	vst v3  }
0xe9: {  	s7 =	sshrl.u32 @!p0 s7, $0x3;
	[tilespmem:$0x65C0] =	vst v62  }
0xea: {  	s8 =	simm.s32 @!p0 $0x0;
	s13 =	simm.s32 @!p0 $0x32A0;
	s7 =	sadd.s32 @!p0 s2, s7;
	[tilespmem:$0x65D0] =	vst v63  }
0xeb: {  	[tilespmem:s13], [sflag:$0x2] =	stream.linear.gather @!p0 [hbm4b:s7+s8], $0x50, $0x38;
	[tilespmem:$0x1D380] =	vst v63  }
0xec: {  	s14 =	simm.s32 $0x34E0;
	s7 =	sadd.s32 @!p0 $0x9C40, s7;
	s13 =	simm.s32 @!p0 $0x32F0  }
0xed: {  	[tilespmem:s13], [sflag:$0x2] =	stream.linear.gather @!p0 [hbm4b:s7+s8], $0x50, $0x38;
	[tilespmem:$0x1D380] =	vst v63  }
0xee: {  	s7 =	simm.s32 $0x30;
	s8 =	simm.s32 $0x1C0;
	s13 =	simm.s32 $0x34E0;
	v1 =	vld [tilespmem:s14+$0xFFFFFEE0]  }
.LBB2_11:
0xef: {  	p0 =	sne.s32 s8, $0x13C0;
	v2 =	vld [tilespmem:s7+$0x6010];
	_ =	sdelay $0x4  }
0xf0: {  	v1 =	vadd.f32 v2, v1;
	_ =	sdelay $0x1  }
0xf1: {  	v2 =	vmul.f32 $2.000000030e-01, v1  }
0xf2: {  	vm0 =	vge.f32 v1, $0.0e+00  }
0xf3: {  	v1 =	vsel vm0, v1, v2  }
0xf4: {  	v1 =	vmul.f32 $1.442695020e+00, v1;
	_ =	sdelay $0x1  }
0xf5: {  	(erf) = vpow2.f32 v1;
	_ =	sdelay $0x8  }
0xf6: {  	v1 =	vpop (erf)  }
0xf7: {  	[tilespmem:s14+$0xFFFFFEE0] =	vst v1;
	v1 =	vld [tilespmem:s14+$0xFFFFFF70]  }
0xf8: {  	v2 =	vld [tilespmem:s7+$0x6020];
	_ =	sdelay $0x4  }
0xf9: {  	v1 =	vadd.f32 v2, v1;
	_ =	sdelay $0x1  }
0xfa: {  	v2 =	vmul.f32 $2.000000030e-01, v1  }
0xfb: {  	vm0 =	vge.f32 v1, $0.0e+00  }
0xfc: {  	v1 =	vsel vm0, v1, v2  }
0xfd: {  	v1 =	vmul.f32 $1.442695020e+00, v1;
	_ =	sdelay $0x1  }
0xfe: {  	(erf) = vpow2.f32 v1;
	_ =	sdelay $0x8  }
0xff: {  	v1 =	vpop (erf)  }
0x100: {  	[tilespmem:s14+$0xFFFFFF70] =	vst v1;
	v1 =	vld [tilespmem:s14+$0x0]  }
0x101: {  	v2 =	vld [tilespmem:s7+$0x6030];
	_ =	sdelay $0x4  }
0x102: {  	v1 =	vadd.f32 v2, v1;
	_ =	sdelay $0x1  }
0x103: {  	v2 =	vmul.f32 $2.000000030e-01, v1  }
0x104: {  	vm0 =	vge.f32 v1, $0.0e+00  }
0x105: {  	v1 =	vsel vm0, v1, v2  }
0x106: {  	v1 =	vmul.f32 $1.442695020e+00, v1;
	_ =	sdelay $0x1  }
0x107: {  	(erf) = vpow2.f32 v1;
	_ =	sdelay $0x8  }
0x108: {  	v1 =	vpop (erf)  }
0x109: {  	[tilespmem:s14+$0x0] =	vst v1;
	v1 =	vld [tilespmem:s14+$0x90]  }
0x10a: {  	v2 =	vld [tilespmem:s7+$0x6040];
	_ =	sdelay $0x4  }
0x10b: {  	v1 =	vadd.f32 v2, v1;
	_ =	sdelay $0x1  }
0x10c: {  	v2 =	vmul.f32 $2.000000030e-01, v1  }
0x10d: {  	vm0 =	vge.f32 v1, $0.0e+00  }
0x10e: {  	v1 =	vsel vm0, v1, v2  }
0x10f: {  	v1 =	vmul.f32 $1.442695020e+00, v1;
	_ =	sdelay $0x1  }
0x110: {  	(erf) = vpow2.f32 v1;
	_ =	sdelay $0x5  }
.Ltmp4:
0x111: {  	(pc) =	sbr.rel @p0 .LBB2_11-.Ltmp4, $3  }
0x112: {  	_ =	sdelay $0x1  }
0x113: {  	s14 =	sadd.s32 $0x240, s14;
	v2 =	vpop (erf)  }
0x114: {  	s7 =	sshra.s32 s8, $0x2;
	s8 =	sadd.s32 $0x100, s8;
	v1 =	vld [tilespmem:s14+$0xFFFFFEE0];
	[tilespmem:s13+$0x90] =	vst v2;
	s13 =	smov.u32 s14  }
0x115: {  	v2 =	vld [tilespmem:s7+$0x6010];
	_ =	sdelay $0x4  }
0x116: {  	v1 =	vadd.f32 v2, v1;
	_ =	sdelay $0x1  }
0x117: {  	v2 =	vmul.f32 $2.000000030e-01, v1  }
0x118: {  	vm0 =	vge.f32 v1, $0.0e+00  }
0x119: {  	v1 =	vsel vm0, v1, v2  }
0x11a: {  	v1 =	vmul.f32 $1.442695020e+00, v1;
	_ =	sdelay $0x1  }
0x11b: {  	(erf) = vpow2.f32 v1;
	_ =	sdelay $0x8  }
0x11c: {  	v1 =	vpop (erf)  }
0x11d: {  	[tilespmem:s14+$0xFFFFFEE0] =	vst v1;
	v1 =	vld [tilespmem:s14+$0xFFFFFF70]  }
0x11e: {  	v2 =	vld [tilespmem:s7+$0x6020];
	_ =	sdelay $0x4  }
0x11f: {  	v1 =	vadd.f32 v2, v1;
	_ =	sdelay $0x1  }
0x120: {  	v2 =	vmul.f32 $2.000000030e-01, v1  }
0x121: {  	vm13 =	vge.f32 v1, $0.0e+00  }
0x122: {  	v1 =	vsel vm13, v1, v2  }
0x123: {  	v1 =	vmul.f32 $1.442695020e+00, v1;
	_ =	sdelay $0x1  }
0x124: {  	(erf) = vpow2.f32 v1;
	_ =	sdelay $0x8  }
0x125: {  	v1 =	vpop (erf)  }
0x126: {  	[tilespmem:s14+$0xFFFFFF70] =	vst v1;
	v1 =	vld [tilespmem:s14+$0x0]  }
0x127: {  	v2 =	vld [tilespmem:s7+$0x6030];
	_ =	sdelay $0x4  }
0x128: {  	v1 =	vadd.f32 v2, v1;
	_ =	sdelay $0x1  }
0x129: {  	v2 =	vmul.f32 $2.000000030e-01, v1  }
0x12a: {  	vm14 =	vge.f32 v1, $0.0e+00  }
0x12b: {  	v1 =	vsel vm14, v1, v2  }
0x12c: {  	v1 =	vmul.f32 $1.442695020e+00, v1;
	_ =	sdelay $0x1  }
0x12d: {  	(erf) = vpow2.f32 v1;
	_ =	sdelay $0x8  }
0x12e: {  	v1 =	vpop (erf)  }
0x12f: {  	[tilespmem:s14+$0x0] =	vst v1;
	v1 =	vld [tilespmem:s14+$0x90]  }
0x130: {  	v2 =	vld [tilespmem:s7+$0x6040];
	_ =	sdelay $0x4  }
0x131: {  	v1 =	vadd.f32 v2, v1;
	_ =	sdelay $0x1  }
0x132: {  	v2 =	vmul.f32 $2.000000030e-01, v1  }
0x133: {  	vm15 =	vge.f32 v1, $0.0e+00  }
0x134: {  	v1 =	vsel vm15, v1, v2  }
0x135: {  	v1 =	vmul.f32 $1.442695020e+00, v1;
	_ =	sdelay $0x1  }
0x136: {  	(erf) = vpow2.f32 v1;
	_ =	sdelay $0x8  }
0x137: {  	v1 =	vpop (erf)  }
0x138: {  	[tilespmem:s13+$0x90] =	vst v1;
	s13 =	simm.s32 $0x0  }
0x139: {  	v5 =	vld [tilespmem:s13+$0x33C0];
	_ =	sdelay $0x1  }
0x13a: {  	v2 =	vld [tilespmem:s13+$0x3340]  }
0x13b: {  	v3 =	vld [tilespmem:s13+$0x3350]  }
0x13c: {  	v4 =	vld [tilespmem:s13+$0x3360]  }
0x13d: {  	v7 =	vld [tilespmem:s13+$0x3370];
	v6 =	vbroadcast v5, $0x0  }
0x13e: {  	v1 =	vld [tilespmem:s13+$0x3450];
	v9 =	vbroadcast v5, $0x1  }
0x13f: {  	v8 =	vld [tilespmem:s13+$0x3380];
	v11 =	vbroadcast v5, $0x2;
	v2 =	vmul.f32 v6, v2  }
0x140: {  	v6 =	vld [tilespmem:s13+$0x3390];
	v3 =	vmul.f32 v3, v9;
	v9 =	vbroadcast v5, $0x3  }
0x141: {  	v10 =	vld [tilespmem:s13+$0x33A0];
	v4 =	vmul.f32 v4, v11  }
0x142: {  	v12 =	vld [tilespmem:s13+$0x33B0];
	v11 =	vbroadcast v5, $0x4;
	[tilespmem:s13+$0x3340] =	vst v2;
	v7 =	vmul.f32 v7, v9  }
0x143: {  	[tilespmem:s13+$0x3350] =	vst v3;
	v2 =	vld [tilespmem:s13+$0x33D0];
	v9 =	vbroadcast v5, $0x5  }
0x144: {  	v3 =	vld [tilespmem:s13+$0x33E0];
	v8 =	vmul.f32 v8, v11;
	[tilespmem:s13+$0x3370] =	vst v7;
	v7 =	vbroadcast v5, $0x6  }
0x145: {  	[tilespmem:s13+$0x3360] =	vst v4;
	v4 =	vld [tilespmem:s13+$0x33F0];
	v11 =	vbroadcast v5, $0x7;
	v6 =	vmul.f32 v6, v9  }
0x146: {  	[tilespmem:s13+$0x3380] =	vst v8;
	v5 =	vld [tilespmem:s13+$0x3400];
	v8 =	vbroadcast v1, $0x0;
	v9 =	vmul.f32 v10, v7  }
0x147: {  	s7 =	simm.s32 $0x480;
	v10 =	vmul.f32 v12, v11;
	v7 =	vbroadcast v1, $0x1;
	[tilespmem:s13+$0x3390] =	vst v6;
	v6 =	vld [tilespmem:s13+$0x3410]  }
.LBB2_13:
0x148: {  	p0 =	sne.s32 s7, $0xAF80;
	[tilespmem:s13+$0x33A0] =	vst v9;
	v2 =	vmul.f32 v8, v2;
	v8 =	vbroadcast v1, $0x2;
	v9 =	vld [tilespmem:s13+$0x3420]  }
0x149: {  	[tilespmem:s13+$0x33B0] =	vst v10;
	v3 =	vmul.f32 v3, v7;
	v7 =	vbroadcast v1, $0x3;
	v10 =	vld [tilespmem:s13+$0x3430]  }
0x14a: {  	s8 =	sshra.s32 s7, $0x2;
	[tilespmem:s13+$0x33D0] =	vst v2;
	v2 =	vmul.f32 v4, v8;
	v4 =	vbroadcast v1, $0x4;
	v8 =	vld [tilespmem:s13+$0x3440]  }
0x14b: {  	v11 =	vld [tilespmem:s8+$0x33C0];
	[tilespmem:s13+$0x33E0] =	vst v3;
	v3 =	vmul.f32 v5, v7;
	v5 =	vbroadcast v1, $0x5  }
0x14c: {  	v7 =	vld [tilespmem:s8+$0x3450];
	[tilespmem:s13+$0x33F0] =	vst v2;
	v2 =	vmul.f32 v6, v4;
	v4 =	vbroadcast v1, $0x6  }
0x14d: {  	v1 =	vbroadcast v1, $0x7;
	v6 =	vld [tilespmem:s8+$0x3340];
	[tilespmem:s13+$0x3400] =	vst v3;
	v3 =	vmul.f32 v9, v5  }
0x14e: {  	v5 =	vld [tilespmem:s8+$0x3350];
	[tilespmem:s13+$0x3410] =	vst v2;
	v2 =	vmul.f32 v10, v4  }
0x14f: {  	v4 =	vld [tilespmem:s8+$0x3360];
	[tilespmem:s13+$0x3420] =	vst v3;
	v10 =	vmul.f32 v8, v1  }
0x150: {  	v3 =	vbroadcast v11, $0x0;
	v8 =	vld [tilespmem:s8+$0x3370];
	[tilespmem:s13+$0x3430] =	vst v2  }
0x151: {  	v2 =	vbroadcast v11, $0x1;
	v9 =	vld [tilespmem:s8+$0x3380];
	[tilespmem:s13+$0x3440] =	vst v10;
	v1 =	vmov v7;
	s13 =	smov.u32 s8  }
0x152: {  	v3 =	vmul.f32 v3, v6;
	v6 =	vbroadcast v11, $0x2;
	v7 =	vld [tilespmem:s13+$0x3390]  }
0x153: {  	v2 =	vmul.f32 v5, v2;
	v5 =	vbroadcast v11, $0x3;
	v10 =	vld [tilespmem:s13+$0x33A0]  }
0x154: {  	[tilespmem:s13+$0x3340] =	vst v3;
	v3 =	vmul.f32 v4, v6;
	v4 =	vbroadcast v11, $0x4;
	v6 =	vld [tilespmem:s13+$0x33B0]  }
.Ltmp5:
0x155: {  	[tilespmem:s13+$0x3350] =	vst v2;
	v5 =	vmul.f32 v8, v5;
	v8 =	vbroadcast v11, $0x5;
	v2 =	vld [tilespmem:s13+$0x33D0];
	(pc) =	sbr.rel @p0 .LBB2_13-.Ltmp5, $4  }
0x156: {  	v12 =	vbroadcast v11, $0x6;
	[tilespmem:s13+$0x3360] =	vst v3;
	v9 =	vmul.f32 v9, v4;
	v3 =	vld [tilespmem:s13+$0x33E0]  }
0x157: {  	v11 =	vbroadcast v11, $0x7;
	[tilespmem:s13+$0x3370] =	vst v5;
	v7 =	vmul.f32 v7, v8;
	v4 =	vld [tilespmem:s13+$0x33F0]  }
0x158: {  	v8 =	vbroadcast v1, $0x0;
	[tilespmem:s13+$0x3380] =	vst v9;
	v9 =	vmul.f32 v10, v12;
	v5 =	vld [tilespmem:s13+$0x3400]  }
0x159: {  	s7 =	sadd.s32 $0x480, s7;
	[tilespmem:s13+$0x3390] =	vst v7;
	v10 =	vmul.f32 v6, v11;
	v7 =	vbroadcast v1, $0x1;
	v6 =	vld [tilespmem:s13+$0x3410]  }
0x15a: {  	v2 =	vmul.f32 v8, v2  }
0x15b: {  	[tilespmem:s13+$0x33A0] =	vst v9;
	v56 =	vld [tilespmem:s13+$0x3420];
	v57 =	vbroadcast v1, $0x2;
	v59 =	vbroadcast v1, $0x3  }
0x15c: {  	v60 =	vbroadcast v1, $0x4;
	v61 =	vld [tilespmem:s13+$0x3440];
	[tilespmem:s13+$0x33B0] =	vst v10;
	v3 =	vmul.f32 v3, v7  }
0x15d: {  	v58 =	vld [tilespmem:s13+$0x3430];
	v62 =	vbroadcast v1, $0x5;
	[tilespmem:s13+$0x33D0] =	vst v2;
	v2 =	vmul.f32 v4, v57  }
0x15e: {  	v63 =	vbroadcast v1, $0x6;
	[tilespmem:s13+$0x33E0] =	vst v3;
	v3 =	vmul.f32 v5, v59  }
0x15f: {  	v1 =	vbroadcast v1, $0x7;
	s10 =	sadd.s32 $0x1, s10;
	[tilespmem:s13+$0x33F0] =	vst v2;
	v2 =	vmul.f32 v6, v60  }
0x160: {  	p0 =	sne.s32 s10, $0x3E;
	[tilespmem:s13+$0x3400] =	vst v3;
	v3 =	vmul.f32 v56, v62  }
.Ltmp6:
0x161: {  	v1 =	vmul.f32 v61, v1;
	[tilespmem:s13+$0x3410] =	vst v2;
	(pc) =	sbr.rel @p0 .LBB2_6-.Ltmp6, $4  }
0x162: {  	v2 =	vmul.f32 v58, v63;
	[tilespmem:s13+$0x3420] =	vst v3  }
0x163: {  	[tilespmem:s13+$0x3440] =	vst v1  }
0x164: {  	[tilespmem:s13+$0x3430] =	vst v2  }
0x165: {  	[spmem:s3] =	stream.indirect.scatter.add.f32 [tilespmem:s26], [sflag:$0x6], $0x90, s1, s18, $0xb8;
	[tilespmem:$0x1D380] =	vst v63  }
0x166: {  	s7 =	simm.s32 $0x6  }
0x167: {  	_ =	swait.ge [sflag:s7], $0x2D00  }
0x168: {  	[sflag:s7] =	ssyncset.done $0x0  }
0x169: {  	[sflag:s7] =	ssyncadd.s32 $0xFFFFD300  }
0x16a: {  	_ =	swait.ge [sflag:s29], $0x2D00  }
0x16b: {  	[sflag:s29] =	ssyncset.done $0x0  }
0x16c: {  	[sflag:s29] =	ssyncadd.s32 $0xFFFFD300  }
0x16d: {  	_ =	swait.ge [sflag:s29], $0x500  }
0x16e: {  	[sflag:s29] =	ssyncset.done $0x0  }
0x16f: {  	[sflag:s29] =	ssyncadd.s32 $0xFFFFFB00  }
0x170: {  	v1 =	vld [tilespmem:$0x50]  }
0x171: {  	v2 =	vld [tilespmem:$0x60]  }
0x172: {  	v3 =	vld [tilespmem:$0x70]  }
0x173: {  	v4 =	vld [tilespmem:$0x80]  }
0x174: {  	v5 =	vld [tilespmem:$0x90]  }
0x175: {  	[tilespmem:$0x6540] =	vst v1  }
0x176: {  	[tilespmem:$0x6550] =	vst v2  }
0x177: {  	[tilespmem:$0x6560] =	vst v3  }
0x178: {  	[tilespmem:$0x6570] =	vst v4  }
0x179: {  	s13 =	simm.s32 $0x240;
	[tilespmem:$0x6580] =	vst v5  }
0x17a: {  	s8 =	simm.s32 $0x1C0;
	s10 =	simm.s32 $0x240;
	s7 =	simm.s32 $0x30;
	v1 =	vld [tilespmem:s13+$0xFFFFFEE0]  }
.LBB2_16:
0x17b: {  	p0 =	sne.s32 s8, $0x13C0;
	v2 =	vld [tilespmem:s7+$0x2D70];
	_ =	sdelay $0x4  }
0x17c: {  	v1 =	vadd.f32 v2, v1;
	_ =	sdelay $0x1  }
0x17d: {  	v2 =	vmul.f32 $2.000000030e-01, v1  }
0x17e: {  	vm0 =	vge.f32 v1, $0.0e+00  }
0x17f: {  	v1 =	vsel vm0, v1, v2  }
0x180: {  	v1 =	vmul.f32 $1.442695020e+00, v1;
	_ =	sdelay $0x1  }
0x181: {  	(erf) = vpow2.f32 v1;
	_ =	sdelay $0x8  }
0x182: {  	v1 =	vpop (erf)  }
0x183: {  	[tilespmem:s13+$0xFFFFFEE0] =	vst v1;
	v1 =	vld [tilespmem:s13+$0xFFFFFF70]  }
0x184: {  	v2 =	vld [tilespmem:s7+$0x2D80];
	_ =	sdelay $0x4  }
0x185: {  	v1 =	vadd.f32 v2, v1;
	_ =	sdelay $0x1  }
0x186: {  	v2 =	vmul.f32 $2.000000030e-01, v1  }
0x187: {  	vm0 =	vge.f32 v1, $0.0e+00  }
0x188: {  	v1 =	vsel vm0, v1, v2  }
0x189: {  	v1 =	vmul.f32 $1.442695020e+00, v1;
	_ =	sdelay $0x1  }
0x18a: {  	(erf) = vpow2.f32 v1;
	_ =	sdelay $0x8  }
0x18b: {  	v1 =	vpop (erf)  }
0x18c: {  	[tilespmem:s13+$0xFFFFFF70] =	vst v1;
	v1 =	vld [tilespmem:s13+$0x0]  }
0x18d: {  	v2 =	vld [tilespmem:s7+$0x2D90];
	_ =	sdelay $0x4  }
0x18e: {  	v1 =	vadd.f32 v2, v1;
	_ =	sdelay $0x1  }
0x18f: {  	v2 =	vmul.f32 $2.000000030e-01, v1  }
0x190: {  	vm0 =	vge.f32 v1, $0.0e+00  }
0x191: {  	v1 =	vsel vm0, v1, v2  }
0x192: {  	v1 =	vmul.f32 $1.442695020e+00, v1;
	_ =	sdelay $0x1  }
0x193: {  	(erf) = vpow2.f32 v1;
	_ =	sdelay $0x8  }
0x194: {  	v1 =	vpop (erf)  }
0x195: {  	[tilespmem:s13+$0x0] =	vst v1;
	v1 =	vld [tilespmem:s13+$0x90]  }
0x196: {  	v2 =	vld [tilespmem:s7+$0x2DA0];
	_ =	sdelay $0x4  }
0x197: {  	v1 =	vadd.f32 v2, v1;
	_ =	sdelay $0x1  }
0x198: {  	v2 =	vmul.f32 $2.000000030e-01, v1  }
0x199: {  	vm0 =	vge.f32 v1, $0.0e+00  }
0x19a: {  	v1 =	vsel vm0, v1, v2  }
0x19b: {  	v1 =	vmul.f32 $1.442695020e+00, v1;
	_ =	sdelay $0x1  }
0x19c: {  	(erf) = vpow2.f32 v1;
	_ =	sdelay $0x5  }
.Ltmp7:
0x19d: {  	(pc) =	sbr.rel @p0 .LBB2_16-.Ltmp7, $3  }
0x19e: {  	_ =	sdelay $0x1  }
0x19f: {  	s13 =	sadd.s32 $0x240, s13;
	v2 =	vpop (erf)  }
0x1a0: {  	s7 =	sshra.s32 s8, $0x2;
	s8 =	sadd.s32 $0x100, s8;
	v1 =	vld [tilespmem:s13+$0xFFFFFEE0];
	[tilespmem:s10+$0x90] =	vst v2;
	s10 =	smov.u32 s13  }
0x1a1: {  	v2 =	vld [tilespmem:s7+$0x2D70];
	_ =	sdelay $0x4  }
0x1a2: {  	v1 =	vadd.f32 v2, v1;
	_ =	sdelay $0x1  }
0x1a3: {  	v2 =	vmul.f32 $2.000000030e-01, v1  }
0x1a4: {  	vm0 =	vge.f32 v1, $0.0e+00  }
0x1a5: {  	v1 =	vsel vm0, v1, v2  }
0x1a6: {  	v1 =	vmul.f32 $1.442695020e+00, v1;
	_ =	sdelay $0x1  }
0x1a7: {  	(erf) = vpow2.f32 v1;
	_ =	sdelay $0x8  }
0x1a8: {  	v1 =	vpop (erf)  }
0x1a9: {  	[tilespmem:s13+$0xFFFFFEE0] =	vst v1;
	v1 =	vld [tilespmem:s13+$0xFFFFFF70]  }
0x1aa: {  	v2 =	vld [tilespmem:s7+$0x2D80];
	_ =	sdelay $0x4  }
0x1ab: {  	v1 =	vadd.f32 v2, v1;
	_ =	sdelay $0x1  }
0x1ac: {  	v2 =	vmul.f32 $2.000000030e-01, v1  }
0x1ad: {  	vm13 =	vge.f32 v1, $0.0e+00  }
0x1ae: {  	v1 =	vsel vm13, v1, v2  }
0x1af: {  	v1 =	vmul.f32 $1.442695020e+00, v1;
	_ =	sdelay $0x1  }
0x1b0: {  	(erf) = vpow2.f32 v1;
	_ =	sdelay $0x8  }
0x1b1: {  	v1 =	vpop (erf)  }
0x1b2: {  	[tilespmem:s13+$0xFFFFFF70] =	vst v1;
	v1 =	vld [tilespmem:s13+$0x0]  }
0x1b3: {  	v2 =	vld [tilespmem:s7+$0x2D90];
	_ =	sdelay $0x4  }
0x1b4: {  	v1 =	vadd.f32 v2, v1;
	_ =	sdelay $0x1  }
0x1b5: {  	v2 =	vmul.f32 $2.000000030e-01, v1  }
0x1b6: {  	vm14 =	vge.f32 v1, $0.0e+00  }
0x1b7: {  	v1 =	vsel vm14, v1, v2  }
0x1b8: {  	v1 =	vmul.f32 $1.442695020e+00, v1;
	_ =	sdelay $0x1  }
0x1b9: {  	(erf) = vpow2.f32 v1;
	_ =	sdelay $0x8  }
0x1ba: {  	v1 =	vpop (erf)  }
0x1bb: {  	[tilespmem:s13+$0x0] =	vst v1;
	v1 =	vld [tilespmem:s13+$0x90]  }
0x1bc: {  	v2 =	vld [tilespmem:s7+$0x2DA0];
	_ =	sdelay $0x4  }
0x1bd: {  	v1 =	vadd.f32 v2, v1;
	_ =	sdelay $0x1  }
0x1be: {  	v2 =	vmul.f32 $2.000000030e-01, v1  }
0x1bf: {  	vm15 =	vge.f32 v1, $0.0e+00  }
0x1c0: {  	v1 =	vsel vm15, v1, v2  }
0x1c1: {  	v1 =	vmul.f32 $1.442695020e+00, v1;
	_ =	sdelay $0x1  }
0x1c2: {  	(erf) = vpow2.f32 v1;
	_ =	sdelay $0x8  }
0x1c3: {  	v1 =	vpop (erf)  }
0x1c4: {  	[tilespmem:s10+$0x90] =	vst v1;
	s10 =	simm.s32 $0x0  }
0x1c5: {  	v5 =	vld [tilespmem:s10+$0x120];
	_ =	sdelay $0x1  }
0x1c6: {  	v2 =	vld [tilespmem:s10+$0xA0]  }
0x1c7: {  	v3 =	vld [tilespmem:s10+$0xB0]  }
0x1c8: {  	v4 =	vld [tilespmem:s10+$0xC0]  }
0x1c9: {  	v7 =	vld [tilespmem:s10+$0xD0];
	v6 =	vbroadcast v5, $0x0  }
0x1ca: {  	v1 =	vld [tilespmem:s10+$0x1B0];
	v9 =	vbroadcast v5, $0x1  }
0x1cb: {  	v8 =	vld [tilespmem:s10+$0xE0];
	v11 =	vbroadcast v5, $0x2;
	v2 =	vmul.f32 v6, v2  }
0x1cc: {  	v6 =	vld [tilespmem:s10+$0xF0];
	v3 =	vmul.f32 v3, v9;
	v9 =	vbroadcast v5, $0x3  }
0x1cd: {  	v10 =	vld [tilespmem:s10+$0x100];
	v4 =	vmul.f32 v4, v11  }
0x1ce: {  	v12 =	vld [tilespmem:s10+$0x110];
	v11 =	vbroadcast v5, $0x4;
	[tilespmem:s10+$0xA0] =	vst v2;
	v7 =	vmul.f32 v7, v9  }
0x1cf: {  	[tilespmem:s10+$0xB0] =	vst v3;
	v2 =	vld [tilespmem:s10+$0x130];
	v9 =	vbroadcast v5, $0x5  }
0x1d0: {  	v3 =	vld [tilespmem:s10+$0x140];
	v8 =	vmul.f32 v8, v11;
	[tilespmem:s10+$0xD0] =	vst v7;
	v7 =	vbroadcast v5, $0x6  }
0x1d1: {  	[tilespmem:s10+$0xC0] =	vst v4;
	v4 =	vld [tilespmem:s10+$0x150];
	v11 =	vbroadcast v5, $0x7;
	v6 =	vmul.f32 v6, v9  }
0x1d2: {  	[tilespmem:s10+$0xE0] =	vst v8;
	v5 =	vld [tilespmem:s10+$0x160];
	v8 =	vbroadcast v1, $0x0;
	v9 =	vmul.f32 v10, v7  }
0x1d3: {  	s7 =	simm.s32 $0x480;
	v10 =	vmul.f32 v12, v11;
	v7 =	vbroadcast v1, $0x1;
	[tilespmem:s10+$0xF0] =	vst v6;
	v6 =	vld [tilespmem:s10+$0x170]  }
.LBB2_18:
0x1d4: {  	p0 =	sne.s32 s7, $0xAF80;
	[tilespmem:s10+$0x100] =	vst v9;
	v2 =	vmul.f32 v8, v2;
	v8 =	vbroadcast v1, $0x2;
	v9 =	vld [tilespmem:s10+$0x180]  }
0x1d5: {  	[tilespmem:s10+$0x110] =	vst v10;
	v3 =	vmul.f32 v3, v7;
	v7 =	vbroadcast v1, $0x3;
	v10 =	vld [tilespmem:s10+$0x190]  }
0x1d6: {  	s8 =	sshra.s32 s7, $0x2;
	[tilespmem:s10+$0x130] =	vst v2;
	v2 =	vmul.f32 v4, v8;
	v4 =	vbroadcast v1, $0x4;
	v8 =	vld [tilespmem:s10+$0x1A0]  }
0x1d7: {  	v11 =	vld [tilespmem:s8+$0x120];
	[tilespmem:s10+$0x140] =	vst v3;
	v3 =	vmul.f32 v5, v7;
	v5 =	vbroadcast v1, $0x5  }
0x1d8: {  	v7 =	vld [tilespmem:s8+$0x1B0];
	[tilespmem:s10+$0x150] =	vst v2;
	v2 =	vmul.f32 v6, v4;
	v4 =	vbroadcast v1, $0x6  }
0x1d9: {  	v1 =	vbroadcast v1, $0x7;
	v6 =	vld [tilespmem:s8+$0xA0];
	[tilespmem:s10+$0x160] =	vst v3;
	v3 =	vmul.f32 v9, v5  }
0x1da: {  	v5 =	vld [tilespmem:s8+$0xB0];
	[tilespmem:s10+$0x170] =	vst v2;
	v2 =	vmul.f32 v10, v4  }
0x1db: {  	v4 =	vld [tilespmem:s8+$0xC0];
	[tilespmem:s10+$0x180] =	vst v3;
	v10 =	vmul.f32 v8, v1  }
0x1dc: {  	v3 =	vbroadcast v11, $0x0;
	v8 =	vld [tilespmem:s8+$0xD0];
	[tilespmem:s10+$0x190] =	vst v2  }
0x1dd: {  	v2 =	vbroadcast v11, $0x1;
	v9 =	vld [tilespmem:s8+$0xE0];
	[tilespmem:s10+$0x1A0] =	vst v10;
	v1 =	vmov v7;
	s10 =	smov.u32 s8  }
0x1de: {  	v3 =	vmul.f32 v3, v6;
	v6 =	vbroadcast v11, $0x2;
	v7 =	vld [tilespmem:s10+$0xF0]  }
0x1df: {  	v2 =	vmul.f32 v5, v2;
	v5 =	vbroadcast v11, $0x3;
	v10 =	vld [tilespmem:s10+$0x100]  }
0x1e0: {  	[tilespmem:s10+$0xA0] =	vst v3;
	v3 =	vmul.f32 v4, v6;
	v4 =	vbroadcast v11, $0x4;
	v6 =	vld [tilespmem:s10+$0x110]  }
.Ltmp8:
0x1e1: {  	[tilespmem:s10+$0xB0] =	vst v2;
	v5 =	vmul.f32 v8, v5;
	v8 =	vbroadcast v11, $0x5;
	v2 =	vld [tilespmem:s10+$0x130];
	(pc) =	sbr.rel @p0 .LBB2_18-.Ltmp8, $4  }
0x1e2: {  	v12 =	vbroadcast v11, $0x6;
	[tilespmem:s10+$0xC0] =	vst v3;
	v9 =	vmul.f32 v9, v4;
	v3 =	vld [tilespmem:s10+$0x140]  }
0x1e3: {  	v11 =	vbroadcast v11, $0x7;
	[tilespmem:s10+$0xD0] =	vst v5;
	v7 =	vmul.f32 v7, v8;
	v4 =	vld [tilespmem:s10+$0x150]  }
0x1e4: {  	v8 =	vbroadcast v1, $0x0;
	[tilespmem:s10+$0xE0] =	vst v9;
	v9 =	vmul.f32 v10, v12;
	v5 =	vld [tilespmem:s10+$0x160]  }
0x1e5: {  	s7 =	sadd.s32 $0x480, s7;
	[tilespmem:s10+$0xF0] =	vst v7;
	v10 =	vmul.f32 v6, v11;
	v7 =	vbroadcast v1, $0x1;
	v6 =	vld [tilespmem:s10+$0x170]  }
0x1e6: {  	v2 =	vmul.f32 v8, v2  }
0x1e7: {  	[tilespmem:s10+$0x100] =	vst v9;
	v56 =	vld [tilespmem:s10+$0x180];
	v57 =	vbroadcast v1, $0x2;
	v59 =	vbroadcast v1, $0x3  }
0x1e8: {  	v60 =	vbroadcast v1, $0x4;
	v61 =	vld [tilespmem:s10+$0x1A0];
	[tilespmem:s10+$0x110] =	vst v10;
	v3 =	vmul.f32 v3, v7  }
0x1e9: {  	v58 =	vld [tilespmem:s10+$0x190];
	v62 =	vbroadcast v1, $0x5;
	[tilespmem:s10+$0x130] =	vst v2;
	v2 =	vmul.f32 v4, v57  }
0x1ea: {  	v63 =	vbroadcast v1, $0x6;
	[tilespmem:s10+$0x140] =	vst v3;
	v3 =	vmul.f32 v5, v59  }
0x1eb: {  	v1 =	vbroadcast v1, $0x7;
	[tilespmem:s10+$0x150] =	vst v2;
	v2 =	vmul.f32 v6, v60  }
0x1ec: {  	[tilespmem:s10+$0x160] =	vst v3;
	v3 =	vmul.f32 v56, v62  }
0x1ed: {  	v1 =	vmul.f32 v61, v1;
	[tilespmem:s10+$0x170] =	vst v2  }
0x1ee: {  	v2 =	vmul.f32 v58, v63;
	[tilespmem:s10+$0x180] =	vst v3  }
0x1ef: {  	[tilespmem:s10+$0x1A0] =	vst v1  }
0x1f0: {  	[tilespmem:s10+$0x190] =	vst v2  }
0x1f1: {  	[spmem:s3] =	stream.indirect.scatter.add.f32 [tilespmem:s22], [sflag:$0x5], $0x90, s30, s18, $0xb8;
	[tilespmem:$0x1D380] =	vst v63  }
0x1f2: {  	_ =	swait.ge [sflag:s31], $0x2D00  }
0x1f3: {  	[sflag:s31] =	ssyncset.done $0x0  }
0x1f4: {  	[sflag:s31] =	ssyncadd.s32 $0xFFFFD300  }
0x1f5: {  	s7 =	stileid.u32;
	[bflag:$0x0] =	sbarrier.arrive $0xFFFF  }
0x1f6: {  	s7 =	sshll.u32 s7, $0x6;
	s8 =	rddreg [dreg:$0x8]  }
0x1f7: {  	s7 =	sor.u32 $0x1C07, s7;
	s14 =	rddreg [dreg:$0xa]  }
0x1f8: {  	[hbm:s8], [sflag:s7] =	dma.local [spmem:s14], $0x2BF2  }
0x1f9: {  	_ =	swait.ge [sflag:s17], $0x2BF2  }
0x1fa: {  	s9 =	sadd.s32 $0x1, s9;
	s25 =	rddreg [dreg:$0x9]  }
0x1fb: {  	p0 =	sne.s32 s9, s25  }
.Ltmp9:
0x1fc: {  	_ = 	snop;
	(pc) =	sbr.rel @p0 .LBB2_1-.Ltmp9, $3  }
0x1fd: {  	_ =	sdelay $0x1  }
0x1fe: {  	[sflag:s17] =	ssyncset.done $0x0  }
0x1ff: {  	[sflag:s17] =	ssyncadd.s32 $0xFFFFD40E  }
0x200: {  	_ =	sfence.sel $0x180000  }
0x201: {  	[bflag:$0x0] =	sbarrier.arrive $0xFFFF  }
0x202: {  	_ =	strace $0x90000047  }
0x203: {  	s0 =	stileid.u32;
	[bflag:$0x2] =	sbarrier.arrive $0xFFFF  }
0x204: {  	p0 =	sne.s32 s0, $0x0;
	s0 =	rddreg [dreg:$0x3]  }
0x205: {  	s0 =	sadd.s32 @!p0 $0x100000, s0  }
0x206: {  	[sflag:s0] =	ssyncadd.tile.s32 @!p0 $0x1;
	_ =	shalt  }
.Lfunc_end2:
_tile_overlayer_lowered:
.L_overlay_start_2:
0x207: {  	(tag) =	ssettag $0x2  }
0x208: {  	s0 =	rddreg [dreg:$0x0];
	s2 =	stileid.u32  }
0x209: {  	s1 =	rddreg [dreg:$0x1];
	p0 =	sne.s32 s2, $0x0  }
0x20a: {  	s3 =	rddreg [dreg:$0x2];
	[bflag:$0x3] =	sbarrier.arrive $0xFFFF;
	s2 =	simm.s32 @!p0 $0x1C07  }
0x20b: {  	[timem:s3], [sflag:s2] =	dma.local @!p0 [hbm:s0], s1  }
0x20c: {  	s0 =	simm.s32 @!p0 $0x7  }
0x20d: {  	_ =	swait.ge @!p0 [sflag:s0], s1  }
0x20e: {  	s1 =	ssub.s32 @!p0 $0x0, s1;
	[sflag:s0] =	ssyncset.done @!p0 $0x0  }
0x20f: {  	[sflag:s0] =	ssyncadd.s32 @!p0 s1  }
0x210: {  	[bflag:$0x3] =	sbarrier.arrive $0xFFFF  }
0x211: {  	_ =	shalt  }

</sc_bundles>
